<compile_context>
chip_gen: v7x
topology: tpu7x:2x2x1
jax: 0.10.2.dev20260603
libtpu: 0.0.44.dev20260713+nightly
codegen_flags: <defaults>
</compile_context>

<pallas_src>
import functools

import jax
import jax.numpy as jnp
from jax import lax
from jax.experimental import pallas as pl
from jax.experimental.pallas import tpu as pltpu
from jax.experimental.pallas import tpu_sc as plsc

L = 16
ROWS = 128
N = 32768
NV = N // L
RANK = 513
NWORKERS = 32
ROWS_PER_W = ROWS // NWORKERS
HIST = 256
HSTRIDE = 257
MIN_I32 = -2147483648
SUF0 = 0
TOT0 = 288
SCRATCH = 576


def _select_digit(hist_ref, scr_ref, lane, r):
    zeros = jnp.zeros((L,), jnp.int32)
    r_v = jnp.full((L,), r, jnp.int32)

    @plsc.parallel_loop(0, 16, unroll=2)
    def chunk(c):
        tot = jnp.zeros((L,), jnp.int32)
        for l in range(16):
            tot = tot + hist_ref[pl.ds(l * HSTRIDE + c * L, L)]
            hist_ref[pl.ds(l * HSTRIDE + c * L, L)] = zeros
        suf = lax.rev(jnp.cumsum(lax.rev(tot, (0,))), (0,))
        scr_ref[pl.ds(SUF0 + c * 17, L)] = suf
        scr_ref[pl.ds(TOT0 + c * 17, L)] = tot

    tr = lane * 17
    ctot_v = plsc.load_gather(scr_ref, [tr + SUF0])
    carry_v = lax.rev(jnp.cumsum(lax.rev(ctot_v, (0,))), (0,)) - ctot_v

    def ph3(l, acc):
        cnt_v, tota_v, keep_v = acc
        suf_t = plsc.load_gather(scr_ref, [tr + (SUF0 + l)])
        tot_t = plsc.load_gather(scr_ref, [tr + (TOT0 + l)])
        m = (suf_t + carry_v) >= r_v
        cnt_v = cnt_v + plsc.all_reduce_population_count(m)
        keep_v = keep_v + jnp.where(m, tot_t, 0)
        tota_v = tota_v + tot_t
        return (cnt_v, tota_v, keep_v)

    z = jnp.zeros((L,), jnp.int32)
    cnt_v, tota_v, keep_v = lax.fori_loop(0, 16, ph3, (z, z, z))
    bstar = jnp.max(cnt_v) - 1
    cab = jnp.sum(tota_v - keep_v)
    return bstar, cab


def _body(in_hbm, out_hbm, x2_v, c_v, hist_v, scr_v, si, so):
    cid = lax.axis_index("c")
    sid = lax.axis_index("s")
    wid = sid * 2 + cid
    lane = lax.iota(jnp.int32, L)
    lane_off = lane * HSTRIDE
    ones = jnp.ones((L,), jnp.int32)
    zeros = jnp.zeros((L,), jnp.int32)
    sign_v = jnp.full((L,), MIN_I32, jnp.int32)
    row0 = wid * ROWS_PER_W

    @plsc.parallel_loop(0, HSTRIDE * 16 // L, unroll=8)
    def zero_hist(j):
        hist_v[pl.ds(j * L, L)] = zeros

    def mono(x):
        v = plsc.bitcast(x, jnp.int32)
        s = lax.shift_right_arithmetic(v, 31)
        return lax.bitwise_xor(v, lax.bitwise_or(s, sign_v))

    def do_row(i, _):
        row = row0 + i
        x_v = x2_v.at[pl.ds((i & 1) * N, N)]
        pltpu.make_async_copy(in_hbm.at[row], x_v, si).wait()

        @plsc.parallel_loop(0, NV, unroll=16)
        def p3(j):
            u = mono(x_v[pl.ds(j * L, L)])
            d = lax.shift_right_logical(u, 24)
            plsc.addupdate_scatter(hist_v, [lane_off + d], ones)

        b, cab = _select_digit(hist_v, scr_v, lane, jnp.int32(RANK))
        prefix = b
        r = jnp.int32(RANK) - cab

        other_v = x2_v.at[pl.ds(((i & 1) ^ 1) * N, N)]

        @pl.when(i > 0)
        def _():
            pltpu.make_async_copy(other_v, out_hbm.at[row - 1], so).wait()

        @pl.when(i < ROWS_PER_W - 1)
        def _():
            pltpu.make_async_copy(in_hbm.at[row + 1], other_v, si).start()

        neg = prefix < 128
        p3raw_v = jnp.full((L,), jnp.where(neg, 255 - prefix, prefix - 128),
                           jnp.int32)
        flip_v = jnp.full((L,), jnp.where(neg, jnp.int32(255), jnp.int32(0)),
                          jnp.int32)

        @plsc.parallel_loop(0, NV, unroll=8,
                            carry=jnp.full((L,), -1, jnp.int32))
        def p2(j, off_v):
            v = plsc.bitcast(x_v[pl.ds(j * L, L)], jnp.int32)
            match = lax.shift_right_logical(v, 24) == p3raw_v
            d = lax.bitwise_xor(
                lax.bitwise_and(lax.shift_right_logical(v, 16), 255), flip_v)
            plsc.addupdate_scatter(hist_v, [lane_off + d], ones, mask=match)
            mi = match.astype(jnp.int32)
            pos = off_v + jnp.cumsum(mi)
            plsc.store_scatter(c_v, [pos], v, mask=match)
            return off_v + plsc.all_reduce_population_count(match)

        cnt_v = p2 + ones
        b, cab = _select_digit(hist_v, scr_v, lane, r)
        prefix = lax.shift_left(prefix, 8) | b
        r = r - cab
        nv2 = (jnp.max(cnt_v) + (L - 1)) >> 4

        pref2_v = jnp.full(
            (L,), prefix ^ jnp.where(neg, jnp.int32(0xFFFF),
                                     jnp.int32(0x8000)), jnp.int32)

        @plsc.parallel_loop(0, nv2, unroll=4)
        def p1(j):
            v = c_v[pl.ds(j * L, L)]
            valid = (j * L + lane) < cnt_v
            match = jnp.logical_and(
                lax.shift_right_logical(v, 16) == pref2_v, valid)
            d = lax.bitwise_xor(
                lax.bitwise_and(lax.shift_right_logical(v, 8), 255), flip_v)
            plsc.addupdate_scatter(hist_v, [lane_off + d], ones, mask=match)

        b, cab = _select_digit(hist_v, scr_v, lane, r)
        prefix = lax.shift_left(prefix, 8) | b
        r = r - cab

        pref1_v = jnp.full(
            (L,), prefix ^ jnp.where(neg, jnp.int32(0xFFFFFF),
                                     jnp.int32(0x800000)), jnp.int32)

        @plsc.parallel_loop(0, nv2, unroll=4)
        def p0(j):
            v = c_v[pl.ds(j * L, L)]
            valid = (j * L + lane) < cnt_v
            match = jnp.logical_and(
                lax.shift_right_logical(v, 8) == pref1_v, valid)
            d = lax.bitwise_xor(lax.bitwise_and(v, 255), flip_v)
            plsc.addupdate_scatter(hist_v, [lane_off + d], ones, mask=match)

        b, _cab = _select_digit(hist_v, scr_v, lane, r)
        prefix = lax.shift_left(prefix, 8) | b

        ut_v = jnp.full((L,), prefix, jnp.int32)
        xmask = lax.bitwise_or(
            lax.bitwise_not(lax.shift_right_arithmetic(ut_v, 31)), sign_v)
        t_v = plsc.bitcast(lax.bitwise_xor(ut_v, xmask), jnp.float32)

        @plsc.parallel_loop(0, NV, unroll=16)
        def mbody(j):
            x = x_v[pl.ds(j * L, L)]
            x_v[pl.ds(j * L, L)] = jnp.where(x > t_v, x, 0.0)

        pltpu.make_async_copy(x_v, out_hbm.at[row], so).start()
        return 0

    pltpu.make_async_copy(in_hbm.at[row0], x2_v.at[pl.ds(0, N)], si).start()
    lax.fori_loop(0, ROWS_PER_W, do_row, 0)
    last = ROWS_PER_W - 1
    pltpu.make_async_copy(
        x2_v.at[pl.ds((last & 1) * N, N)],
        out_hbm.at[row0 + last], so).wait()


@jax.jit
def _ksparse(inputs):
    mesh = plsc.VectorSubcoreMesh(core_axis_name="c", subcore_axis_name="s")
    f = functools.partial(
        pl.kernel,
        mesh=mesh,
        out_type=jax.ShapeDtypeStruct((ROWS, N), jnp.float32),
        compiler_params=pltpu.CompilerParams(needs_layout_passes=False),
        scratch_types=[
            pltpu.VMEM((2 * N,), jnp.float32),
            pltpu.VMEM((N,), jnp.int32),
            pltpu.VMEM((16 * HSTRIDE,), jnp.int32),
            pltpu.VMEM((SCRATCH,), jnp.int32),
            pltpu.SemaphoreType.DMA,
            pltpu.SemaphoreType.DMA,
        ],
    )(_body)
    return f(inputs)


def kernel(inputs):
    return _ksparse(inputs)

# --- scband reference (transcript-rebuilt; emitter-appended) ---
"""Pipeline reference for scband-ksparse-45157286150621 (READ-ONLY COPY).

The authoritative reference and input builder live on the scoring server;
editing this copy changes nothing except your own understanding.
"""

import jax, jax.numpy as jnp
import numpy as np

K_SPARSITY = 512  # sparsity_levels[0]

def setup_inputs(seed: int = 0) -> dict:
    key = jax.random.key(seed)
    inputs = jax.random.normal(key, (128, 32768), dtype=jnp.float32)
    return {"inputs": inputs}

def reference(inputs):
    # Faithful translation of KSparse.call in the training phase:
    #   kth_smallest = sort(inputs)[..., N-1-k]
    #   out = inputs * cast(inputs > kth_smallest[:, None])
    k = K_SPARSITY
    n = inputs.shape[-1]
    sorted_vals = jnp.sort(inputs, axis=-1)  # ascending
    kth_smallest = sorted_vals[..., n - 1 - k]  # (k+1)-th largest per row
    mask = (inputs > kth_smallest[:, None]).astype(jnp.float32)
    return inputs * mask

if __name__ == "__main__":
    import jax
    _d = setup_inputs()
    print(jax.jit(kernel)(*tuple(_d.values())))

</pallas_src>

<mosaic_0001>
#map = affine_map<(d0, d1) -> (0, 0)>
module attributes {stable_mosaic.version = 14 : i64} {
  func.func @_body(%arg0: i32, %arg1: i32, %arg2: memref<128x32768xf32, #tpu.memory_space<hbm>>, %arg3: memref<128x32768xf32, #tpu.memory_space<hbm>>, %arg4: memref<65536xf32, #tpu.memory_space<vmem>>, %arg5: memref<32768xi32, #tpu.memory_space<vmem>>, %arg6: memref<4112xi32, #tpu.memory_space<vmem>>, %arg7: memref<576xi32, #tpu.memory_space<vmem>>, %arg8: memref<!tpu.dma_semaphore, #tpu.memory_space<semaphore_mem>>, %arg9: memref<!tpu.dma_semaphore, #tpu.memory_space<semaphore_mem>>) attributes {dimension_semantics = [#tpu.dimension_semantics<core_parallel>, #tpu.dimension_semantics<subcore_parallel>], iteration_bounds = array<i64: 2, 16>, scalar_prefetch = 0 : i64, scratch_operands = 6 : i64, tpu.core_type = #tpu.core_type<sc_vector_subcore>, window_params = [{transform_indices = #map}, {transform_indices = #map}]} {
    %mul3A = arith.constant 2 : i32
    %mul3A_0 = arith.muli %arg1, %mul3A : i32
    %add3A = arith.addi %mul3A_0, %arg0 : i32
    %iota3A = tpu.iota {dimensions = array<i32: 0>} : vector<16xi32>
    %mul3A_1 = arith.constant 257 : i32
    %mul3A_2 = vector.broadcast %mul3A_1 : i32 to vector<16xi32>
    %mul3A_3 = arith.muli %iota3A, %mul3A_2 : vector<16xi32>
    %broadcast_in_dim3A = arith.constant 1 : i32
    %broadcast_in_dim3A_4 = vector.broadcast %broadcast_in_dim3A : i32 to vector<16xi32>
    %broadcast_in_dim3A_5 = arith.constant 0 : i32
    %broadcast_in_dim3A_6 = vector.broadcast %broadcast_in_dim3A_5 : i32 to vector<16xi32>
    %broadcast_in_dim3A_7 = arith.constant -2147483648 : i32
    %broadcast_in_dim3A_8 = vector.broadcast %broadcast_in_dim3A_7 : i32 to vector<16xi32>
    %mul3A_9 = arith.constant 4 : i32
    %mul3A_10 = arith.muli %add3A, %mul3A_9 : i32
    %parallel_loop3A = arith.constant 0 : i32
    %parallel_loop3A_11 = arith.constant 257 : i32
    %parallel_loop3A_12 = arith.constant 1 : i32
    scf.for %parallel_loop3A_39 = %parallel_loop3A to %parallel_loop3A_11 step %parallel_loop3A_12  : i32 {
      %parallel_loop3A_40 = arith.constant 16 : i32
      %parallel_loop3A_41 = arith.muli %parallel_loop3A_39, %parallel_loop3A_40 : i32
      %parallel_loop3A_42 = arith.index_cast %parallel_loop3A_41 : i32 to index
      %parallel_loop3A_43 = tpu.vector_load %arg6[%parallel_loop3A_42] {strides = array<i32>} : memref<4112xi32, #tpu.memory_space<vmem>>, vector<16xi32>,
      tpu.vector_store %arg6[%parallel_loop3A_42], %broadcast_in_dim3A_6 {strides = array<i32>} : memref<4112xi32, #tpu.memory_space<vmem>>, vector<16xi32>,
    } {sc.loop_unroll_factor = 8 : i64, sc.parallel_access}
    %dma_start3A = arith.constant 0 : i32
    %dma_start3A_13 = tpu.memref_slice %arg4[%dma_start3A] : memref<65536xf32, #tpu.memory_space<vmem>> -> memref<32768xf32, #tpu.memory_space<vmem>>
    %dma_start3A_14 = arith.constant 0 : i32
    %dma_start3A_15 = tpu.memref_slice %arg2[%mul3A_10, %dma_start3A_14] : memref<128x32768xf32, #tpu.memory_space<hbm>> -> memref<1x32768xf32, #tpu.memory_space<hbm>>
    %dma_start3A_16 = tpu.memref_squeeze %dma_start3A_15 : memref<1x32768xf32, #tpu.memory_space<hbm>> -> memref<32768xf32, #tpu.memory_space<hbm>>
    %dma_start3A_17 = arith.constant 0 : i32
    %dma_start3A_18 = tpu.memref_slice %arg4[%dma_start3A_17] : memref<65536xf32, #tpu.memory_space<vmem>> -> memref<32768xf32, #tpu.memory_space<vmem>>
    %dma_start3A_19 = arith.constant 0 : i32
    %dma_start3A_20 = tpu.memref_slice %arg2[%mul3A_10, %dma_start3A_19] : memref<128x32768xf32, #tpu.memory_space<hbm>> -> memref<1x32768xf32, #tpu.memory_space<hbm>>
    %dma_start3A_21 = tpu.memref_squeeze %dma_start3A_20 : memref<1x32768xf32, #tpu.memory_space<hbm>> -> memref<32768xf32, #tpu.memory_space<hbm>>
    tpu.enqueue_dma source(%dma_start3A_21 : memref<32768xf32, #tpu.memory_space<hbm>>) target(%dma_start3A_18 : memref<32768xf32, #tpu.memory_space<vmem>>) target_semaphore(%arg8 : memref<!tpu.dma_semaphore, #tpu.memory_space<semaphore_mem>>)
    %scan3A = arith.constant 0 : i32
    %scan3A_22 = arith.constant 0 : i32
    %scan3A_23 = arith.constant 4 : i32
    %scan3A_24 = arith.addi %scan3A_22, %scan3A_23 : i32
    %scan3A_25 = arith.constant 1 : i32
    %scan3A_26 = scf.for %scan3A_39 = %scan3A_22 to %scan3A_24 step %scan3A_25 iter_args(%scan3A_40 = %scan3A) -> (i32)  : i32 {
      %add3A_41 = arith.addi %mul3A_10, %scan3A_39 : i32
      %and3A = arith.constant 1 : i32
      %and3A_42 = arith.andi %scan3A_39, %and3A : i32
      %mul3A_43 = arith.constant 32768 : i32
      %mul3A_44 = arith.muli %and3A_42, %mul3A_43 : i32
      %dma_wait3A_45 = tpu.memref_slice %arg4[%mul3A_44] : memref<65536xf32, #tpu.memory_space<vmem>> -> memref<32768xf32, #tpu.memory_space<vmem>>
      %dma_wait3A_46 = arith.constant 0 : i32
      %dma_wait3A_47 = tpu.memref_slice %arg2[%add3A_41, %dma_wait3A_46] : memref<128x32768xf32, #tpu.memory_space<hbm>> -> memref<1x32768xf32, #tpu.memory_space<hbm>>
      %dma_wait3A_48 = tpu.memref_squeeze %dma_wait3A_47 : memref<1x32768xf32, #tpu.memory_space<hbm>> -> memref<32768xf32, #tpu.memory_space<hbm>>
      %dma_wait3A_49 = tpu.memref_slice %arg4[%mul3A_44] : memref<65536xf32, #tpu.memory_space<vmem>> -> memref<32768xf32, #tpu.memory_space<vmem>>
      %dma_wait3A_50 = arith.constant 0 : i32
      %dma_wait3A_51 = tpu.memref_slice %arg2[%add3A_41, %dma_wait3A_50] : memref<128x32768xf32, #tpu.memory_space<hbm>> -> memref<1x32768xf32, #tpu.memory_space<hbm>>
      %dma_wait3A_52 = tpu.memref_squeeze %dma_wait3A_51 : memref<1x32768xf32, #tpu.memory_space<hbm>> -> memref<32768xf32, #tpu.memory_space<hbm>>
      tpu.wait_dma2 semaphore(%arg8 : memref<!tpu.dma_semaphore, #tpu.memory_space<semaphore_mem>>) src(%dma_wait3A_52 : memref<32768xf32, #tpu.memory_space<hbm>>) dst(%dma_wait3A_49 : memref<32768xf32, #tpu.memory_space<vmem>>)
      %parallel_loop3A_53 = arith.constant 0 : i32
      %parallel_loop3A_54 = arith.constant 2048 : i32
      %parallel_loop3A_55 = arith.constant 1 : i32
      scf.for %parallel_loop3A_334 = %parallel_loop3A_53 to %parallel_loop3A_54 step %parallel_loop3A_55  : i32 {
        %parallel_loop3A_335 = arith.constant 16 : i32
        %parallel_loop3A_336 = arith.muli %parallel_loop3A_334, %parallel_loop3A_335 : i32
        %parallel_loop3A_337 = tpu.memref_slice %arg4[%mul3A_44] : memref<65536xf32, #tpu.memory_space<vmem>> -> memref<32768xf32, #tpu.memory_space<vmem>>
        %parallel_loop3A_338 = arith.index_cast %parallel_loop3A_336 : i32 to index
        %parallel_loop3A_339 = tpu.vector_load %parallel_loop3A_337[%parallel_loop3A_338] {strides = array<i32>} : memref<32768xf32, #tpu.memory_space<vmem>>, vector<16xf32>,
        %parallel_loop3A_340 = vector.bitcast %parallel_loop3A_339 : vector<16xf32> to vector<16xi32>
        %parallel_loop3A_341 = arith.constant 31 : i32
        %parallel_loop3A_342 = vector.broadcast %parallel_loop3A_341 : i32 to vector<16xi32>
        %parallel_loop3A_343 = arith.shrsi %parallel_loop3A_340, %parallel_loop3A_342 : vector<16xi32>
        %parallel_loop3A_344 = arith.ori %parallel_loop3A_343, %broadcast_in_dim3A_8 : vector<16xi32>
        %parallel_loop3A_345 = arith.xori %parallel_loop3A_340, %parallel_loop3A_344 : vector<16xi32>
        %parallel_loop3A_346 = arith.constant 24 : i32
        %parallel_loop3A_347 = vector.broadcast %parallel_loop3A_346 : i32 to vector<16xi32>
        %parallel_loop3A_348 = arith.shrui %parallel_loop3A_345, %parallel_loop3A_347 : vector<16xi32>
        %parallel_loop3A_349 = arith.addi %mul3A_3, %parallel_loop3A_348 : vector<16xi32>
        tpu.vector_store_idx %arg6[%parallel_loop3A_349], %broadcast_in_dim3A_4 {add = true} : memref<4112xi32, #tpu.memory_space<vmem>>[vector<16xi32>], vector<16xi32>,
      } {sc.loop_unroll_factor = 16 : i64, sc.parallel_access}
      %broadcast_in_dim3A_56 = arith.constant 0 : i32
      %broadcast_in_dim3A_57 = vector.broadcast %broadcast_in_dim3A_56 : i32 to vector<16xi32>
      %broadcast_in_dim3A_58 = arith.constant 513 : i32
      %broadcast_in_dim3A_59 = vector.broadcast %broadcast_in_dim3A_58 : i32 to vector<16xi32>
      %parallel_loop3A_60 = arith.constant 0 : i32
      %parallel_loop3A_61 = arith.constant 16 : i32
      %parallel_loop3A_62 = arith.constant 1 : i32
      scf.for %parallel_loop3A_334 = %parallel_loop3A_60 to %parallel_loop3A_61 step %parallel_loop3A_62  : i32 {
        %parallel_loop3A_335 = arith.constant 0 : i32
        %parallel_loop3A_336 = vector.broadcast %parallel_loop3A_335 : i32 to vector<16xi32>
        %parallel_loop3A_337 = arith.constant 16 : i32
        %parallel_loop3A_338 = arith.muli %parallel_loop3A_334, %parallel_loop3A_337 : i32
        %parallel_loop3A_339 = arith.constant 0 : i32
        %parallel_loop3A_340 = arith.addi %parallel_loop3A_339, %parallel_loop3A_338 : i32
        %parallel_loop3A_341 = arith.index_cast %parallel_loop3A_340 : i32 to index
        %parallel_loop3A_342 = tpu.vector_load %arg6[%parallel_loop3A_341] {strides = array<i32>} : memref<4112xi32, #tpu.memory_space<vmem>>, vector<16xi32>,
        %parallel_loop3A_343 = arith.addi %parallel_loop3A_336, %parallel_loop3A_342 : vector<16xi32>
        %parallel_loop3A_344 = arith.constant 16 : i32
        %parallel_loop3A_345 = arith.muli %parallel_loop3A_334, %parallel_loop3A_344 : i32
        %parallel_loop3A_346 = arith.constant 0 : i32
        %parallel_loop3A_347 = arith.addi %parallel_loop3A_346, %parallel_loop3A_345 : i32
        %parallel_loop3A_348 = arith.index_cast %parallel_loop3A_347 : i32 to index
        %parallel_loop3A_349 = tpu.vector_load %arg6[%parallel_loop3A_348] {strides = array<i32>} : memref<4112xi32, #tpu.memory_space<vmem>>, vector<16xi32>,
        tpu.vector_store %arg6[%parallel_loop3A_348], %broadcast_in_dim3A_57 {strides = array<i32>} : memref<4112xi32, #tpu.memory_space<vmem>>, vector<16xi32>,
        %parallel_loop3A_350 = arith.constant 16 : i32
        %parallel_loop3A_351 = arith.muli %parallel_loop3A_334, %parallel_loop3A_350 : i32
        %parallel_loop3A_352 = arith.constant 257 : i32
        %parallel_loop3A_353 = arith.addi %parallel_loop3A_352, %parallel_loop3A_351 : i32
        %parallel_loop3A_354 = arith.index_cast %parallel_loop3A_353 : i32 to index
        %parallel_loop3A_355 = tpu.vector_load %arg6[%parallel_loop3A_354] {strides = array<i32>} : memref<4112xi32, #tpu.memory_space<vmem>>, vector<16xi32>,
        %parallel_loop3A_356 = arith.addi %parallel_loop3A_343, %parallel_loop3A_355 : vector<16xi32>
        %parallel_loop3A_357 = arith.constant 16 : i32
        %parallel_loop3A_358 = arith.muli %parallel_loop3A_334, %parallel_loop3A_357 : i32
        %parallel_loop3A_359 = arith.constant 257 : i32
        %parallel_loop3A_360 = arith.addi %parallel_loop3A_359, %parallel_loop3A_358 : i32
        %parallel_loop3A_361 = arith.index_cast %parallel_loop3A_360 : i32 to index
        %parallel_loop3A_362 = tpu.vector_load %arg6[%parallel_loop3A_361] {strides = array<i32>} : memref<4112xi32, #tpu.memory_space<vmem>>, vector<16xi32>,
        tpu.vector_store %arg6[%parallel_loop3A_361], %broadcast_in_dim3A_57 {strides = array<i32>} : memref<4112xi32, #tpu.memory_space<vmem>>, vector<16xi32>,
        %parallel_loop3A_363 = arith.constant 16 : i32
        %parallel_loop3A_364 = arith.muli %parallel_loop3A_334, %parallel_loop3A_363 : i32
        %parallel_loop3A_365 = arith.constant 514 : i32
        %parallel_loop3A_366 = arith.addi %parallel_loop3A_365, %parallel_loop3A_364 : i32
        %parallel_loop3A_367 = arith.index_cast %parallel_loop3A_366 : i32 to index
        %parallel_loop3A_368 = tpu.vector_load %arg6[%parallel_loop3A_367] {strides = array<i32>} : memref<4112xi32, #tpu.memory_space<vmem>>, vector<16xi32>,
        %parallel_loop3A_369 = arith.addi %parallel_loop3A_356, %parallel_loop3A_368 : vector<16xi32>
        %parallel_loop3A_370 = arith.constant 16 : i32
        %parallel_loop3A_371 = arith.muli %parallel_loop3A_334, %parallel_loop3A_370 : i32
        %parallel_loop3A_372 = arith.constant 514 : i32
        %parallel_loop3A_373 = arith.addi %parallel_loop3A_372, %parallel_loop3A_371 : i32
        %parallel_loop3A_374 = arith.index_cast %parallel_loop3A_373 : i32 to index
        %parallel_loop3A_375 = tpu.vector_load %arg6[%parallel_loop3A_374] {strides = array<i32>} : memref<4112xi32, #tpu.memory_space<vmem>>, vector<16xi32>,
        tpu.vector_store %arg6[%parallel_loop3A_374], %broadcast_in_dim3A_57 {strides = array<i32>} : memref<4112xi32, #tpu.memory_space<vmem>>, vector<16xi32>,
        %parallel_loop3A_376 = arith.constant 16 : i32
        %parallel_loop3A_377 = arith.muli %parallel_loop3A_334, %parallel_loop3A_376 : i32
        %parallel_loop3A_378 = arith.constant 771 : i32
        %parallel_loop3A_379 = arith.addi %parallel_loop3A_378, %parallel_loop3A_377 : i32
        %parallel_loop3A_380 = arith.index_cast %parallel_loop3A_379 : i32 to index
        %parallel_loop3A_381 = tpu.vector_load %arg6[%parallel_loop3A_380] {strides = array<i32>} : memref<4112xi32, #tpu.memory_space<vmem>>, vector<16xi32>,
        %parallel_loop3A_382 = arith.addi %parallel_loop3A_369, %parallel_loop3A_381 : vector<16xi32>
        %parallel_loop3A_383 = arith.constant 16 : i32
        %parallel_loop3A_384 = arith.muli %parallel_loop3A_334, %parallel_loop3A_383 : i32
        %parallel_loop3A_385 = arith.constant 771 : i32
        %parallel_loop3A_386 = arith.addi %parallel_loop3A_385, %parallel_loop3A_384 : i32
        %parallel_loop3A_387 = arith.index_cast %parallel_loop3A_386 : i32 to index
        %parallel_loop3A_388 = tpu.vector_load %arg6[%parallel_loop3A_387] {strides = array<i32>} : memref<4112xi32, #tpu.memory_space<vmem>>, vector<16xi32>,
        tpu.vector_store %arg6[%parallel_loop3A_387], %broadcast_in_dim3A_57 {strides = array<i32>} : memref<4112xi32, #tpu.memory_space<vmem>>, vector<16xi32>,
        %parallel_loop3A_389 = arith.constant 16 : i32
        %parallel_loop3A_390 = arith.muli %parallel_loop3A_334, %parallel_loop3A_389 : i32
        %parallel_loop3A_391 = arith.constant 1028 : i32
        %parallel_loop3A_392 = arith.addi %parallel_loop3A_391, %parallel_loop3A_390 : i32
        %parallel_loop3A_393 = arith.index_cast %parallel_loop3A_392 : i32 to index
        %parallel_loop3A_394 = tpu.vector_load %arg6[%parallel_loop3A_393] {strides = array<i32>} : memref<4112xi32, #tpu.memory_space<vmem>>, vector<16xi32>,
        %parallel_loop3A_395 = arith.addi %parallel_loop3A_382, %parallel_loop3A_394 : vector<16xi32>
        %parallel_loop3A_396 = arith.constant 16 : i32
        %parallel_loop3A_397 = arith.muli %parallel_loop3A_334, %parallel_loop3A_396 : i32
        %parallel_loop3A_398 = arith.constant 1028 : i32
        %parallel_loop3A_399 = arith.addi %parallel_loop3A_398, %parallel_loop3A_397 : i32
        %parallel_loop3A_400 = arith.index_cast %parallel_loop3A_399 : i32 to index
        %parallel_loop3A_401 = tpu.vector_load %arg6[%parallel_loop3A_400] {strides = array<i32>} : memref<4112xi32, #tpu.memory_space<vmem>>, vector<16xi32>,
        tpu.vector_store %arg6[%parallel_loop3A_400], %broadcast_in_dim3A_57 {strides = array<i32>} : memref<4112xi32, #tpu.memory_space<vmem>>, vector<16xi32>,
        %parallel_loop3A_402 = arith.constant 16 : i32
        %parallel_loop3A_403 = arith.muli %parallel_loop3A_334, %parallel_loop3A_402 : i32
        %parallel_loop3A_404 = arith.constant 1285 : i32
        %parallel_loop3A_405 = arith.addi %parallel_loop3A_404, %parallel_loop3A_403 : i32
        %parallel_loop3A_406 = arith.index_cast %parallel_loop3A_405 : i32 to index
        %parallel_loop3A_407 = tpu.vector_load %arg6[%parallel_loop3A_406] {strides = array<i32>} : memref<4112xi32, #tpu.memory_space<vmem>>, vector<16xi32>,
        %parallel_loop3A_408 = arith.addi %parallel_loop3A_395, %parallel_loop3A_407 : vector<16xi32>
        %parallel_loop3A_409 = arith.constant 16 : i32
        %parallel_loop3A_410 = arith.muli %parallel_loop3A_334, %parallel_loop3A_409 : i32
        %parallel_loop3A_411 = arith.constant 1285 : i32
        %parallel_loop3A_412 = arith.addi %parallel_loop3A_411, %parallel_loop3A_410 : i32
        %parallel_loop3A_413 = arith.index_cast %parallel_loop3A_412 : i32 to index
        %parallel_loop3A_414 = tpu.vector_load %arg6[%parallel_loop3A_413] {strides = array<i32>} : memref<4112xi32, #tpu.memory_space<vmem>>, vector<16xi32>,
        tpu.vector_store %arg6[%parallel_loop3A_413], %broadcast_in_dim3A_57 {strides = array<i32>} : memref<4112xi32, #tpu.memory_space<vmem>>, vector<16xi32>,
        %parallel_loop3A_415 = arith.constant 16 : i32
        %parallel_loop3A_416 = arith.muli %parallel_loop3A_334, %parallel_loop3A_415 : i32
        %parallel_loop3A_417 = arith.constant 1542 : i32
        %parallel_loop3A_418 = arith.addi %parallel_loop3A_417, %parallel_loop3A_416 : i32
        %parallel_loop3A_419 = arith.index_cast %parallel_loop3A_418 : i32 to index
        %parallel_loop3A_420 = tpu.vector_load %arg6[%parallel_loop3A_419] {strides = array<i32>} : memref<4112xi32, #tpu.memory_space<vmem>>, vector<16xi32>,
        %parallel_loop3A_421 = arith.addi %parallel_loop3A_408, %parallel_loop3A_420 : vector<16xi32>
        %parallel_loop3A_422 = arith.constant 16 : i32
        %parallel_loop3A_423 = arith.muli %parallel_loop3A_334, %parallel_loop3A_422 : i32
        %parallel_loop3A_424 = arith.constant 1542 : i32
        %parallel_loop3A_425 = arith.addi %parallel_loop3A_424, %parallel_loop3A_423 : i32
        %parallel_loop3A_426 = arith.index_cast %parallel_loop3A_425 : i32 to index
        %parallel_loop3A_427 = tpu.vector_load %arg6[%parallel_loop3A_426] {strides = array<i32>} : memref<4112xi32, #tpu.memory_space<vmem>>, vector<16xi32>,
        tpu.vector_store %arg6[%parallel_loop3A_426], %broadcast_in_dim3A_57 {strides = array<i32>} : memref<4112xi32, #tpu.memory_space<vmem>>, vector<16xi32>,
        %parallel_loop3A_428 = arith.constant 16 : i32
        %parallel_loop3A_429 = arith.muli %parallel_loop3A_334, %parallel_loop3A_428 : i32
        %parallel_loop3A_430 = arith.constant 1799 : i32
        %parallel_loop3A_431 = arith.addi %parallel_loop3A_430, %parallel_loop3A_429 : i32
        %parallel_loop3A_432 = arith.index_cast %parallel_loop3A_431 : i32 to index
        %parallel_loop3A_433 = tpu.vector_load %arg6[%parallel_loop3A_432] {strides = array<i32>} : memref<4112xi32, #tpu.memory_space<vmem>>, vector<16xi32>,
        %parallel_loop3A_434 = arith.addi %parallel_loop3A_421, %parallel_loop3A_433 : vector<16xi32>
        %parallel_loop3A_435 = arith.constant 16 : i32
        %parallel_loop3A_436 = arith.muli %parallel_loop3A_334, %parallel_loop3A_435 : i32
        %parallel_loop3A_437 = arith.constant 1799 : i32
        %parallel_loop3A_438 = arith.addi %parallel_loop3A_437, %parallel_loop3A_436 : i32
        %parallel_loop3A_439 = arith.index_cast %parallel_loop3A_438 : i32 to index
        %parallel_loop3A_440 = tpu.vector_load %arg6[%parallel_loop3A_439] {strides = array<i32>} : memref<4112xi32, #tpu.memory_space<vmem>>, vector<16xi32>,
        tpu.vector_store %arg6[%parallel_loop3A_439], %broadcast_in_dim3A_57 {strides = array<i32>} : memref<4112xi32, #tpu.memory_space<vmem>>, vector<16xi32>,
        %parallel_loop3A_441 = arith.constant 16 : i32
        %parallel_loop3A_442 = arith.muli %parallel_loop3A_334, %parallel_loop3A_441 : i32
        %parallel_loop3A_443 = arith.constant 2056 : i32
        %parallel_loop3A_444 = arith.addi %parallel_loop3A_443, %parallel_loop3A_442 : i32
        %parallel_loop3A_445 = arith.index_cast %parallel_loop3A_444 : i32 to index
        %parallel_loop3A_446 = tpu.vector_load %arg6[%parallel_loop3A_445] {strides = array<i32>} : memref<4112xi32, #tpu.memory_space<vmem>>, vector<16xi32>,
        %parallel_loop3A_447 = arith.addi %parallel_loop3A_434, %parallel_loop3A_446 : vector<16xi32>
        %parallel_loop3A_448 = arith.constant 16 : i32
        %parallel_loop3A_449 = arith.muli %parallel_loop3A_334, %parallel_loop3A_448 : i32
        %parallel_loop3A_450 = arith.constant 2056 : i32
        %parallel_loop3A_451 = arith.addi %parallel_loop3A_450, %parallel_loop3A_449 : i32
        %parallel_loop3A_452 = arith.index_cast %parallel_loop3A_451 : i32 to index
        %parallel_loop3A_453 = tpu.vector_load %arg6[%parallel_loop3A_452] {strides = array<i32>} : memref<4112xi32, #tpu.memory_space<vmem>>, vector<16xi32>,
        tpu.vector_store %arg6[%parallel_loop3A_452], %broadcast_in_dim3A_57 {strides = array<i32>} : memref<4112xi32, #tpu.memory_space<vmem>>, vector<16xi32>,
        %parallel_loop3A_454 = arith.constant 16 : i32
        %parallel_loop3A_455 = arith.muli %parallel_loop3A_334, %parallel_loop3A_454 : i32
        %parallel_loop3A_456 = arith.constant 2313 : i32
        %parallel_loop3A_457 = arith.addi %parallel_loop3A_456, %parallel_loop3A_455 : i32
        %parallel_loop3A_458 = arith.index_cast %parallel_loop3A_457 : i32 to index
        %parallel_loop3A_459 = tpu.vector_load %arg6[%parallel_loop3A_458] {strides = array<i32>} : memref<4112xi32, #tpu.memory_space<vmem>>, vector<16xi32>,
        %parallel_loop3A_460 = arith.addi %parallel_loop3A_447, %parallel_loop3A_459 : vector<16xi32>
        %parallel_loop3A_461 = arith.constant 16 : i32
        %parallel_loop3A_462 = arith.muli %parallel_loop3A_334, %parallel_loop3A_461 : i32
        %parallel_loop3A_463 = arith.constant 2313 : i32
        %parallel_loop3A_464 = arith.addi %parallel_loop3A_463, %parallel_loop3A_462 : i32
        %parallel_loop3A_465 = arith.index_cast %parallel_loop3A_464 : i32 to index
        %parallel_loop3A_466 = tpu.vector_load %arg6[%parallel_loop3A_465] {strides = array<i32>} : memref<4112xi32, #tpu.memory_space<vmem>>, vector<16xi32>,
        tpu.vector_store %arg6[%parallel_loop3A_465], %broadcast_in_dim3A_57 {strides = array<i32>} : memref<4112xi32, #tpu.memory_space<vmem>>, vector<16xi32>,
        %parallel_loop3A_467 = arith.constant 16 : i32
        %parallel_loop3A_468 = arith.muli %parallel_loop3A_334, %parallel_loop3A_467 : i32
        %parallel_loop3A_469 = arith.constant 2570 : i32
        %parallel_loop3A_470 = arith.addi %parallel_loop3A_469, %parallel_loop3A_468 : i32
        %parallel_loop3A_471 = arith.index_cast %parallel_loop3A_470 : i32 to index
        %parallel_loop3A_472 = tpu.vector_load %arg6[%parallel_loop3A_471] {strides = array<i32>} : memref<4112xi32, #tpu.memory_space<vmem>>, vector<16xi32>,
        %parallel_loop3A_473 = arith.addi %parallel_loop3A_460, %parallel_loop3A_472 : vector<16xi32>
        %parallel_loop3A_474 = arith.constant 16 : i32
        %parallel_loop3A_475 = arith.muli %parallel_loop3A_334, %parallel_loop3A_474 : i32
        %parallel_loop3A_476 = arith.constant 2570 : i32
        %parallel_loop3A_477 = arith.addi %parallel_loop3A_476, %parallel_loop3A_475 : i32
        %parallel_loop3A_478 = arith.index_cast %parallel_loop3A_477 : i32 to index
        %parallel_loop3A_479 = tpu.vector_load %arg6[%parallel_loop3A_478] {strides = array<i32>} : memref<4112xi32, #tpu.memory_space<vmem>>, vector<16xi32>,
        tpu.vector_store %arg6[%parallel_loop3A_478], %broadcast_in_dim3A_57 {strides = array<i32>} : memref<4112xi32, #tpu.memory_space<vmem>>, vector<16xi32>,
        %parallel_loop3A_480 = arith.constant 16 : i32
        %parallel_loop3A_481 = arith.muli %parallel_loop3A_334, %parallel_loop3A_480 : i32
        %parallel_loop3A_482 = arith.constant 2827 : i32
        %parallel_loop3A_483 = arith.addi %parallel_loop3A_482, %parallel_loop3A_481 : i32
        %parallel_loop3A_484 = arith.index_cast %parallel_loop3A_483 : i32 to index
        %parallel_loop3A_485 = tpu.vector_load %arg6[%parallel_loop3A_484] {strides = array<i32>} : memref<4112xi32, #tpu.memory_space<vmem>>, vector<16xi32>,
        %parallel_loop3A_486 = arith.addi %parallel_loop3A_473, %parallel_loop3A_485 : vector<16xi32>
        %parallel_loop3A_487 = arith.constant 16 : i32
        %parallel_loop3A_488 = arith.muli %parallel_loop3A_334, %parallel_loop3A_487 : i32
        %parallel_loop3A_489 = arith.constant 2827 : i32
        %parallel_loop3A_490 = arith.addi %parallel_loop3A_489, %parallel_loop3A_488 : i32
        %parallel_loop3A_491 = arith.index_cast %parallel_loop3A_490 : i32 to index
        %parallel_loop3A_492 = tpu.vector_load %arg6[%parallel_loop3A_491] {strides = array<i32>} : memref<4112xi32, #tpu.memory_space<vmem>>, vector<16xi32>,
        tpu.vector_store %arg6[%parallel_loop3A_491], %broadcast_in_dim3A_57 {strides = array<i32>} : memref<4112xi32, #tpu.memory_space<vmem>>, vector<16xi32>,
        %parallel_loop3A_493 = arith.constant 16 : i32
        %parallel_loop3A_494 = arith.muli %parallel_loop3A_334, %parallel_loop3A_493 : i32
        %parallel_loop3A_495 = arith.constant 3084 : i32
        %parallel_loop3A_496 = arith.addi %parallel_loop3A_495, %parallel_loop3A_494 : i32
        %parallel_loop3A_497 = arith.index_cast %parallel_loop3A_496 : i32 to index
        %parallel_loop3A_498 = tpu.vector_load %arg6[%parallel_loop3A_497] {strides = array<i32>} : memref<4112xi32, #tpu.memory_space<vmem>>, vector<16xi32>,
        %parallel_loop3A_499 = arith.addi %parallel_loop3A_486, %parallel_loop3A_498 : vector<16xi32>
        %parallel_loop3A_500 = arith.constant 16 : i32
        %parallel_loop3A_501 = arith.muli %parallel_loop3A_334, %parallel_loop3A_500 : i32
        %parallel_loop3A_502 = arith.constant 3084 : i32
        %parallel_loop3A_503 = arith.addi %parallel_loop3A_502, %parallel_loop3A_501 : i32
        %parallel_loop3A_504 = arith.index_cast %parallel_loop3A_503 : i32 to index
        %parallel_loop3A_505 = tpu.vector_load %arg6[%parallel_loop3A_504] {strides = array<i32>} : memref<4112xi32, #tpu.memory_space<vmem>>, vector<16xi32>,
        tpu.vector_store %arg6[%parallel_loop3A_504], %broadcast_in_dim3A_57 {strides = array<i32>} : memref<4112xi32, #tpu.memory_space<vmem>>, vector<16xi32>,
        %parallel_loop3A_506 = arith.constant 16 : i32
        %parallel_loop3A_507 = arith.muli %parallel_loop3A_334, %parallel_loop3A_506 : i32
        %parallel_loop3A_508 = arith.constant 3341 : i32
        %parallel_loop3A_509 = arith.addi %parallel_loop3A_508, %parallel_loop3A_507 : i32
        %parallel_loop3A_510 = arith.index_cast %parallel_loop3A_509 : i32 to index
        %parallel_loop3A_511 = tpu.vector_load %arg6[%parallel_loop3A_510] {strides = array<i32>} : memref<4112xi32, #tpu.memory_space<vmem>>, vector<16xi32>,
        %parallel_loop3A_512 = arith.addi %parallel_loop3A_499, %parallel_loop3A_511 : vector<16xi32>
        %parallel_loop3A_513 = arith.constant 16 : i32
        %parallel_loop3A_514 = arith.muli %parallel_loop3A_334, %parallel_loop3A_513 : i32
        %parallel_loop3A_515 = arith.constant 3341 : i32
        %parallel_loop3A_516 = arith.addi %parallel_loop3A_515, %parallel_loop3A_514 : i32
        %parallel_loop3A_517 = arith.index_cast %parallel_loop3A_516 : i32 to index
        %parallel_loop3A_518 = tpu.vector_load %arg6[%parallel_loop3A_517] {strides = array<i32>} : memref<4112xi32, #tpu.memory_space<vmem>>, vector<16xi32>,
        tpu.vector_store %arg6[%parallel_loop3A_517], %broadcast_in_dim3A_57 {strides = array<i32>} : memref<4112xi32, #tpu.memory_space<vmem>>, vector<16xi32>,
        %parallel_loop3A_519 = arith.constant 16 : i32
        %parallel_loop3A_520 = arith.muli %parallel_loop3A_334, %parallel_loop3A_519 : i32
        %parallel_loop3A_521 = arith.constant 3598 : i32
        %parallel_loop3A_522 = arith.addi %parallel_loop3A_521, %parallel_loop3A_520 : i32
        %parallel_loop3A_523 = arith.index_cast %parallel_loop3A_522 : i32 to index
        %parallel_loop3A_524 = tpu.vector_load %arg6[%parallel_loop3A_523] {strides = array<i32>} : memref<4112xi32, #tpu.memory_space<vmem>>, vector<16xi32>,
        %parallel_loop3A_525 = arith.addi %parallel_loop3A_512, %parallel_loop3A_524 : vector<16xi32>
        %parallel_loop3A_526 = arith.constant 16 : i32
        %parallel_loop3A_527 = arith.muli %parallel_loop3A_334, %parallel_loop3A_526 : i32
        %parallel_loop3A_528 = arith.constant 3598 : i32
        %parallel_loop3A_529 = arith.addi %parallel_loop3A_528, %parallel_loop3A_527 : i32
        %parallel_loop3A_530 = arith.index_cast %parallel_loop3A_529 : i32 to index
        %parallel_loop3A_531 = tpu.vector_load %arg6[%parallel_loop3A_530] {strides = array<i32>} : memref<4112xi32, #tpu.memory_space<vmem>>, vector<16xi32>,
        tpu.vector_store %arg6[%parallel_loop3A_530], %broadcast_in_dim3A_57 {strides = array<i32>} : memref<4112xi32, #tpu.memory_space<vmem>>, vector<16xi32>,
        %parallel_loop3A_532 = arith.constant 16 : i32
        %parallel_loop3A_533 = arith.muli %parallel_loop3A_334, %parallel_loop3A_532 : i32
        %parallel_loop3A_534 = arith.constant 3855 : i32
        %parallel_loop3A_535 = arith.addi %parallel_loop3A_534, %parallel_loop3A_533 : i32
        %parallel_loop3A_536 = arith.index_cast %parallel_loop3A_535 : i32 to index
        %parallel_loop3A_537 = tpu.vector_load %arg6[%parallel_loop3A_536] {strides = array<i32>} : memref<4112xi32, #tpu.memory_space<vmem>>, vector<16xi32>,
        %parallel_loop3A_538 = arith.addi %parallel_loop3A_525, %parallel_loop3A_537 : vector<16xi32>
        %parallel_loop3A_539 = arith.constant 16 : i32
        %parallel_loop3A_540 = arith.muli %parallel_loop3A_334, %parallel_loop3A_539 : i32
        %parallel_loop3A_541 = arith.constant 3855 : i32
        %parallel_loop3A_542 = arith.addi %parallel_loop3A_541, %parallel_loop3A_540 : i32
        %parallel_loop3A_543 = arith.index_cast %parallel_loop3A_542 : i32 to index
        %parallel_loop3A_544 = tpu.vector_load %arg6[%parallel_loop3A_543] {strides = array<i32>} : memref<4112xi32, #tpu.memory_space<vmem>>, vector<16xi32>,
        tpu.vector_store %arg6[%parallel_loop3A_543], %broadcast_in_dim3A_57 {strides = array<i32>} : memref<4112xi32, #tpu.memory_space<vmem>>, vector<16xi32>,
        %parallel_loop3A_545 = arith.constant 15 : i32
        %parallel_loop3A_546 = vector.broadcast %parallel_loop3A_545 : i32 to vector<16xi32>
        %parallel_loop3A_547 = tpu.iota {dimensions = array<i32: 0>} : vector<16xi32>
        %parallel_loop3A_548 = arith.subi %parallel_loop3A_546, %parallel_loop3A_547 : vector<16xi32>
        %parallel_loop3A_549 = tpu.dynamic_gather %parallel_loop3A_538[%parallel_loop3A_548] in [0] : vector<16xi32>, vector<16xi32> -> vector<16xi32>
        %parallel_loop3A_550 = arith.constant true
        %parallel_loop3A_551 = vector.broadcast %parallel_loop3A_550 : i1 to vector<16xi1>
        %parallel_loop3A_552 = tpu.scan <sum>, %parallel_loop3A_549 masked %parallel_loop3A_551 : vector<16xi32>, vector<16xi1> -> vector<16xi32>
        %parallel_loop3A_553 = arith.constant 15 : i32
        %parallel_loop3A_554 = vector.broadcast %parallel_loop3A_553 : i32 to vector<16xi32>
        %parallel_loop3A_555 = tpu.iota {dimensions = array<i32: 0>} : vector<16xi32>
        %parallel_loop3A_556 = arith.subi %parallel_loop3A_554, %parallel_loop3A_555 : vector<16xi32>
        %parallel_loop3A_557 = tpu.dynamic_gather %parallel_loop3A_552[%parallel_loop3A_556] in [0] : vector<16xi32>, vector<16xi32> -> vector<16xi32>
        %parallel_loop3A_558 = arith.constant 17 : i32
        %parallel_loop3A_559 = arith.muli %parallel_loop3A_334, %parallel_loop3A_558 : i32
        %parallel_loop3A_560 = arith.constant 0 : i32
        %parallel_loop3A_561 = arith.addi %parallel_loop3A_560, %parallel_loop3A_559 : i32
        %parallel_loop3A_562 = arith.index_cast %parallel_loop3A_561 : i32 to index
        %parallel_loop3A_563 = tpu.vector_load %arg7[%parallel_loop3A_562] {strides = array<i32>} : memref<576xi32, #tpu.memory_space<vmem>>, vector<16xi32>,
        tpu.vector_store %arg7[%parallel_loop3A_562], %parallel_loop3A_557 {strides = array<i32>} : memref<576xi32, #tpu.memory_space<vmem>>, vector<16xi32>,
        %parallel_loop3A_564 = arith.constant 17 : i32
        %parallel_loop3A_565 = arith.muli %parallel_loop3A_334, %parallel_loop3A_564 : i32
        %parallel_loop3A_566 = arith.constant 288 : i32
        %parallel_loop3A_567 = arith.addi %parallel_loop3A_566, %parallel_loop3A_565 : i32
        %parallel_loop3A_568 = arith.index_cast %parallel_loop3A_567 : i32 to index
        %parallel_loop3A_569 = tpu.vector_load %arg7[%parallel_loop3A_568] {strides = array<i32>} : memref<576xi32, #tpu.memory_space<vmem>>, vector<16xi32>,
        tpu.vector_store %arg7[%parallel_loop3A_568], %parallel_loop3A_538 {strides = array<i32>} : memref<576xi32, #tpu.memory_space<vmem>>, vector<16xi32>,
      } {sc.loop_unroll_factor = 2 : i64, sc.parallel_access}
      %mul3A_63 = arith.constant 17 : i32
      %mul3A_64 = vector.broadcast %mul3A_63 : i32 to vector<16xi32>
      %mul3A_65 = arith.muli %iota3A, %mul3A_64 : vector<16xi32>
      %add3A_66 = arith.constant 0 : i32
      %add3A_67 = vector.broadcast %add3A_66 : i32 to vector<16xi32>
      %add3A_68 = arith.addi %mul3A_65, %add3A_67 : vector<16xi32>
      %gather3A = tpu.vector_load_idx %arg7[%add3A_68] : memref<576xi32, #tpu.memory_space<vmem>>[vector<16xi32>], vector<16xi32>,
      %rev3A = arith.constant 15 : i32
      %rev3A_69 = vector.broadcast %rev3A : i32 to vector<16xi32>
      %rev3A_70 = tpu.iota {dimensions = array<i32: 0>} : vector<16xi32>
      %rev3A_71 = arith.subi %rev3A_69, %rev3A_70 : vector<16xi32>
      %rev3A_72 = tpu.dynamic_gather %gather3A[%rev3A_71] in [0] : vector<16xi32>, vector<16xi32> -> vector<16xi32>
      %cumsum3A = arith.constant true
      %cumsum3A_73 = vector.broadcast %cumsum3A : i1 to vector<16xi1>
      %cumsum3A_74 = tpu.scan <sum>, %rev3A_72 masked %cumsum3A_73 : vector<16xi32>, vector<16xi1> -> vector<16xi32>
      %rev3A_75 = arith.constant 15 : i32
      %rev3A_76 = vector.broadcast %rev3A_75 : i32 to vector<16xi32>
      %rev3A_77 = tpu.iota {dimensions = array<i32: 0>} : vector<16xi32>
      %rev3A_78 = arith.subi %rev3A_76, %rev3A_77 : vector<16xi32>
      %rev3A_79 = tpu.dynamic_gather %cumsum3A_74[%rev3A_78] in [0] : vector<16xi32>, vector<16xi32> -> vector<16xi32>
      %sub3A = arith.subi %rev3A_79, %gather3A : vector<16xi32>
      %broadcast_in_dim3A_80 = arith.constant 0 : i32
      %broadcast_in_dim3A_81 = vector.broadcast %broadcast_in_dim3A_80 : i32 to vector<16xi32>
      %scan3A_82 = arith.constant 0 : i32
      %scan3A_83 = arith.constant 16 : i32
      %scan3A_84 = arith.addi %scan3A_82, %scan3A_83 : i32
      %scan3A_85 = arith.constant 1 : i32
      %scan3A_86:3 = scf.for %scan3A_334 = %scan3A_82 to %scan3A_84 step %scan3A_85 iter_args(%scan3A_335 = %broadcast_in_dim3A_81, %scan3A_336 = %broadcast_in_dim3A_81, %scan3A_337 = %broadcast_in_dim3A_81) -> (vector<16xi32>, vector<16xi32>, vector<16xi32>)  : i32 {
        %add3A_338 = arith.constant 0 : i32
        %add3A_339 = arith.addi %add3A_338, %scan3A_334 : i32
        %add3A_340 = vector.broadcast %add3A_339 : i32 to vector<16xi32>
        %add3A_341 = arith.addi %mul3A_65, %add3A_340 : vector<16xi32>
        %gather3A_342 = tpu.vector_load_idx %arg7[%add3A_341] : memref<576xi32, #tpu.memory_space<vmem>>[vector<16xi32>], vector<16xi32>,
        %add3A_343 = arith.constant 288 : i32
        %add3A_344 = arith.addi %add3A_343, %scan3A_334 : i32
        %add3A_345 = vector.broadcast %add3A_344 : i32 to vector<16xi32>
        %add3A_346 = arith.addi %mul3A_65, %add3A_345 : vector<16xi32>
        %gather3A_347 = tpu.vector_load_idx %arg7[%add3A_346] : memref<576xi32, #tpu.memory_space<vmem>>[vector<16xi32>], vector<16xi32>,
        %add3A_348 = arith.addi %gather3A_342, %sub3A : vector<16xi32>
        %ge3A = arith.cmpi sge, %add3A_348, %broadcast_in_dim3A_59 : vector<16xi32>
        %all_reduce_population_count3A = tpu.all_reduce %ge3A {dim = 0 : i64, kind = #tpu.reduction_kind<sum>} : vector<16xi1> -> vector<16xi32>
        %add3A_349 = arith.addi %scan3A_335, %all_reduce_population_count3A : vector<16xi32>
        %jit3A_350 = arith.constant 0 : i32
        %broadcast_in_dim3A_351 = vector.broadcast %jit3A_350 : i32 to vector<16xi32>
        %select_n3A_352 = arith.select %ge3A, %gather3A_347, %broadcast_in_dim3A_351 : vector<16xi1>, vector<16xi32>
        %add3A_353 = arith.addi %scan3A_337, %select_n3A_352 : vector<16xi32>
        %add3A_354 = arith.addi %scan3A_336, %gather3A_347 : vector<16xi32>
        scf.yield %add3A_349, %add3A_354, %add3A_353 : vector<16xi32>, vector<16xi32>, vector<16xi32>
      }
      %scan3A_87 = arith.constant 16 : i32
      %reduce_max3A = arith.constant true
      %reduce_max3A_88 = vector.broadcast %reduce_max3A : i1 to vector<16xi1>
      %reduce_max3A_89 = arith.constant -2147483648 : i32
      %reduce_max3A_90 = vector.broadcast %reduce_max3A_89 : i32 to vector<16xi32>
      %reduce_max3A_91 = arith.xori %scan3A_86#0, %reduce_max3A_90 : vector<16xi32>
      %reduce_max3A_92 = tpu.scan <max>, %reduce_max3A_91 masked %reduce_max3A_88 : vector<16xi32>, vector<16xi1> -> vector<16xi32>
      %reduce_max3A_93 = arith.xori %reduce_max3A_92, %reduce_max3A_90 : vector<16xi32>
      %reduce_max3A_94 = vector.extract %reduce_max3A_93[15] : i32 from vector<16xi32>
      %sub3A_95 = arith.constant 1 : i32
      %sub3A_96 = arith.subi %reduce_max3A_94, %sub3A_95 : i32
      %sub3A_97 = arith.subi %scan3A_86#1, %scan3A_86#2 : vector<16xi32>
      %reduce_sum3A = arith.constant true
      %reduce_sum3A_98 = vector.broadcast %reduce_sum3A : i1 to vector<16xi1>
      %reduce_sum3A_99 = tpu.scan <sum>, %sub3A_97 masked %reduce_sum3A_98 : vector<16xi32>, vector<16xi1> -> vector<16xi32>
      %reduce_sum3A_100 = vector.extract %reduce_sum3A_99[15] : i32 from vector<16xi32>
      %sub3A_101 = arith.constant 513 : i32
      %sub3A_102 = arith.subi %sub3A_101, %reduce_sum3A_100 : i32
      %and3A_103 = arith.constant 1 : i32
      %and3A_104 = arith.andi %scan3A_39, %and3A_103 : i32
      %xor3A = arith.constant 1 : i32
      %xor3A_105 = arith.xori %and3A_104, %xor3A : i32
      %mul3A_106 = arith.constant 32768 : i32
      %mul3A_107 = arith.muli %xor3A_105, %mul3A_106 : i32
      %gt3A = arith.constant 0 : i32
      %gt3A_108 = arith.cmpi sgt, %scan3A_39, %gt3A : i32
      %convert_element_type3A = arith.extui %gt3A_108 : i1 to i32
      %cond3A = arith.constant 0 : i32
      %cond3A_109 = arith.cmpi ne, %convert_element_type3A, %cond3A : i32
      scf.if %cond3A_109 {
        %sub3A_334 = arith.constant 1 : i32
        %sub3A_335 = arith.subi %add3A_41, %sub3A_334 : i32
        %dma_wait3A_336 = tpu.memref_slice %arg4[%mul3A_107] : memref<65536xf32, #tpu.memory_space<vmem>> -> memref<32768xf32, #tpu.memory_space<vmem>>
        %dma_wait3A_337 = arith.constant 0 : i32
        %dma_wait3A_338 = tpu.memref_slice %arg3[%sub3A_335, %dma_wait3A_337] : memref<128x32768xf32, #tpu.memory_space<hbm>> -> memref<1x32768xf32, #tpu.memory_space<hbm>>
        %dma_wait3A_339 = tpu.memref_squeeze %dma_wait3A_338 : memref<1x32768xf32, #tpu.memory_space<hbm>> -> memref<32768xf32, #tpu.memory_space<hbm>>
        %dma_wait3A_340 = arith.constant 0 : i32
        %dma_wait3A_341 = tpu.memref_slice %arg3[%sub3A_335, %dma_wait3A_340] : memref<128x32768xf32, #tpu.memory_space<hbm>> -> memref<1x32768xf32, #tpu.memory_space<hbm>>
        %dma_wait3A_342 = tpu.memref_squeeze %dma_wait3A_341 : memref<1x32768xf32, #tpu.memory_space<hbm>> -> memref<32768xf32, #tpu.memory_space<hbm>>
        %dma_wait3A_343 = tpu.memref_slice %arg4[%mul3A_107] : memref<65536xf32, #tpu.memory_space<vmem>> -> memref<32768xf32, #tpu.memory_space<vmem>>
        tpu.wait_dma2 semaphore(%arg9 : memref<!tpu.dma_semaphore, #tpu.memory_space<semaphore_mem>>) src(%dma_wait3A_343 : memref<32768xf32, #tpu.memory_space<vmem>>) dst(%dma_wait3A_342 : memref<32768xf32, #tpu.memory_space<hbm>>)
      } else {
      }
      %lt3A = arith.constant 3 : i32
      %lt3A_110 = arith.cmpi slt, %scan3A_39, %lt3A : i32
      %convert_element_type3A_111 = arith.extui %lt3A_110 : i1 to i32
      %cond3A_112 = arith.constant 0 : i32
      %cond3A_113 = arith.cmpi ne, %convert_element_type3A_111, %cond3A_112 : i32
      scf.if %cond3A_113 {
        %add3A_334 = arith.constant 1 : i32
        %add3A_335 = arith.addi %add3A_41, %add3A_334 : i32
        %dma_start3A_336 = tpu.memref_slice %arg4[%mul3A_107] : memref<65536xf32, #tpu.memory_space<vmem>> -> memref<32768xf32, #tpu.memory_space<vmem>>
        %dma_start3A_337 = arith.constant 0 : i32
        %dma_start3A_338 = tpu.memref_slice %arg2[%add3A_335, %dma_start3A_337] : memref<128x32768xf32, #tpu.memory_space<hbm>> -> memref<1x32768xf32, #tpu.memory_space<hbm>>
        %dma_start3A_339 = tpu.memref_squeeze %dma_start3A_338 : memref<1x32768xf32, #tpu.memory_space<hbm>> -> memref<32768xf32, #tpu.memory_space<hbm>>
        %dma_start3A_340 = tpu.memref_slice %arg4[%mul3A_107] : memref<65536xf32, #tpu.memory_space<vmem>> -> memref<32768xf32, #tpu.memory_space<vmem>>
        %dma_start3A_341 = arith.constant 0 : i32
        %dma_start3A_342 = tpu.memref_slice %arg2[%add3A_335, %dma_start3A_341] : memref<128x32768xf32, #tpu.memory_space<hbm>> -> memref<1x32768xf32, #tpu.memory_space<hbm>>
        %dma_start3A_343 = tpu.memref_squeeze %dma_start3A_342 : memref<1x32768xf32, #tpu.memory_space<hbm>> -> memref<32768xf32, #tpu.memory_space<hbm>>
        tpu.enqueue_dma source(%dma_start3A_343 : memref<32768xf32, #tpu.memory_space<hbm>>) target(%dma_start3A_340 : memref<32768xf32, #tpu.memory_space<vmem>>) target_semaphore(%arg8 : memref<!tpu.dma_semaphore, #tpu.memory_space<semaphore_mem>>)
      } else {
      }
      %lt3A_114 = arith.constant 128 : i32
      %lt3A_115 = arith.cmpi slt, %sub3A_96, %lt3A_114 : i32
      %sub3A_116 = arith.constant 255 : i32
      %sub3A_117 = arith.subi %sub3A_116, %sub3A_96 : i32
      %sub3A_118 = arith.constant 128 : i32
      %sub3A_119 = arith.subi %sub3A_96, %sub3A_118 : i32
      %select_n3A = arith.select %lt3A_115, %sub3A_117, %sub3A_119 : i32
      %broadcast_in_dim3A_120 = vector.broadcast %select_n3A : i32 to vector<16xi32>
      %jit3A = arith.constant 255 : i32
      %jit3A_121 = arith.constant 0 : i32
      %select_n3A_122 = arith.select %lt3A_115, %jit3A, %jit3A_121 : i32
      %broadcast_in_dim3A_123 = vector.broadcast %select_n3A_122 : i32 to vector<16xi32>
      %broadcast_in_dim3A_124 = arith.constant -1 : i32
      %broadcast_in_dim3A_125 = vector.broadcast %broadcast_in_dim3A_124 : i32 to vector<16xi32>
      %parallel_loop3A_126 = arith.constant 0 : i32
      %parallel_loop3A_127 = arith.constant 2048 : i32
      %parallel_loop3A_128 = arith.constant 1 : i32
      %parallel_loop3A_129 = scf.for %parallel_loop3A_334 = %parallel_loop3A_126 to %parallel_loop3A_127 step %parallel_loop3A_128 iter_args(%parallel_loop3A_335 = %broadcast_in_dim3A_125) -> (vector<16xi32>)  : i32 {
        %parallel_loop3A_336 = arith.constant 16 : i32
        %parallel_loop3A_337 = arith.muli %parallel_loop3A_334, %parallel_loop3A_336 : i32
        %parallel_loop3A_338 = tpu.memref_slice %arg4[%mul3A_44] : memref<65536xf32, #tpu.memory_space<vmem>> -> memref<32768xf32, #tpu.memory_space<vmem>>
        %parallel_loop3A_339 = arith.index_cast %parallel_loop3A_337 : i32 to index
        %parallel_loop3A_340 = tpu.vector_load %parallel_loop3A_338[%parallel_loop3A_339] {strides = array<i32>} : memref<32768xf32, #tpu.memory_space<vmem>>, vector<16xf32>,
        %parallel_loop3A_341 = vector.bitcast %parallel_loop3A_340 : vector<16xf32> to vector<16xi32>
        %parallel_loop3A_342 = arith.constant 24 : i32
        %parallel_loop3A_343 = vector.broadcast %parallel_loop3A_342 : i32 to vector<16xi32>
        %parallel_loop3A_344 = arith.shrui %parallel_loop3A_341, %parallel_loop3A_343 : vector<16xi32>
        %parallel_loop3A_345 = arith.cmpi eq, %parallel_loop3A_344, %broadcast_in_dim3A_120 : vector<16xi32>
        %parallel_loop3A_346 = arith.constant 16 : i32
        %parallel_loop3A_347 = vector.broadcast %parallel_loop3A_346 : i32 to vector<16xi32>
        %parallel_loop3A_348 = arith.shrui %parallel_loop3A_341, %parallel_loop3A_347 : vector<16xi32>
        %parallel_loop3A_349 = arith.constant 255 : i32
        %parallel_loop3A_350 = vector.broadcast %parallel_loop3A_349 : i32 to vector<16xi32>
        %parallel_loop3A_351 = arith.andi %parallel_loop3A_348, %parallel_loop3A_350 : vector<16xi32>
        %parallel_loop3A_352 = arith.xori %parallel_loop3A_351, %broadcast_in_dim3A_123 : vector<16xi32>
        %parallel_loop3A_353 = arith.addi %mul3A_3, %parallel_loop3A_352 : vector<16xi32>
        tpu.vector_store_idx %arg6[%parallel_loop3A_353], %broadcast_in_dim3A_4 masked %parallel_loop3A_345 {add = true} : memref<4112xi32, #tpu.memory_space<vmem>>[vector<16xi32>], vector<16xi32>, vector<16xi1>
        %parallel_loop3A_354 = arith.extui %parallel_loop3A_345 : vector<16xi1> to vector<16xi32>
        %parallel_loop3A_355 = arith.constant true
        %parallel_loop3A_356 = vector.broadcast %parallel_loop3A_355 : i1 to vector<16xi1>
        %parallel_loop3A_357 = tpu.scan <sum>, %parallel_loop3A_354 masked %parallel_loop3A_356 : vector<16xi32>, vector<16xi1> -> vector<16xi32>
        %parallel_loop3A_358 = arith.addi %parallel_loop3A_335, %parallel_loop3A_357 : vector<16xi32>
        tpu.vector_store_idx %arg5[%parallel_loop3A_358], %parallel_loop3A_341 masked %parallel_loop3A_345 : memref<32768xi32, #tpu.memory_space<vmem>>[vector<16xi32>], vector<16xi32>, vector<16xi1>
        %parallel_loop3A_359 = tpu.all_reduce %parallel_loop3A_345 {dim = 0 : i64, kind = #tpu.reduction_kind<sum>} : vector<16xi1> -> vector<16xi32>
        %parallel_loop3A_360 = arith.addi %parallel_loop3A_335, %parallel_loop3A_359 : vector<16xi32>
        scf.yield %parallel_loop3A_360 : vector<16xi32>
      } {sc.loop_unroll_factor = 8 : i64, sc.parallel_access}
      %add3A_130 = arith.addi %parallel_loop3A_129, %broadcast_in_dim3A_4 : vector<16xi32>
      %broadcast_in_dim3A_131 = arith.constant 0 : i32
      %broadcast_in_dim3A_132 = vector.broadcast %broadcast_in_dim3A_131 : i32 to vector<16xi32>
      %broadcast_in_dim3A_133 = vector.broadcast %sub3A_102 : i32 to vector<16xi32>
      %parallel_loop3A_134 = arith.constant 0 : i32
      %parallel_loop3A_135 = arith.constant 16 : i32
      %parallel_loop3A_136 = arith.constant 1 : i32
      scf.for %parallel_loop3A_334 = %parallel_loop3A_134 to %parallel_loop3A_135 step %parallel_loop3A_136  : i32 {
        %parallel_loop3A_335 = arith.constant 0 : i32
        %parallel_loop3A_336 = vector.broadcast %parallel_loop3A_335 : i32 to vector<16xi32>
        %parallel_loop3A_337 = arith.constant 16 : i32
        %parallel_loop3A_338 = arith.muli %parallel_loop3A_334, %parallel_loop3A_337 : i32
        %parallel_loop3A_339 = arith.constant 0 : i32
        %parallel_loop3A_340 = arith.addi %parallel_loop3A_339, %parallel_loop3A_338 : i32
        %parallel_loop3A_341 = arith.index_cast %parallel_loop3A_340 : i32 to index
        %parallel_loop3A_342 = tpu.vector_load %arg6[%parallel_loop3A_341] {strides = array<i32>} : memref<4112xi32, #tpu.memory_space<vmem>>, vector<16xi32>,
        %parallel_loop3A_343 = arith.addi %parallel_loop3A_336, %parallel_loop3A_342 : vector<16xi32>
        %parallel_loop3A_344 = arith.constant 16 : i32
        %parallel_loop3A_345 = arith.muli %parallel_loop3A_334, %parallel_loop3A_344 : i32
        %parallel_loop3A_346 = arith.constant 0 : i32
        %parallel_loop3A_347 = arith.addi %parallel_loop3A_346, %parallel_loop3A_345 : i32
        %parallel_loop3A_348 = arith.index_cast %parallel_loop3A_347 : i32 to index
        %parallel_loop3A_349 = tpu.vector_load %arg6[%parallel_loop3A_348] {strides = array<i32>} : memref<4112xi32, #tpu.memory_space<vmem>>, vector<16xi32>,
        tpu.vector_store %arg6[%parallel_loop3A_348], %broadcast_in_dim3A_132 {strides = array<i32>} : memref<4112xi32, #tpu.memory_space<vmem>>, vector<16xi32>,
        %parallel_loop3A_350 = arith.constant 16 : i32
        %parallel_loop3A_351 = arith.muli %parallel_loop3A_334, %parallel_loop3A_350 : i32
        %parallel_loop3A_352 = arith.constant 257 : i32
        %parallel_loop3A_353 = arith.addi %parallel_loop3A_352, %parallel_loop3A_351 : i32
        %parallel_loop3A_354 = arith.index_cast %parallel_loop3A_353 : i32 to index
        %parallel_loop3A_355 = tpu.vector_load %arg6[%parallel_loop3A_354] {strides = array<i32>} : memref<4112xi32, #tpu.memory_space<vmem>>, vector<16xi32>,
        %parallel_loop3A_356 = arith.addi %parallel_loop3A_343, %parallel_loop3A_355 : vector<16xi32>
        %parallel_loop3A_357 = arith.constant 16 : i32
        %parallel_loop3A_358 = arith.muli %parallel_loop3A_334, %parallel_loop3A_357 : i32
        %parallel_loop3A_359 = arith.constant 257 : i32
        %parallel_loop3A_360 = arith.addi %parallel_loop3A_359, %parallel_loop3A_358 : i32
        %parallel_loop3A_361 = arith.index_cast %parallel_loop3A_360 : i32 to index
        %parallel_loop3A_362 = tpu.vector_load %arg6[%parallel_loop3A_361] {strides = array<i32>} : memref<4112xi32, #tpu.memory_space<vmem>>, vector<16xi32>,
        tpu.vector_store %arg6[%parallel_loop3A_361], %broadcast_in_dim3A_132 {strides = array<i32>} : memref<4112xi32, #tpu.memory_space<vmem>>, vector<16xi32>,
        %parallel_loop3A_363 = arith.constant 16 : i32
        %parallel_loop3A_364 = arith.muli %parallel_loop3A_334, %parallel_loop3A_363 : i32
        %parallel_loop3A_365 = arith.constant 514 : i32
        %parallel_loop3A_366 = arith.addi %parallel_loop3A_365, %parallel_loop3A_364 : i32
        %parallel_loop3A_367 = arith.index_cast %parallel_loop3A_366 : i32 to index
        %parallel_loop3A_368 = tpu.vector_load %arg6[%parallel_loop3A_367] {strides = array<i32>} : memref<4112xi32, #tpu.memory_space<vmem>>, vector<16xi32>,
        %parallel_loop3A_369 = arith.addi %parallel_loop3A_356, %parallel_loop3A_368 : vector<16xi32>
        %parallel_loop3A_370 = arith.constant 16 : i32
        %parallel_loop3A_371 = arith.muli %parallel_loop3A_334, %parallel_loop3A_370 : i32
        %parallel_loop3A_372 = arith.constant 514 : i32
        %parallel_loop3A_373 = arith.addi %parallel_loop3A_372, %parallel_loop3A_371 : i32
        %parallel_loop3A_374 = arith.index_cast %parallel_loop3A_373 : i32 to index
        %parallel_loop3A_375 = tpu.vector_load %arg6[%parallel_loop3A_374] {strides = array<i32>} : memref<4112xi32, #tpu.memory_space<vmem>>, vector<16xi32>,
        tpu.vector_store %arg6[%parallel_loop3A_374], %broadcast_in_dim3A_132 {strides = array<i32>} : memref<4112xi32, #tpu.memory_space<vmem>>, vector<16xi32>,
        %parallel_loop3A_376 = arith.constant 16 : i32
        %parallel_loop3A_377 = arith.muli %parallel_loop3A_334, %parallel_loop3A_376 : i32
        %parallel_loop3A_378 = arith.constant 771 : i32
        %parallel_loop3A_379 = arith.addi %parallel_loop3A_378, %parallel_loop3A_377 : i32
        %parallel_loop3A_380 = arith.index_cast %parallel_loop3A_379 : i32 to index
        %parallel_loop3A_381 = tpu.vector_load %arg6[%parallel_loop3A_380] {strides = array<i32>} : memref<4112xi32, #tpu.memory_space<vmem>>, vector<16xi32>,
        %parallel_loop3A_382 = arith.addi %parallel_loop3A_369, %parallel_loop3A_381 : vector<16xi32>
        %parallel_loop3A_383 = arith.constant 16 : i32
        %parallel_loop3A_384 = arith.muli %parallel_loop3A_334, %parallel_loop3A_383 : i32
        %parallel_loop3A_385 = arith.constant 771 : i32
        %parallel_loop3A_386 = arith.addi %parallel_loop3A_385, %parallel_loop3A_384 : i32
        %parallel_loop3A_387 = arith.index_cast %parallel_loop3A_386 : i32 to index
        %parallel_loop3A_388 = tpu.vector_load %arg6[%parallel_loop3A_387] {strides = array<i32>} : memref<4112xi32, #tpu.memory_space<vmem>>, vector<16xi32>,
        tpu.vector_store %arg6[%parallel_loop3A_387], %broadcast_in_dim3A_132 {strides = array<i32>} : memref<4112xi32, #tpu.memory_space<vmem>>, vector<16xi32>,
        %parallel_loop3A_389 = arith.constant 16 : i32
        %parallel_loop3A_390 = arith.muli %parallel_loop3A_334, %parallel_loop3A_389 : i32
        %parallel_loop3A_391 = arith.constant 1028 : i32
        %parallel_loop3A_392 = arith.addi %parallel_loop3A_391, %parallel_loop3A_390 : i32
        %parallel_loop3A_393 = arith.index_cast %parallel_loop3A_392 : i32 to index
        %parallel_loop3A_394 = tpu.vector_load %arg6[%parallel_loop3A_393] {strides = array<i32>} : memref<4112xi32, #tpu.memory_space<vmem>>, vector<16xi32>,
        %parallel_loop3A_395 = arith.addi %parallel_loop3A_382, %parallel_loop3A_394 : vector<16xi32>
        %parallel_loop3A_396 = arith.constant 16 : i32
        %parallel_loop3A_397 = arith.muli %parallel_loop3A_334, %parallel_loop3A_396 : i32
        %parallel_loop3A_398 = arith.constant 1028 : i32
        %parallel_loop3A_399 = arith.addi %parallel_loop3A_398, %parallel_loop3A_397 : i32
        %parallel_loop3A_400 = arith.index_cast %parallel_loop3A_399 : i32 to index
        %parallel_loop3A_401 = tpu.vector_load %arg6[%parallel_loop3A_400] {strides = array<i32>} : memref<4112xi32, #tpu.memory_space<vmem>>, vector<16xi32>,
        tpu.vector_store %arg6[%parallel_loop3A_400], %broadcast_in_dim3A_132 {strides = array<i32>} : memref<4112xi32, #tpu.memory_space<vmem>>, vector<16xi32>,
        %parallel_loop3A_402 = arith.constant 16 : i32
        %parallel_loop3A_403 = arith.muli %parallel_loop3A_334, %parallel_loop3A_402 : i32
        %parallel_loop3A_404 = arith.constant 1285 : i32
        %parallel_loop3A_405 = arith.addi %parallel_loop3A_404, %parallel_loop3A_403 : i32
        %parallel_loop3A_406 = arith.index_cast %parallel_loop3A_405 : i32 to index
        %parallel_loop3A_407 = tpu.vector_load %arg6[%parallel_loop3A_406] {strides = array<i32>} : memref<4112xi32, #tpu.memory_space<vmem>>, vector<16xi32>,
        %parallel_loop3A_408 = arith.addi %parallel_loop3A_395, %parallel_loop3A_407 : vector<16xi32>
        %parallel_loop3A_409 = arith.constant 16 : i32
        %parallel_loop3A_410 = arith.muli %parallel_loop3A_334, %parallel_loop3A_409 : i32
        %parallel_loop3A_411 = arith.constant 1285 : i32
        %parallel_loop3A_412 = arith.addi %parallel_loop3A_411, %parallel_loop3A_410 : i32
        %parallel_loop3A_413 = arith.index_cast %parallel_loop3A_412 : i32 to index
        %parallel_loop3A_414 = tpu.vector_load %arg6[%parallel_loop3A_413] {strides = array<i32>} : memref<4112xi32, #tpu.memory_space<vmem>>, vector<16xi32>,
        tpu.vector_store %arg6[%parallel_loop3A_413], %broadcast_in_dim3A_132 {strides = array<i32>} : memref<4112xi32, #tpu.memory_space<vmem>>, vector<16xi32>,
        %parallel_loop3A_415 = arith.constant 16 : i32
        %parallel_loop3A_416 = arith.muli %parallel_loop3A_334, %parallel_loop3A_415 : i32
        %parallel_loop3A_417 = arith.constant 1542 : i32
        %parallel_loop3A_418 = arith.addi %parallel_loop3A_417, %parallel_loop3A_416 : i32
        %parallel_loop3A_419 = arith.index_cast %parallel_loop3A_418 : i32 to index
        %parallel_loop3A_420 = tpu.vector_load %arg6[%parallel_loop3A_419] {strides = array<i32>} : memref<4112xi32, #tpu.memory_space<vmem>>, vector<16xi32>,
        %parallel_loop3A_421 = arith.addi %parallel_loop3A_408, %parallel_loop3A_420 : vector<16xi32>
        %parallel_loop3A_422 = arith.constant 16 : i32
        %parallel_loop3A_423 = arith.muli %parallel_loop3A_334, %parallel_loop3A_422 : i32
        %parallel_loop3A_424 = arith.constant 1542 : i32
        %parallel_loop3A_425 = arith.addi %parallel_loop3A_424, %parallel_loop3A_423 : i32
        %parallel_loop3A_426 = arith.index_cast %parallel_loop3A_425 : i32 to index
        %parallel_loop3A_427 = tpu.vector_load %arg6[%parallel_loop3A_426] {strides = array<i32>} : memref<4112xi32, #tpu.memory_space<vmem>>, vector<16xi32>,
        tpu.vector_store %arg6[%parallel_loop3A_426], %broadcast_in_dim3A_132 {strides = array<i32>} : memref<4112xi32, #tpu.memory_space<vmem>>, vector<16xi32>,
        %parallel_loop3A_428 = arith.constant 16 : i32
        %parallel_loop3A_429 = arith.muli %parallel_loop3A_334, %parallel_loop3A_428 : i32
        %parallel_loop3A_430 = arith.constant 1799 : i32
        %parallel_loop3A_431 = arith.addi %parallel_loop3A_430, %parallel_loop3A_429 : i32
        %parallel_loop3A_432 = arith.index_cast %parallel_loop3A_431 : i32 to index
        %parallel_loop3A_433 = tpu.vector_load %arg6[%parallel_loop3A_432] {strides = array<i32>} : memref<4112xi32, #tpu.memory_space<vmem>>, vector<16xi32>,
        %parallel_loop3A_434 = arith.addi %parallel_loop3A_421, %parallel_loop3A_433 : vector<16xi32>
        %parallel_loop3A_435 = arith.constant 16 : i32
        %parallel_loop3A_436 = arith.muli %parallel_loop3A_334, %parallel_loop3A_435 : i32
        %parallel_loop3A_437 = arith.constant 1799 : i32
        %parallel_loop3A_438 = arith.addi %parallel_loop3A_437, %parallel_loop3A_436 : i32
        %parallel_loop3A_439 = arith.index_cast %parallel_loop3A_438 : i32 to index
        %parallel_loop3A_440 = tpu.vector_load %arg6[%parallel_loop3A_439] {strides = array<i32>} : memref<4112xi32, #tpu.memory_space<vmem>>, vector<16xi32>,
        tpu.vector_store %arg6[%parallel_loop3A_439], %broadcast_in_dim3A_132 {strides = array<i32>} : memref<4112xi32, #tpu.memory_space<vmem>>, vector<16xi32>,
        %parallel_loop3A_441 = arith.constant 16 : i32
        %parallel_loop3A_442 = arith.muli %parallel_loop3A_334, %parallel_loop3A_441 : i32
        %parallel_loop3A_443 = arith.constant 2056 : i32
        %parallel_loop3A_444 = arith.addi %parallel_loop3A_443, %parallel_loop3A_442 : i32
        %parallel_loop3A_445 = arith.index_cast %parallel_loop3A_444 : i32 to index
        %parallel_loop3A_446 = tpu.vector_load %arg6[%parallel_loop3A_445] {strides = array<i32>} : memref<4112xi32, #tpu.memory_space<vmem>>, vector<16xi32>,
        %parallel_loop3A_447 = arith.addi %parallel_loop3A_434, %parallel_loop3A_446 : vector<16xi32>
        %parallel_loop3A_448 = arith.constant 16 : i32
        %parallel_loop3A_449 = arith.muli %parallel_loop3A_334, %parallel_loop3A_448 : i32
        %parallel_loop3A_450 = arith.constant 2056 : i32
        %parallel_loop3A_451 = arith.addi %parallel_loop3A_450, %parallel_loop3A_449 : i32
        %parallel_loop3A_452 = arith.index_cast %parallel_loop3A_451 : i32 to index
        %parallel_loop3A_453 = tpu.vector_load %arg6[%parallel_loop3A_452] {strides = array<i32>} : memref<4112xi32, #tpu.memory_space<vmem>>, vector<16xi32>,
        tpu.vector_store %arg6[%parallel_loop3A_452], %broadcast_in_dim3A_132 {strides = array<i32>} : memref<4112xi32, #tpu.memory_space<vmem>>, vector<16xi32>,
        %parallel_loop3A_454 = arith.constant 16 : i32
        %parallel_loop3A_455 = arith.muli %parallel_loop3A_334, %parallel_loop3A_454 : i32
        %parallel_loop3A_456 = arith.constant 2313 : i32
        %parallel_loop3A_457 = arith.addi %parallel_loop3A_456, %parallel_loop3A_455 : i32
        %parallel_loop3A_458 = arith.index_cast %parallel_loop3A_457 : i32 to index
        %parallel_loop3A_459 = tpu.vector_load %arg6[%parallel_loop3A_458] {strides = array<i32>} : memref<4112xi32, #tpu.memory_space<vmem>>, vector<16xi32>,
        %parallel_loop3A_460 = arith.addi %parallel_loop3A_447, %parallel_loop3A_459 : vector<16xi32>
        %parallel_loop3A_461 = arith.constant 16 : i32
        %parallel_loop3A_462 = arith.muli %parallel_loop3A_334, %parallel_loop3A_461 : i32
        %parallel_loop3A_463 = arith.constant 2313 : i32
        %parallel_loop3A_464 = arith.addi %parallel_loop3A_463, %parallel_loop3A_462 : i32
        %parallel_loop3A_465 = arith.index_cast %parallel_loop3A_464 : i32 to index
        %parallel_loop3A_466 = tpu.vector_load %arg6[%parallel_loop3A_465] {strides = array<i32>} : memref<4112xi32, #tpu.memory_space<vmem>>, vector<16xi32>,
        tpu.vector_store %arg6[%parallel_loop3A_465], %broadcast_in_dim3A_132 {strides = array<i32>} : memref<4112xi32, #tpu.memory_space<vmem>>, vector<16xi32>,
        %parallel_loop3A_467 = arith.constant 16 : i32
        %parallel_loop3A_468 = arith.muli %parallel_loop3A_334, %parallel_loop3A_467 : i32
        %parallel_loop3A_469 = arith.constant 2570 : i32
        %parallel_loop3A_470 = arith.addi %parallel_loop3A_469, %parallel_loop3A_468 : i32
        %parallel_loop3A_471 = arith.index_cast %parallel_loop3A_470 : i32 to index
        %parallel_loop3A_472 = tpu.vector_load %arg6[%parallel_loop3A_471] {strides = array<i32>} : memref<4112xi32, #tpu.memory_space<vmem>>, vector<16xi32>,
        %parallel_loop3A_473 = arith.addi %parallel_loop3A_460, %parallel_loop3A_472 : vector<16xi32>
        %parallel_loop3A_474 = arith.constant 16 : i32
        %parallel_loop3A_475 = arith.muli %parallel_loop3A_334, %parallel_loop3A_474 : i32
        %parallel_loop3A_476 = arith.constant 2570 : i32
        %parallel_loop3A_477 = arith.addi %parallel_loop3A_476, %parallel_loop3A_475 : i32
        %parallel_loop3A_478 = arith.index_cast %parallel_loop3A_477 : i32 to index
        %parallel_loop3A_479 = tpu.vector_load %arg6[%parallel_loop3A_478] {strides = array<i32>} : memref<4112xi32, #tpu.memory_space<vmem>>, vector<16xi32>,
        tpu.vector_store %arg6[%parallel_loop3A_478], %broadcast_in_dim3A_132 {strides = array<i32>} : memref<4112xi32, #tpu.memory_space<vmem>>, vector<16xi32>,
        %parallel_loop3A_480 = arith.constant 16 : i32
        %parallel_loop3A_481 = arith.muli %parallel_loop3A_334, %parallel_loop3A_480 : i32
        %parallel_loop3A_482 = arith.constant 2827 : i32
        %parallel_loop3A_483 = arith.addi %parallel_loop3A_482, %parallel_loop3A_481 : i32
        %parallel_loop3A_484 = arith.index_cast %parallel_loop3A_483 : i32 to index
        %parallel_loop3A_485 = tpu.vector_load %arg6[%parallel_loop3A_484] {strides = array<i32>} : memref<4112xi32, #tpu.memory_space<vmem>>, vector<16xi32>,
        %parallel_loop3A_486 = arith.addi %parallel_loop3A_473, %parallel_loop3A_485 : vector<16xi32>
        %parallel_loop3A_487 = arith.constant 16 : i32
        %parallel_loop3A_488 = arith.muli %parallel_loop3A_334, %parallel_loop3A_487 : i32
        %parallel_loop3A_489 = arith.constant 2827 : i32
        %parallel_loop3A_490 = arith.addi %parallel_loop3A_489, %parallel_loop3A_488 : i32
        %parallel_loop3A_491 = arith.index_cast %parallel_loop3A_490 : i32 to index
        %parallel_loop3A_492 = tpu.vector_load %arg6[%parallel_loop3A_491] {strides = array<i32>} : memref<4112xi32, #tpu.memory_space<vmem>>, vector<16xi32>,
        tpu.vector_store %arg6[%parallel_loop3A_491], %broadcast_in_dim3A_132 {strides = array<i32>} : memref<4112xi32, #tpu.memory_space<vmem>>, vector<16xi32>,
        %parallel_loop3A_493 = arith.constant 16 : i32
        %parallel_loop3A_494 = arith.muli %parallel_loop3A_334, %parallel_loop3A_493 : i32
        %parallel_loop3A_495 = arith.constant 3084 : i32
        %parallel_loop3A_496 = arith.addi %parallel_loop3A_495, %parallel_loop3A_494 : i32
        %parallel_loop3A_497 = arith.index_cast %parallel_loop3A_496 : i32 to index
        %parallel_loop3A_498 = tpu.vector_load %arg6[%parallel_loop3A_497] {strides = array<i32>} : memref<4112xi32, #tpu.memory_space<vmem>>, vector<16xi32>,
        %parallel_loop3A_499 = arith.addi %parallel_loop3A_486, %parallel_loop3A_498 : vector<16xi32>
        %parallel_loop3A_500 = arith.constant 16 : i32
        %parallel_loop3A_501 = arith.muli %parallel_loop3A_334, %parallel_loop3A_500 : i32
        %parallel_loop3A_502 = arith.constant 3084 : i32
        %parallel_loop3A_503 = arith.addi %parallel_loop3A_502, %parallel_loop3A_501 : i32
        %parallel_loop3A_504 = arith.index_cast %parallel_loop3A_503 : i32 to index
        %parallel_loop3A_505 = tpu.vector_load %arg6[%parallel_loop3A_504] {strides = array<i32>} : memref<4112xi32, #tpu.memory_space<vmem>>, vector<16xi32>,
        tpu.vector_store %arg6[%parallel_loop3A_504], %broadcast_in_dim3A_132 {strides = array<i32>} : memref<4112xi32, #tpu.memory_space<vmem>>, vector<16xi32>,
        %parallel_loop3A_506 = arith.constant 16 : i32
        %parallel_loop3A_507 = arith.muli %parallel_loop3A_334, %parallel_loop3A_506 : i32
        %parallel_loop3A_508 = arith.constant 3341 : i32
        %parallel_loop3A_509 = arith.addi %parallel_loop3A_508, %parallel_loop3A_507 : i32
        %parallel_loop3A_510 = arith.index_cast %parallel_loop3A_509 : i32 to index
        %parallel_loop3A_511 = tpu.vector_load %arg6[%parallel_loop3A_510] {strides = array<i32>} : memref<4112xi32, #tpu.memory_space<vmem>>, vector<16xi32>,
        %parallel_loop3A_512 = arith.addi %parallel_loop3A_499, %parallel_loop3A_511 : vector<16xi32>
        %parallel_loop3A_513 = arith.constant 16 : i32
        %parallel_loop3A_514 = arith.muli %parallel_loop3A_334, %parallel_loop3A_513 : i32
        %parallel_loop3A_515 = arith.constant 3341 : i32
        %parallel_loop3A_516 = arith.addi %parallel_loop3A_515, %parallel_loop3A_514 : i32
        %parallel_loop3A_517 = arith.index_cast %parallel_loop3A_516 : i32 to index
        %parallel_loop3A_518 = tpu.vector_load %arg6[%parallel_loop3A_517] {strides = array<i32>} : memref<4112xi32, #tpu.memory_space<vmem>>, vector<16xi32>,
        tpu.vector_store %arg6[%parallel_loop3A_517], %broadcast_in_dim3A_132 {strides = array<i32>} : memref<4112xi32, #tpu.memory_space<vmem>>, vector<16xi32>,
        %parallel_loop3A_519 = arith.constant 16 : i32
        %parallel_loop3A_520 = arith.muli %parallel_loop3A_334, %parallel_loop3A_519 : i32
        %parallel_loop3A_521 = arith.constant 3598 : i32
        %parallel_loop3A_522 = arith.addi %parallel_loop3A_521, %parallel_loop3A_520 : i32
        %parallel_loop3A_523 = arith.index_cast %parallel_loop3A_522 : i32 to index
        %parallel_loop3A_524 = tpu.vector_load %arg6[%parallel_loop3A_523] {strides = array<i32>} : memref<4112xi32, #tpu.memory_space<vmem>>, vector<16xi32>,
        %parallel_loop3A_525 = arith.addi %parallel_loop3A_512, %parallel_loop3A_524 : vector<16xi32>
        %parallel_loop3A_526 = arith.constant 16 : i32
        %parallel_loop3A_527 = arith.muli %parallel_loop3A_334, %parallel_loop3A_526 : i32
        %parallel_loop3A_528 = arith.constant 3598 : i32
        %parallel_loop3A_529 = arith.addi %parallel_loop3A_528, %parallel_loop3A_527 : i32
        %parallel_loop3A_530 = arith.index_cast %parallel_loop3A_529 : i32 to index
        %parallel_loop3A_531 = tpu.vector_load %arg6[%parallel_loop3A_530] {strides = array<i32>} : memref<4112xi32, #tpu.memory_space<vmem>>, vector<16xi32>,
        tpu.vector_store %arg6[%parallel_loop3A_530], %broadcast_in_dim3A_132 {strides = array<i32>} : memref<4112xi32, #tpu.memory_space<vmem>>, vector<16xi32>,
        %parallel_loop3A_532 = arith.constant 16 : i32
        %parallel_loop3A_533 = arith.muli %parallel_loop3A_334, %parallel_loop3A_532 : i32
        %parallel_loop3A_534 = arith.constant 3855 : i32
        %parallel_loop3A_535 = arith.addi %parallel_loop3A_534, %parallel_loop3A_533 : i32
        %parallel_loop3A_536 = arith.index_cast %parallel_loop3A_535 : i32 to index
        %parallel_loop3A_537 = tpu.vector_load %arg6[%parallel_loop3A_536] {strides = array<i32>} : memref<4112xi32, #tpu.memory_space<vmem>>, vector<16xi32>,
        %parallel_loop3A_538 = arith.addi %parallel_loop3A_525, %parallel_loop3A_537 : vector<16xi32>
        %parallel_loop3A_539 = arith.constant 16 : i32
        %parallel_loop3A_540 = arith.muli %parallel_loop3A_334, %parallel_loop3A_539 : i32
        %parallel_loop3A_541 = arith.constant 3855 : i32
        %parallel_loop3A_542 = arith.addi %parallel_loop3A_541, %parallel_loop3A_540 : i32
        %parallel_loop3A_543 = arith.index_cast %parallel_loop3A_542 : i32 to index
        %parallel_loop3A_544 = tpu.vector_load %arg6[%parallel_loop3A_543] {strides = array<i32>} : memref<4112xi32, #tpu.memory_space<vmem>>, vector<16xi32>,
        tpu.vector_store %arg6[%parallel_loop3A_543], %broadcast_in_dim3A_132 {strides = array<i32>} : memref<4112xi32, #tpu.memory_space<vmem>>, vector<16xi32>,
        %parallel_loop3A_545 = arith.constant 15 : i32
        %parallel_loop3A_546 = vector.broadcast %parallel_loop3A_545 : i32 to vector<16xi32>
        %parallel_loop3A_547 = tpu.iota {dimensions = array<i32: 0>} : vector<16xi32>
        %parallel_loop3A_548 = arith.subi %parallel_loop3A_546, %parallel_loop3A_547 : vector<16xi32>
        %parallel_loop3A_549 = tpu.dynamic_gather %parallel_loop3A_538[%parallel_loop3A_548] in [0] : vector<16xi32>, vector<16xi32> -> vector<16xi32>
        %parallel_loop3A_550 = arith.constant true
        %parallel_loop3A_551 = vector.broadcast %parallel_loop3A_550 : i1 to vector<16xi1>
        %parallel_loop3A_552 = tpu.scan <sum>, %parallel_loop3A_549 masked %parallel_loop3A_551 : vector<16xi32>, vector<16xi1> -> vector<16xi32>
        %parallel_loop3A_553 = arith.constant 15 : i32
        %parallel_loop3A_554 = vector.broadcast %parallel_loop3A_553 : i32 to vector<16xi32>
        %parallel_loop3A_555 = tpu.iota {dimensions = array<i32: 0>} : vector<16xi32>
        %parallel_loop3A_556 = arith.subi %parallel_loop3A_554, %parallel_loop3A_555 : vector<16xi32>
        %parallel_loop3A_557 = tpu.dynamic_gather %parallel_loop3A_552[%parallel_loop3A_556] in [0] : vector<16xi32>, vector<16xi32> -> vector<16xi32>
        %parallel_loop3A_558 = arith.constant 17 : i32
        %parallel_loop3A_559 = arith.muli %parallel_loop3A_334, %parallel_loop3A_558 : i32
        %parallel_loop3A_560 = arith.constant 0 : i32
        %parallel_loop3A_561 = arith.addi %parallel_loop3A_560, %parallel_loop3A_559 : i32
        %parallel_loop3A_562 = arith.index_cast %parallel_loop3A_561 : i32 to index
        %parallel_loop3A_563 = tpu.vector_load %arg7[%parallel_loop3A_562] {strides = array<i32>} : memref<576xi32, #tpu.memory_space<vmem>>, vector<16xi32>,
        tpu.vector_store %arg7[%parallel_loop3A_562], %parallel_loop3A_557 {strides = array<i32>} : memref<576xi32, #tpu.memory_space<vmem>>, vector<16xi32>,
        %parallel_loop3A_564 = arith.constant 17 : i32
        %parallel_loop3A_565 = arith.muli %parallel_loop3A_334, %parallel_loop3A_564 : i32
        %parallel_loop3A_566 = arith.constant 288 : i32
        %parallel_loop3A_567 = arith.addi %parallel_loop3A_566, %parallel_loop3A_565 : i32
        %parallel_loop3A_568 = arith.index_cast %parallel_loop3A_567 : i32 to index
        %parallel_loop3A_569 = tpu.vector_load %arg7[%parallel_loop3A_568] {strides = array<i32>} : memref<576xi32, #tpu.memory_space<vmem>>, vector<16xi32>,
        tpu.vector_store %arg7[%parallel_loop3A_568], %parallel_loop3A_538 {strides = array<i32>} : memref<576xi32, #tpu.memory_space<vmem>>, vector<16xi32>,
      } {sc.loop_unroll_factor = 2 : i64, sc.parallel_access}
      %mul3A_137 = arith.constant 17 : i32
      %mul3A_138 = vector.broadcast %mul3A_137 : i32 to vector<16xi32>
      %mul3A_139 = arith.muli %iota3A, %mul3A_138 : vector<16xi32>
      %add3A_140 = arith.constant 0 : i32
      %add3A_141 = vector.broadcast %add3A_140 : i32 to vector<16xi32>
      %add3A_142 = arith.addi %mul3A_139, %add3A_141 : vector<16xi32>
      %gather3A_143 = tpu.vector_load_idx %arg7[%add3A_142] : memref<576xi32, #tpu.memory_space<vmem>>[vector<16xi32>], vector<16xi32>,
      %rev3A_144 = arith.constant 15 : i32
      %rev3A_145 = vector.broadcast %rev3A_144 : i32 to vector<16xi32>
      %rev3A_146 = tpu.iota {dimensions = array<i32: 0>} : vector<16xi32>
      %rev3A_147 = arith.subi %rev3A_145, %rev3A_146 : vector<16xi32>
      %rev3A_148 = tpu.dynamic_gather %gather3A_143[%rev3A_147] in [0] : vector<16xi32>, vector<16xi32> -> vector<16xi32>
      %cumsum3A_149 = arith.constant true
      %cumsum3A_150 = vector.broadcast %cumsum3A_149 : i1 to vector<16xi1>
      %cumsum3A_151 = tpu.scan <sum>, %rev3A_148 masked %cumsum3A_150 : vector<16xi32>, vector<16xi1> -> vector<16xi32>
      %rev3A_152 = arith.constant 15 : i32
      %rev3A_153 = vector.broadcast %rev3A_152 : i32 to vector<16xi32>
      %rev3A_154 = tpu.iota {dimensions = array<i32: 0>} : vector<16xi32>
      %rev3A_155 = arith.subi %rev3A_153, %rev3A_154 : vector<16xi32>
      %rev3A_156 = tpu.dynamic_gather %cumsum3A_151[%rev3A_155] in [0] : vector<16xi32>, vector<16xi32> -> vector<16xi32>
      %sub3A_157 = arith.subi %rev3A_156, %gather3A_143 : vector<16xi32>
      %broadcast_in_dim3A_158 = arith.constant 0 : i32
      %broadcast_in_dim3A_159 = vector.broadcast %broadcast_in_dim3A_158 : i32 to vector<16xi32>
      %scan3A_160 = arith.constant 0 : i32
      %scan3A_161 = arith.constant 16 : i32
      %scan3A_162 = arith.addi %scan3A_160, %scan3A_161 : i32
      %scan3A_163 = arith.constant 1 : i32
      %scan3A_164:3 = scf.for %scan3A_334 = %scan3A_160 to %scan3A_162 step %scan3A_163 iter_args(%scan3A_335 = %broadcast_in_dim3A_159, %scan3A_336 = %broadcast_in_dim3A_159, %scan3A_337 = %broadcast_in_dim3A_159) -> (vector<16xi32>, vector<16xi32>, vector<16xi32>)  : i32 {
        %add3A_338 = arith.constant 0 : i32
        %add3A_339 = arith.addi %add3A_338, %scan3A_334 : i32
        %add3A_340 = vector.broadcast %add3A_339 : i32 to vector<16xi32>
        %add3A_341 = arith.addi %mul3A_139, %add3A_340 : vector<16xi32>
        %gather3A_342 = tpu.vector_load_idx %arg7[%add3A_341] : memref<576xi32, #tpu.memory_space<vmem>>[vector<16xi32>], vector<16xi32>,
        %add3A_343 = arith.constant 288 : i32
        %add3A_344 = arith.addi %add3A_343, %scan3A_334 : i32
        %add3A_345 = vector.broadcast %add3A_344 : i32 to vector<16xi32>
        %add3A_346 = arith.addi %mul3A_139, %add3A_345 : vector<16xi32>
        %gather3A_347 = tpu.vector_load_idx %arg7[%add3A_346] : memref<576xi32, #tpu.memory_space<vmem>>[vector<16xi32>], vector<16xi32>,
        %add3A_348 = arith.addi %gather3A_342, %sub3A_157 : vector<16xi32>
        %ge3A = arith.cmpi sge, %add3A_348, %broadcast_in_dim3A_133 : vector<16xi32>
        %all_reduce_population_count3A = tpu.all_reduce %ge3A {dim = 0 : i64, kind = #tpu.reduction_kind<sum>} : vector<16xi1> -> vector<16xi32>
        %add3A_349 = arith.addi %scan3A_335, %all_reduce_population_count3A : vector<16xi32>
        %jit3A_350 = arith.constant 0 : i32
        %broadcast_in_dim3A_351 = vector.broadcast %jit3A_350 : i32 to vector<16xi32>
        %select_n3A_352 = arith.select %ge3A, %gather3A_347, %broadcast_in_dim3A_351 : vector<16xi1>, vector<16xi32>
        %add3A_353 = arith.addi %scan3A_337, %select_n3A_352 : vector<16xi32>
        %add3A_354 = arith.addi %scan3A_336, %gather3A_347 : vector<16xi32>
        scf.yield %add3A_349, %add3A_354, %add3A_353 : vector<16xi32>, vector<16xi32>, vector<16xi32>
      }
      %scan3A_165 = arith.constant 16 : i32
      %reduce_max3A_166 = arith.constant true
      %reduce_max3A_167 = vector.broadcast %reduce_max3A_166 : i1 to vector<16xi1>
      %reduce_max3A_168 = arith.constant -2147483648 : i32
      %reduce_max3A_169 = vector.broadcast %reduce_max3A_168 : i32 to vector<16xi32>
      %reduce_max3A_170 = arith.xori %scan3A_164#0, %reduce_max3A_169 : vector<16xi32>
      %reduce_max3A_171 = tpu.scan <max>, %reduce_max3A_170 masked %reduce_max3A_167 : vector<16xi32>, vector<16xi1> -> vector<16xi32>
      %reduce_max3A_172 = arith.xori %reduce_max3A_171, %reduce_max3A_169 : vector<16xi32>
      %reduce_max3A_173 = vector.extract %reduce_max3A_172[15] : i32 from vector<16xi32>
      %sub3A_174 = arith.constant 1 : i32
      %sub3A_175 = arith.subi %reduce_max3A_173, %sub3A_174 : i32
      %sub3A_176 = arith.subi %scan3A_164#1, %scan3A_164#2 : vector<16xi32>
      %reduce_sum3A_177 = arith.constant true
      %reduce_sum3A_178 = vector.broadcast %reduce_sum3A_177 : i1 to vector<16xi1>
      %reduce_sum3A_179 = tpu.scan <sum>, %sub3A_176 masked %reduce_sum3A_178 : vector<16xi32>, vector<16xi1> -> vector<16xi32>
      %reduce_sum3A_180 = vector.extract %reduce_sum3A_179[15] : i32 from vector<16xi32>
      %shift_left3A = arith.constant 8 : i32
      %shift_left3A_181 = arith.shli %sub3A_96, %shift_left3A : i32
      %or3A = arith.ori %shift_left3A_181, %sub3A_175 : i32
      %sub3A_182 = arith.subi %sub3A_102, %reduce_sum3A_180 : i32
      %reduce_max3A_183 = arith.constant true
      %reduce_max3A_184 = vector.broadcast %reduce_max3A_183 : i1 to vector<16xi1>
      %reduce_max3A_185 = arith.constant -2147483648 : i32
      %reduce_max3A_186 = vector.broadcast %reduce_max3A_185 : i32 to vector<16xi32>
      %reduce_max3A_187 = arith.xori %add3A_130, %reduce_max3A_186 : vector<16xi32>
      %reduce_max3A_188 = tpu.scan <max>, %reduce_max3A_187 masked %reduce_max3A_184 : vector<16xi32>, vector<16xi1> -> vector<16xi32>
      %reduce_max3A_189 = arith.xori %reduce_max3A_188, %reduce_max3A_186 : vector<16xi32>
      %reduce_max3A_190 = vector.extract %reduce_max3A_189[15] : i32 from vector<16xi32>
      %add3A_191 = arith.constant 15 : i32
      %add3A_192 = arith.addi %reduce_max3A_190, %add3A_191 : i32
      %shift_right_arithmetic3A = arith.constant 4 : i32
      %shift_right_arithmetic3A_193 = arith.shrsi %add3A_192, %shift_right_arithmetic3A : i32
      %jit3A_194 = arith.constant 65535 : i32
      %jit3A_195 = arith.constant 32768 : i32
      %select_n3A_196 = arith.select %lt3A_115, %jit3A_194, %jit3A_195 : i32
      %xor3A_197 = arith.xori %or3A, %select_n3A_196 : i32
      %broadcast_in_dim3A_198 = vector.broadcast %xor3A_197 : i32 to vector<16xi32>
      %parallel_loop3A_199 = arith.constant 0 : i32
      %parallel_loop3A_200 = arith.constant 1 : i32
      scf.for %parallel_loop3A_334 = %parallel_loop3A_199 to %shift_right_arithmetic3A_193 step %parallel_loop3A_200  : i32 {
        %parallel_loop3A_335 = arith.constant 16 : i32
        %parallel_loop3A_336 = arith.muli %parallel_loop3A_334, %parallel_loop3A_335 : i32
        %parallel_loop3A_337 = arith.index_cast %parallel_loop3A_336 : i32 to index
        %parallel_loop3A_338 = tpu.vector_load %arg5[%parallel_loop3A_337] {strides = array<i32>} : memref<32768xi32, #tpu.memory_space<vmem>>, vector<16xi32>,
        %parallel_loop3A_339 = arith.constant 16 : i32
        %parallel_loop3A_340 = arith.muli %parallel_loop3A_334, %parallel_loop3A_339 : i32
        %parallel_loop3A_341 = vector.broadcast %parallel_loop3A_340 : i32 to vector<16xi32>
        %parallel_loop3A_342 = arith.addi %parallel_loop3A_341, %iota3A : vector<16xi32>
        %parallel_loop3A_343 = arith.cmpi slt, %parallel_loop3A_342, %add3A_130 : vector<16xi32>
        %parallel_loop3A_344 = arith.constant 16 : i32
        %parallel_loop3A_345 = vector.broadcast %parallel_loop3A_344 : i32 to vector<16xi32>
        %parallel_loop3A_346 = arith.shrui %parallel_loop3A_338, %parallel_loop3A_345 : vector<16xi32>
        %parallel_loop3A_347 = arith.cmpi eq, %parallel_loop3A_346, %broadcast_in_dim3A_198 : vector<16xi32>
        %parallel_loop3A_348 = arith.andi %parallel_loop3A_347, %parallel_loop3A_343 : vector<16xi1>
        %parallel_loop3A_349 = arith.constant 8 : i32
        %parallel_loop3A_350 = vector.broadcast %parallel_loop3A_349 : i32 to vector<16xi32>
        %parallel_loop3A_351 = arith.shrui %parallel_loop3A_338, %parallel_loop3A_350 : vector<16xi32>
        %parallel_loop3A_352 = arith.constant 255 : i32
        %parallel_loop3A_353 = vector.broadcast %parallel_loop3A_352 : i32 to vector<16xi32>
        %parallel_loop3A_354 = arith.andi %parallel_loop3A_351, %parallel_loop3A_353 : vector<16xi32>
        %parallel_loop3A_355 = arith.xori %parallel_loop3A_354, %broadcast_in_dim3A_123 : vector<16xi32>
        %parallel_loop3A_356 = arith.addi %mul3A_3, %parallel_loop3A_355 : vector<16xi32>
        tpu.vector_store_idx %arg6[%parallel_loop3A_356], %broadcast_in_dim3A_4 masked %parallel_loop3A_348 {add = true} : memref<4112xi32, #tpu.memory_space<vmem>>[vector<16xi32>], vector<16xi32>, vector<16xi1>
      } {sc.loop_unroll_factor = 4 : i64, sc.parallel_access}
      %broadcast_in_dim3A_201 = arith.constant 0 : i32
      %broadcast_in_dim3A_202 = vector.broadcast %broadcast_in_dim3A_201 : i32 to vector<16xi32>
      %broadcast_in_dim3A_203 = vector.broadcast %sub3A_182 : i32 to vector<16xi32>
      %parallel_loop3A_204 = arith.constant 0 : i32
      %parallel_loop3A_205 = arith.constant 16 : i32
      %parallel_loop3A_206 = arith.constant 1 : i32
      scf.for %parallel_loop3A_334 = %parallel_loop3A_204 to %parallel_loop3A_205 step %parallel_loop3A_206  : i32 {
        %parallel_loop3A_335 = arith.constant 0 : i32
        %parallel_loop3A_336 = vector.broadcast %parallel_loop3A_335 : i32 to vector<16xi32>
        %parallel_loop3A_337 = arith.constant 16 : i32
        %parallel_loop3A_338 = arith.muli %parallel_loop3A_334, %parallel_loop3A_337 : i32
        %parallel_loop3A_339 = arith.constant 0 : i32
        %parallel_loop3A_340 = arith.addi %parallel_loop3A_339, %parallel_loop3A_338 : i32
        %parallel_loop3A_341 = arith.index_cast %parallel_loop3A_340 : i32 to index
        %parallel_loop3A_342 = tpu.vector_load %arg6[%parallel_loop3A_341] {strides = array<i32>} : memref<4112xi32, #tpu.memory_space<vmem>>, vector<16xi32>,
        %parallel_loop3A_343 = arith.addi %parallel_loop3A_336, %parallel_loop3A_342 : vector<16xi32>
        %parallel_loop3A_344 = arith.constant 16 : i32
        %parallel_loop3A_345 = arith.muli %parallel_loop3A_334, %parallel_loop3A_344 : i32
        %parallel_loop3A_346 = arith.constant 0 : i32
        %parallel_loop3A_347 = arith.addi %parallel_loop3A_346, %parallel_loop3A_345 : i32
        %parallel_loop3A_348 = arith.index_cast %parallel_loop3A_347 : i32 to index
        %parallel_loop3A_349 = tpu.vector_load %arg6[%parallel_loop3A_348] {strides = array<i32>} : memref<4112xi32, #tpu.memory_space<vmem>>, vector<16xi32>,
        tpu.vector_store %arg6[%parallel_loop3A_348], %broadcast_in_dim3A_202 {strides = array<i32>} : memref<4112xi32, #tpu.memory_space<vmem>>, vector<16xi32>,
        %parallel_loop3A_350 = arith.constant 16 : i32
        %parallel_loop3A_351 = arith.muli %parallel_loop3A_334, %parallel_loop3A_350 : i32
        %parallel_loop3A_352 = arith.constant 257 : i32
        %parallel_loop3A_353 = arith.addi %parallel_loop3A_352, %parallel_loop3A_351 : i32
        %parallel_loop3A_354 = arith.index_cast %parallel_loop3A_353 : i32 to index
        %parallel_loop3A_355 = tpu.vector_load %arg6[%parallel_loop3A_354] {strides = array<i32>} : memref<4112xi32, #tpu.memory_space<vmem>>, vector<16xi32>,
        %parallel_loop3A_356 = arith.addi %parallel_loop3A_343, %parallel_loop3A_355 : vector<16xi32>
        %parallel_loop3A_357 = arith.constant 16 : i32
        %parallel_loop3A_358 = arith.muli %parallel_loop3A_334, %parallel_loop3A_357 : i32
        %parallel_loop3A_359 = arith.constant 257 : i32
        %parallel_loop3A_360 = arith.addi %parallel_loop3A_359, %parallel_loop3A_358 : i32
        %parallel_loop3A_361 = arith.index_cast %parallel_loop3A_360 : i32 to index
        %parallel_loop3A_362 = tpu.vector_load %arg6[%parallel_loop3A_361] {strides = array<i32>} : memref<4112xi32, #tpu.memory_space<vmem>>, vector<16xi32>,
        tpu.vector_store %arg6[%parallel_loop3A_361], %broadcast_in_dim3A_202 {strides = array<i32>} : memref<4112xi32, #tpu.memory_space<vmem>>, vector<16xi32>,
        %parallel_loop3A_363 = arith.constant 16 : i32
        %parallel_loop3A_364 = arith.muli %parallel_loop3A_334, %parallel_loop3A_363 : i32
        %parallel_loop3A_365 = arith.constant 514 : i32
        %parallel_loop3A_366 = arith.addi %parallel_loop3A_365, %parallel_loop3A_364 : i32
        %parallel_loop3A_367 = arith.index_cast %parallel_loop3A_366 : i32 to index
        %parallel_loop3A_368 = tpu.vector_load %arg6[%parallel_loop3A_367] {strides = array<i32>} : memref<4112xi32, #tpu.memory_space<vmem>>, vector<16xi32>,
        %parallel_loop3A_369 = arith.addi %parallel_loop3A_356, %parallel_loop3A_368 : vector<16xi32>
        %parallel_loop3A_370 = arith.constant 16 : i32
        %parallel_loop3A_371 = arith.muli %parallel_loop3A_334, %parallel_loop3A_370 : i32
        %parallel_loop3A_372 = arith.constant 514 : i32
        %parallel_loop3A_373 = arith.addi %parallel_loop3A_372, %parallel_loop3A_371 : i32
        %parallel_loop3A_374 = arith.index_cast %parallel_loop3A_373 : i32 to index
        %parallel_loop3A_375 = tpu.vector_load %arg6[%parallel_loop3A_374] {strides = array<i32>} : memref<4112xi32, #tpu.memory_space<vmem>>, vector<16xi32>,
        tpu.vector_store %arg6[%parallel_loop3A_374], %broadcast_in_dim3A_202 {strides = array<i32>} : memref<4112xi32, #tpu.memory_space<vmem>>, vector<16xi32>,
        %parallel_loop3A_376 = arith.constant 16 : i32
        %parallel_loop3A_377 = arith.muli %parallel_loop3A_334, %parallel_loop3A_376 : i32
        %parallel_loop3A_378 = arith.constant 771 : i32
        %parallel_loop3A_379 = arith.addi %parallel_loop3A_378, %parallel_loop3A_377 : i32
        %parallel_loop3A_380 = arith.index_cast %parallel_loop3A_379 : i32 to index
        %parallel_loop3A_381 = tpu.vector_load %arg6[%parallel_loop3A_380] {strides = array<i32>} : memref<4112xi32, #tpu.memory_space<vmem>>, vector<16xi32>,
        %parallel_loop3A_382 = arith.addi %parallel_loop3A_369, %parallel_loop3A_381 : vector<16xi32>
        %parallel_loop3A_383 = arith.constant 16 : i32
        %parallel_loop3A_384 = arith.muli %parallel_loop3A_334, %parallel_loop3A_383 : i32
        %parallel_loop3A_385 = arith.constant 771 : i32
        %parallel_loop3A_386 = arith.addi %parallel_loop3A_385, %parallel_loop3A_384 : i32
        %parallel_loop3A_387 = arith.index_cast %parallel_loop3A_386 : i32 to index
        %parallel_loop3A_388 = tpu.vector_load %arg6[%parallel_loop3A_387] {strides = array<i32>} : memref<4112xi32, #tpu.memory_space<vmem>>, vector<16xi32>,
        tpu.vector_store %arg6[%parallel_loop3A_387], %broadcast_in_dim3A_202 {strides = array<i32>} : memref<4112xi32, #tpu.memory_space<vmem>>, vector<16xi32>,
        %parallel_loop3A_389 = arith.constant 16 : i32
        %parallel_loop3A_390 = arith.muli %parallel_loop3A_334, %parallel_loop3A_389 : i32
        %parallel_loop3A_391 = arith.constant 1028 : i32
        %parallel_loop3A_392 = arith.addi %parallel_loop3A_391, %parallel_loop3A_390 : i32
        %parallel_loop3A_393 = arith.index_cast %parallel_loop3A_392 : i32 to index
        %parallel_loop3A_394 = tpu.vector_load %arg6[%parallel_loop3A_393] {strides = array<i32>} : memref<4112xi32, #tpu.memory_space<vmem>>, vector<16xi32>,
        %parallel_loop3A_395 = arith.addi %parallel_loop3A_382, %parallel_loop3A_394 : vector<16xi32>
        %parallel_loop3A_396 = arith.constant 16 : i32
        %parallel_loop3A_397 = arith.muli %parallel_loop3A_334, %parallel_loop3A_396 : i32
        %parallel_loop3A_398 = arith.constant 1028 : i32
        %parallel_loop3A_399 = arith.addi %parallel_loop3A_398, %parallel_loop3A_397 : i32
        %parallel_loop3A_400 = arith.index_cast %parallel_loop3A_399 : i32 to index
        %parallel_loop3A_401 = tpu.vector_load %arg6[%parallel_loop3A_400] {strides = array<i32>} : memref<4112xi32, #tpu.memory_space<vmem>>, vector<16xi32>,
        tpu.vector_store %arg6[%parallel_loop3A_400], %broadcast_in_dim3A_202 {strides = array<i32>} : memref<4112xi32, #tpu.memory_space<vmem>>, vector<16xi32>,
        %parallel_loop3A_402 = arith.constant 16 : i32
        %parallel_loop3A_403 = arith.muli %parallel_loop3A_334, %parallel_loop3A_402 : i32
        %parallel_loop3A_404 = arith.constant 1285 : i32
        %parallel_loop3A_405 = arith.addi %parallel_loop3A_404, %parallel_loop3A_403 : i32
        %parallel_loop3A_406 = arith.index_cast %parallel_loop3A_405 : i32 to index
        %parallel_loop3A_407 = tpu.vector_load %arg6[%parallel_loop3A_406] {strides = array<i32>} : memref<4112xi32, #tpu.memory_space<vmem>>, vector<16xi32>,
        %parallel_loop3A_408 = arith.addi %parallel_loop3A_395, %parallel_loop3A_407 : vector<16xi32>
        %parallel_loop3A_409 = arith.constant 16 : i32
        %parallel_loop3A_410 = arith.muli %parallel_loop3A_334, %parallel_loop3A_409 : i32
        %parallel_loop3A_411 = arith.constant 1285 : i32
        %parallel_loop3A_412 = arith.addi %parallel_loop3A_411, %parallel_loop3A_410 : i32
        %parallel_loop3A_413 = arith.index_cast %parallel_loop3A_412 : i32 to index
        %parallel_loop3A_414 = tpu.vector_load %arg6[%parallel_loop3A_413] {strides = array<i32>} : memref<4112xi32, #tpu.memory_space<vmem>>, vector<16xi32>,
        tpu.vector_store %arg6[%parallel_loop3A_413], %broadcast_in_dim3A_202 {strides = array<i32>} : memref<4112xi32, #tpu.memory_space<vmem>>, vector<16xi32>,
        %parallel_loop3A_415 = arith.constant 16 : i32
        %parallel_loop3A_416 = arith.muli %parallel_loop3A_334, %parallel_loop3A_415 : i32
        %parallel_loop3A_417 = arith.constant 1542 : i32
        %parallel_loop3A_418 = arith.addi %parallel_loop3A_417, %parallel_loop3A_416 : i32
        %parallel_loop3A_419 = arith.index_cast %parallel_loop3A_418 : i32 to index
        %parallel_loop3A_420 = tpu.vector_load %arg6[%parallel_loop3A_419] {strides = array<i32>} : memref<4112xi32, #tpu.memory_space<vmem>>, vector<16xi32>,
        %parallel_loop3A_421 = arith.addi %parallel_loop3A_408, %parallel_loop3A_420 : vector<16xi32>
        %parallel_loop3A_422 = arith.constant 16 : i32
        %parallel_loop3A_423 = arith.muli %parallel_loop3A_334, %parallel_loop3A_422 : i32
        %parallel_loop3A_424 = arith.constant 1542 : i32
        %parallel_loop3A_425 = arith.addi %parallel_loop3A_424, %parallel_loop3A_423 : i32
        %parallel_loop3A_426 = arith.index_cast %parallel_loop3A_425 : i32 to index
        %parallel_loop3A_427 = tpu.vector_load %arg6[%parallel_loop3A_426] {strides = array<i32>} : memref<4112xi32, #tpu.memory_space<vmem>>, vector<16xi32>,
        tpu.vector_store %arg6[%parallel_loop3A_426], %broadcast_in_dim3A_202 {strides = array<i32>} : memref<4112xi32, #tpu.memory_space<vmem>>, vector<16xi32>,
        %parallel_loop3A_428 = arith.constant 16 : i32
        %parallel_loop3A_429 = arith.muli %parallel_loop3A_334, %parallel_loop3A_428 : i32
        %parallel_loop3A_430 = arith.constant 1799 : i32
        %parallel_loop3A_431 = arith.addi %parallel_loop3A_430, %parallel_loop3A_429 : i32
        %parallel_loop3A_432 = arith.index_cast %parallel_loop3A_431 : i32 to index
        %parallel_loop3A_433 = tpu.vector_load %arg6[%parallel_loop3A_432] {strides = array<i32>} : memref<4112xi32, #tpu.memory_space<vmem>>, vector<16xi32>,
        %parallel_loop3A_434 = arith.addi %parallel_loop3A_421, %parallel_loop3A_433 : vector<16xi32>
        %parallel_loop3A_435 = arith.constant 16 : i32
        %parallel_loop3A_436 = arith.muli %parallel_loop3A_334, %parallel_loop3A_435 : i32
        %parallel_loop3A_437 = arith.constant 1799 : i32
        %parallel_loop3A_438 = arith.addi %parallel_loop3A_437, %parallel_loop3A_436 : i32
        %parallel_loop3A_439 = arith.index_cast %parallel_loop3A_438 : i32 to index
        %parallel_loop3A_440 = tpu.vector_load %arg6[%parallel_loop3A_439] {strides = array<i32>} : memref<4112xi32, #tpu.memory_space<vmem>>, vector<16xi32>,
        tpu.vector_store %arg6[%parallel_loop3A_439], %broadcast_in_dim3A_202 {strides = array<i32>} : memref<4112xi32, #tpu.memory_space<vmem>>, vector<16xi32>,
        %parallel_loop3A_441 = arith.constant 16 : i32
        %parallel_loop3A_442 = arith.muli %parallel_loop3A_334, %parallel_loop3A_441 : i32
        %parallel_loop3A_443 = arith.constant 2056 : i32
        %parallel_loop3A_444 = arith.addi %parallel_loop3A_443, %parallel_loop3A_442 : i32
        %parallel_loop3A_445 = arith.index_cast %parallel_loop3A_444 : i32 to index
        %parallel_loop3A_446 = tpu.vector_load %arg6[%parallel_loop3A_445] {strides = array<i32>} : memref<4112xi32, #tpu.memory_space<vmem>>, vector<16xi32>,
        %parallel_loop3A_447 = arith.addi %parallel_loop3A_434, %parallel_loop3A_446 : vector<16xi32>
        %parallel_loop3A_448 = arith.constant 16 : i32
        %parallel_loop3A_449 = arith.muli %parallel_loop3A_334, %parallel_loop3A_448 : i32
        %parallel_loop3A_450 = arith.constant 2056 : i32
        %parallel_loop3A_451 = arith.addi %parallel_loop3A_450, %parallel_loop3A_449 : i32
        %parallel_loop3A_452 = arith.index_cast %parallel_loop3A_451 : i32 to index
        %parallel_loop3A_453 = tpu.vector_load %arg6[%parallel_loop3A_452] {strides = array<i32>} : memref<4112xi32, #tpu.memory_space<vmem>>, vector<16xi32>,
        tpu.vector_store %arg6[%parallel_loop3A_452], %broadcast_in_dim3A_202 {strides = array<i32>} : memref<4112xi32, #tpu.memory_space<vmem>>, vector<16xi32>,
        %parallel_loop3A_454 = arith.constant 16 : i32
        %parallel_loop3A_455 = arith.muli %parallel_loop3A_334, %parallel_loop3A_454 : i32
        %parallel_loop3A_456 = arith.constant 2313 : i32
        %parallel_loop3A_457 = arith.addi %parallel_loop3A_456, %parallel_loop3A_455 : i32
        %parallel_loop3A_458 = arith.index_cast %parallel_loop3A_457 : i32 to index
        %parallel_loop3A_459 = tpu.vector_load %arg6[%parallel_loop3A_458] {strides = array<i32>} : memref<4112xi32, #tpu.memory_space<vmem>>, vector<16xi32>,
        %parallel_loop3A_460 = arith.addi %parallel_loop3A_447, %parallel_loop3A_459 : vector<16xi32>
        %parallel_loop3A_461 = arith.constant 16 : i32
        %parallel_loop3A_462 = arith.muli %parallel_loop3A_334, %parallel_loop3A_461 : i32
        %parallel_loop3A_463 = arith.constant 2313 : i32
        %parallel_loop3A_464 = arith.addi %parallel_loop3A_463, %parallel_loop3A_462 : i32
        %parallel_loop3A_465 = arith.index_cast %parallel_loop3A_464 : i32 to index
        %parallel_loop3A_466 = tpu.vector_load %arg6[%parallel_loop3A_465] {strides = array<i32>} : memref<4112xi32, #tpu.memory_space<vmem>>, vector<16xi32>,
        tpu.vector_store %arg6[%parallel_loop3A_465], %broadcast_in_dim3A_202 {strides = array<i32>} : memref<4112xi32, #tpu.memory_space<vmem>>, vector<16xi32>,
        %parallel_loop3A_467 = arith.constant 16 : i32
        %parallel_loop3A_468 = arith.muli %parallel_loop3A_334, %parallel_loop3A_467 : i32
        %parallel_loop3A_469 = arith.constant 2570 : i32
        %parallel_loop3A_470 = arith.addi %parallel_loop3A_469, %parallel_loop3A_468 : i32
        %parallel_loop3A_471 = arith.index_cast %parallel_loop3A_470 : i32 to index
        %parallel_loop3A_472 = tpu.vector_load %arg6[%parallel_loop3A_471] {strides = array<i32>} : memref<4112xi32, #tpu.memory_space<vmem>>, vector<16xi32>,
        %parallel_loop3A_473 = arith.addi %parallel_loop3A_460, %parallel_loop3A_472 : vector<16xi32>
        %parallel_loop3A_474 = arith.constant 16 : i32
        %parallel_loop3A_475 = arith.muli %parallel_loop3A_334, %parallel_loop3A_474 : i32
        %parallel_loop3A_476 = arith.constant 2570 : i32
        %parallel_loop3A_477 = arith.addi %parallel_loop3A_476, %parallel_loop3A_475 : i32
        %parallel_loop3A_478 = arith.index_cast %parallel_loop3A_477 : i32 to index
        %parallel_loop3A_479 = tpu.vector_load %arg6[%parallel_loop3A_478] {strides = array<i32>} : memref<4112xi32, #tpu.memory_space<vmem>>, vector<16xi32>,
        tpu.vector_store %arg6[%parallel_loop3A_478], %broadcast_in_dim3A_202 {strides = array<i32>} : memref<4112xi32, #tpu.memory_space<vmem>>, vector<16xi32>,
        %parallel_loop3A_480 = arith.constant 16 : i32
        %parallel_loop3A_481 = arith.muli %parallel_loop3A_334, %parallel_loop3A_480 : i32
        %parallel_loop3A_482 = arith.constant 2827 : i32
        %parallel_loop3A_483 = arith.addi %parallel_loop3A_482, %parallel_loop3A_481 : i32
        %parallel_loop3A_484 = arith.index_cast %parallel_loop3A_483 : i32 to index
        %parallel_loop3A_485 = tpu.vector_load %arg6[%parallel_loop3A_484] {strides = array<i32>} : memref<4112xi32, #tpu.memory_space<vmem>>, vector<16xi32>,
        %parallel_loop3A_486 = arith.addi %parallel_loop3A_473, %parallel_loop3A_485 : vector<16xi32>
        %parallel_loop3A_487 = arith.constant 16 : i32
        %parallel_loop3A_488 = arith.muli %parallel_loop3A_334, %parallel_loop3A_487 : i32
        %parallel_loop3A_489 = arith.constant 2827 : i32
        %parallel_loop3A_490 = arith.addi %parallel_loop3A_489, %parallel_loop3A_488 : i32
        %parallel_loop3A_491 = arith.index_cast %parallel_loop3A_490 : i32 to index
        %parallel_loop3A_492 = tpu.vector_load %arg6[%parallel_loop3A_491] {strides = array<i32>} : memref<4112xi32, #tpu.memory_space<vmem>>, vector<16xi32>,
        tpu.vector_store %arg6[%parallel_loop3A_491], %broadcast_in_dim3A_202 {strides = array<i32>} : memref<4112xi32, #tpu.memory_space<vmem>>, vector<16xi32>,
        %parallel_loop3A_493 = arith.constant 16 : i32
        %parallel_loop3A_494 = arith.muli %parallel_loop3A_334, %parallel_loop3A_493 : i32
        %parallel_loop3A_495 = arith.constant 3084 : i32
        %parallel_loop3A_496 = arith.addi %parallel_loop3A_495, %parallel_loop3A_494 : i32
        %parallel_loop3A_497 = arith.index_cast %parallel_loop3A_496 : i32 to index
        %parallel_loop3A_498 = tpu.vector_load %arg6[%parallel_loop3A_497] {strides = array<i32>} : memref<4112xi32, #tpu.memory_space<vmem>>, vector<16xi32>,
        %parallel_loop3A_499 = arith.addi %parallel_loop3A_486, %parallel_loop3A_498 : vector<16xi32>
        %parallel_loop3A_500 = arith.constant 16 : i32
        %parallel_loop3A_501 = arith.muli %parallel_loop3A_334, %parallel_loop3A_500 : i32
        %parallel_loop3A_502 = arith.constant 3084 : i32
        %parallel_loop3A_503 = arith.addi %parallel_loop3A_502, %parallel_loop3A_501 : i32
        %parallel_loop3A_504 = arith.index_cast %parallel_loop3A_503 : i32 to index
        %parallel_loop3A_505 = tpu.vector_load %arg6[%parallel_loop3A_504] {strides = array<i32>} : memref<4112xi32, #tpu.memory_space<vmem>>, vector<16xi32>,
        tpu.vector_store %arg6[%parallel_loop3A_504], %broadcast_in_dim3A_202 {strides = array<i32>} : memref<4112xi32, #tpu.memory_space<vmem>>, vector<16xi32>,
        %parallel_loop3A_506 = arith.constant 16 : i32
        %parallel_loop3A_507 = arith.muli %parallel_loop3A_334, %parallel_loop3A_506 : i32
        %parallel_loop3A_508 = arith.constant 3341 : i32
        %parallel_loop3A_509 = arith.addi %parallel_loop3A_508, %parallel_loop3A_507 : i32
        %parallel_loop3A_510 = arith.index_cast %parallel_loop3A_509 : i32 to index
        %parallel_loop3A_511 = tpu.vector_load %arg6[%parallel_loop3A_510] {strides = array<i32>} : memref<4112xi32, #tpu.memory_space<vmem>>, vector<16xi32>,
        %parallel_loop3A_512 = arith.addi %parallel_loop3A_499, %parallel_loop3A_511 : vector<16xi32>
        %parallel_loop3A_513 = arith.constant 16 : i32
        %parallel_loop3A_514 = arith.muli %parallel_loop3A_334, %parallel_loop3A_513 : i32
        %parallel_loop3A_515 = arith.constant 3341 : i32
        %parallel_loop3A_516 = arith.addi %parallel_loop3A_515, %parallel_loop3A_514 : i32
        %parallel_loop3A_517 = arith.index_cast %parallel_loop3A_516 : i32 to index
        %parallel_loop3A_518 = tpu.vector_load %arg6[%parallel_loop3A_517] {strides = array<i32>} : memref<4112xi32, #tpu.memory_space<vmem>>, vector<16xi32>,
        tpu.vector_store %arg6[%parallel_loop3A_517], %broadcast_in_dim3A_202 {strides = array<i32>} : memref<4112xi32, #tpu.memory_space<vmem>>, vector<16xi32>,
        %parallel_loop3A_519 = arith.constant 16 : i32
        %parallel_loop3A_520 = arith.muli %parallel_loop3A_334, %parallel_loop3A_519 : i32
        %parallel_loop3A_521 = arith.constant 3598 : i32
        %parallel_loop3A_522 = arith.addi %parallel_loop3A_521, %parallel_loop3A_520 : i32
        %parallel_loop3A_523 = arith.index_cast %parallel_loop3A_522 : i32 to index
        %parallel_loop3A_524 = tpu.vector_load %arg6[%parallel_loop3A_523] {strides = array<i32>} : memref<4112xi32, #tpu.memory_space<vmem>>, vector<16xi32>,
        %parallel_loop3A_525 = arith.addi %parallel_loop3A_512, %parallel_loop3A_524 : vector<16xi32>
        %parallel_loop3A_526 = arith.constant 16 : i32
        %parallel_loop3A_527 = arith.muli %parallel_loop3A_334, %parallel_loop3A_526 : i32
        %parallel_loop3A_528 = arith.constant 3598 : i32
        %parallel_loop3A_529 = arith.addi %parallel_loop3A_528, %parallel_loop3A_527 : i32
        %parallel_loop3A_530 = arith.index_cast %parallel_loop3A_529 : i32 to index
        %parallel_loop3A_531 = tpu.vector_load %arg6[%parallel_loop3A_530] {strides = array<i32>} : memref<4112xi32, #tpu.memory_space<vmem>>, vector<16xi32>,
        tpu.vector_store %arg6[%parallel_loop3A_530], %broadcast_in_dim3A_202 {strides = array<i32>} : memref<4112xi32, #tpu.memory_space<vmem>>, vector<16xi32>,
        %parallel_loop3A_532 = arith.constant 16 : i32
        %parallel_loop3A_533 = arith.muli %parallel_loop3A_334, %parallel_loop3A_532 : i32
        %parallel_loop3A_534 = arith.constant 3855 : i32
        %parallel_loop3A_535 = arith.addi %parallel_loop3A_534, %parallel_loop3A_533 : i32
        %parallel_loop3A_536 = arith.index_cast %parallel_loop3A_535 : i32 to index
        %parallel_loop3A_537 = tpu.vector_load %arg6[%parallel_loop3A_536] {strides = array<i32>} : memref<4112xi32, #tpu.memory_space<vmem>>, vector<16xi32>,
        %parallel_loop3A_538 = arith.addi %parallel_loop3A_525, %parallel_loop3A_537 : vector<16xi32>
        %parallel_loop3A_539 = arith.constant 16 : i32
        %parallel_loop3A_540 = arith.muli %parallel_loop3A_334, %parallel_loop3A_539 : i32
        %parallel_loop3A_541 = arith.constant 3855 : i32
        %parallel_loop3A_542 = arith.addi %parallel_loop3A_541, %parallel_loop3A_540 : i32
        %parallel_loop3A_543 = arith.index_cast %parallel_loop3A_542 : i32 to index
        %parallel_loop3A_544 = tpu.vector_load %arg6[%parallel_loop3A_543] {strides = array<i32>} : memref<4112xi32, #tpu.memory_space<vmem>>, vector<16xi32>,
        tpu.vector_store %arg6[%parallel_loop3A_543], %broadcast_in_dim3A_202 {strides = array<i32>} : memref<4112xi32, #tpu.memory_space<vmem>>, vector<16xi32>,
        %parallel_loop3A_545 = arith.constant 15 : i32
        %parallel_loop3A_546 = vector.broadcast %parallel_loop3A_545 : i32 to vector<16xi32>
        %parallel_loop3A_547 = tpu.iota {dimensions = array<i32: 0>} : vector<16xi32>
        %parallel_loop3A_548 = arith.subi %parallel_loop3A_546, %parallel_loop3A_547 : vector<16xi32>
        %parallel_loop3A_549 = tpu.dynamic_gather %parallel_loop3A_538[%parallel_loop3A_548] in [0] : vector<16xi32>, vector<16xi32> -> vector<16xi32>
        %parallel_loop3A_550 = arith.constant true
        %parallel_loop3A_551 = vector.broadcast %parallel_loop3A_550 : i1 to vector<16xi1>
        %parallel_loop3A_552 = tpu.scan <sum>, %parallel_loop3A_549 masked %parallel_loop3A_551 : vector<16xi32>, vector<16xi1> -> vector<16xi32>
        %parallel_loop3A_553 = arith.constant 15 : i32
        %parallel_loop3A_554 = vector.broadcast %parallel_loop3A_553 : i32 to vector<16xi32>
        %parallel_loop3A_555 = tpu.iota {dimensions = array<i32: 0>} : vector<16xi32>
        %parallel_loop3A_556 = arith.subi %parallel_loop3A_554, %parallel_loop3A_555 : vector<16xi32>
        %parallel_loop3A_557 = tpu.dynamic_gather %parallel_loop3A_552[%parallel_loop3A_556] in [0] : vector<16xi32>, vector<16xi32> -> vector<16xi32>
        %parallel_loop3A_558 = arith.constant 17 : i32
        %parallel_loop3A_559 = arith.muli %parallel_loop3A_334, %parallel_loop3A_558 : i32
        %parallel_loop3A_560 = arith.constant 0 : i32
        %parallel_loop3A_561 = arith.addi %parallel_loop3A_560, %parallel_loop3A_559 : i32
        %parallel_loop3A_562 = arith.index_cast %parallel_loop3A_561 : i32 to index
        %parallel_loop3A_563 = tpu.vector_load %arg7[%parallel_loop3A_562] {strides = array<i32>} : memref<576xi32, #tpu.memory_space<vmem>>, vector<16xi32>,
        tpu.vector_store %arg7[%parallel_loop3A_562], %parallel_loop3A_557 {strides = array<i32>} : memref<576xi32, #tpu.memory_space<vmem>>, vector<16xi32>,
        %parallel_loop3A_564 = arith.constant 17 : i32
        %parallel_loop3A_565 = arith.muli %parallel_loop3A_334, %parallel_loop3A_564 : i32
        %parallel_loop3A_566 = arith.constant 288 : i32
        %parallel_loop3A_567 = arith.addi %parallel_loop3A_566, %parallel_loop3A_565 : i32
        %parallel_loop3A_568 = arith.index_cast %parallel_loop3A_567 : i32 to index
        %parallel_loop3A_569 = tpu.vector_load %arg7[%parallel_loop3A_568] {strides = array<i32>} : memref<576xi32, #tpu.memory_space<vmem>>, vector<16xi32>,
        tpu.vector_store %arg7[%parallel_loop3A_568], %parallel_loop3A_538 {strides = array<i32>} : memref<576xi32, #tpu.memory_space<vmem>>, vector<16xi32>,
      } {sc.loop_unroll_factor = 2 : i64, sc.parallel_access}
      %mul3A_207 = arith.constant 17 : i32
      %mul3A_208 = vector.broadcast %mul3A_207 : i32 to vector<16xi32>
      %mul3A_209 = arith.muli %iota3A, %mul3A_208 : vector<16xi32>
      %add3A_210 = arith.constant 0 : i32
      %add3A_211 = vector.broadcast %add3A_210 : i32 to vector<16xi32>
      %add3A_212 = arith.addi %mul3A_209, %add3A_211 : vector<16xi32>
      %gather3A_213 = tpu.vector_load_idx %arg7[%add3A_212] : memref<576xi32, #tpu.memory_space<vmem>>[vector<16xi32>], vector<16xi32>,
      %rev3A_214 = arith.constant 15 : i32
      %rev3A_215 = vector.broadcast %rev3A_214 : i32 to vector<16xi32>
      %rev3A_216 = tpu.iota {dimensions = array<i32: 0>} : vector<16xi32>
      %rev3A_217 = arith.subi %rev3A_215, %rev3A_216 : vector<16xi32>
      %rev3A_218 = tpu.dynamic_gather %gather3A_213[%rev3A_217] in [0] : vector<16xi32>, vector<16xi32> -> vector<16xi32>
      %cumsum3A_219 = arith.constant true
      %cumsum3A_220 = vector.broadcast %cumsum3A_219 : i1 to vector<16xi1>
      %cumsum3A_221 = tpu.scan <sum>, %rev3A_218 masked %cumsum3A_220 : vector<16xi32>, vector<16xi1> -> vector<16xi32>
      %rev3A_222 = arith.constant 15 : i32
      %rev3A_223 = vector.broadcast %rev3A_222 : i32 to vector<16xi32>
      %rev3A_224 = tpu.iota {dimensions = array<i32: 0>} : vector<16xi32>
      %rev3A_225 = arith.subi %rev3A_223, %rev3A_224 : vector<16xi32>
      %rev3A_226 = tpu.dynamic_gather %cumsum3A_221[%rev3A_225] in [0] : vector<16xi32>, vector<16xi32> -> vector<16xi32>
      %sub3A_227 = arith.subi %rev3A_226, %gather3A_213 : vector<16xi32>
      %broadcast_in_dim3A_228 = arith.constant 0 : i32
      %broadcast_in_dim3A_229 = vector.broadcast %broadcast_in_dim3A_228 : i32 to vector<16xi32>
      %scan3A_230 = arith.constant 0 : i32
      %scan3A_231 = arith.constant 16 : i32
      %scan3A_232 = arith.addi %scan3A_230, %scan3A_231 : i32
      %scan3A_233 = arith.constant 1 : i32
      %scan3A_234:3 = scf.for %scan3A_334 = %scan3A_230 to %scan3A_232 step %scan3A_233 iter_args(%scan3A_335 = %broadcast_in_dim3A_229, %scan3A_336 = %broadcast_in_dim3A_229, %scan3A_337 = %broadcast_in_dim3A_229) -> (vector<16xi32>, vector<16xi32>, vector<16xi32>)  : i32 {
        %add3A_338 = arith.constant 0 : i32
        %add3A_339 = arith.addi %add3A_338, %scan3A_334 : i32
        %add3A_340 = vector.broadcast %add3A_339 : i32 to vector<16xi32>
        %add3A_341 = arith.addi %mul3A_209, %add3A_340 : vector<16xi32>
        %gather3A_342 = tpu.vector_load_idx %arg7[%add3A_341] : memref<576xi32, #tpu.memory_space<vmem>>[vector<16xi32>], vector<16xi32>,
        %add3A_343 = arith.constant 288 : i32
        %add3A_344 = arith.addi %add3A_343, %scan3A_334 : i32
        %add3A_345 = vector.broadcast %add3A_344 : i32 to vector<16xi32>
        %add3A_346 = arith.addi %mul3A_209, %add3A_345 : vector<16xi32>
        %gather3A_347 = tpu.vector_load_idx %arg7[%add3A_346] : memref<576xi32, #tpu.memory_space<vmem>>[vector<16xi32>], vector<16xi32>,
        %add3A_348 = arith.addi %gather3A_342, %sub3A_227 : vector<16xi32>
        %ge3A = arith.cmpi sge, %add3A_348, %broadcast_in_dim3A_203 : vector<16xi32>
        %all_reduce_population_count3A = tpu.all_reduce %ge3A {dim = 0 : i64, kind = #tpu.reduction_kind<sum>} : vector<16xi1> -> vector<16xi32>
        %add3A_349 = arith.addi %scan3A_335, %all_reduce_population_count3A : vector<16xi32>
        %jit3A_350 = arith.constant 0 : i32
        %broadcast_in_dim3A_351 = vector.broadcast %jit3A_350 : i32 to vector<16xi32>
        %select_n3A_352 = arith.select %ge3A, %gather3A_347, %broadcast_in_dim3A_351 : vector<16xi1>, vector<16xi32>
        %add3A_353 = arith.addi %scan3A_337, %select_n3A_352 : vector<16xi32>
        %add3A_354 = arith.addi %scan3A_336, %gather3A_347 : vector<16xi32>
        scf.yield %add3A_349, %add3A_354, %add3A_353 : vector<16xi32>, vector<16xi32>, vector<16xi32>
      }
      %scan3A_235 = arith.constant 16 : i32
      %reduce_max3A_236 = arith.constant true
      %reduce_max3A_237 = vector.broadcast %reduce_max3A_236 : i1 to vector<16xi1>
      %reduce_max3A_238 = arith.constant -2147483648 : i32
      %reduce_max3A_239 = vector.broadcast %reduce_max3A_238 : i32 to vector<16xi32>
      %reduce_max3A_240 = arith.xori %scan3A_234#0, %reduce_max3A_239 : vector<16xi32>
      %reduce_max3A_241 = tpu.scan <max>, %reduce_max3A_240 masked %reduce_max3A_237 : vector<16xi32>, vector<16xi1> -> vector<16xi32>
      %reduce_max3A_242 = arith.xori %reduce_max3A_241, %reduce_max3A_239 : vector<16xi32>
      %reduce_max3A_243 = vector.extract %reduce_max3A_242[15] : i32 from vector<16xi32>
      %sub3A_244 = arith.constant 1 : i32
      %sub3A_245 = arith.subi %reduce_max3A_243, %sub3A_244 : i32
      %sub3A_246 = arith.subi %scan3A_234#1, %scan3A_234#2 : vector<16xi32>
      %reduce_sum3A_247 = arith.constant true
      %reduce_sum3A_248 = vector.broadcast %reduce_sum3A_247 : i1 to vector<16xi1>
      %reduce_sum3A_249 = tpu.scan <sum>, %sub3A_246 masked %reduce_sum3A_248 : vector<16xi32>, vector<16xi1> -> vector<16xi32>
      %reduce_sum3A_250 = vector.extract %reduce_sum3A_249[15] : i32 from vector<16xi32>
      %shift_left3A_251 = arith.constant 8 : i32
      %shift_left3A_252 = arith.shli %or3A, %shift_left3A_251 : i32
      %or3A_253 = arith.ori %shift_left3A_252, %sub3A_245 : i32
      %sub3A_254 = arith.subi %sub3A_182, %reduce_sum3A_250 : i32
      %jit3A_255 = arith.constant 16777215 : i32
      %jit3A_256 = arith.constant 8388608 : i32
      %select_n3A_257 = arith.select %lt3A_115, %jit3A_255, %jit3A_256 : i32
      %xor3A_258 = arith.xori %or3A_253, %select_n3A_257 : i32
      %broadcast_in_dim3A_259 = vector.broadcast %xor3A_258 : i32 to vector<16xi32>
      %parallel_loop3A_260 = arith.constant 0 : i32
      %parallel_loop3A_261 = arith.constant 1 : i32
      scf.for %parallel_loop3A_334 = %parallel_loop3A_260 to %shift_right_arithmetic3A_193 step %parallel_loop3A_261  : i32 {
        %parallel_loop3A_335 = arith.constant 16 : i32
        %parallel_loop3A_336 = arith.muli %parallel_loop3A_334, %parallel_loop3A_335 : i32
        %parallel_loop3A_337 = arith.index_cast %parallel_loop3A_336 : i32 to index
        %parallel_loop3A_338 = tpu.vector_load %arg5[%parallel_loop3A_337] {strides = array<i32>} : memref<32768xi32, #tpu.memory_space<vmem>>, vector<16xi32>,
        %parallel_loop3A_339 = arith.constant 16 : i32
        %parallel_loop3A_340 = arith.muli %parallel_loop3A_334, %parallel_loop3A_339 : i32
        %parallel_loop3A_341 = vector.broadcast %parallel_loop3A_340 : i32 to vector<16xi32>
        %parallel_loop3A_342 = arith.addi %parallel_loop3A_341, %iota3A : vector<16xi32>
        %parallel_loop3A_343 = arith.cmpi slt, %parallel_loop3A_342, %add3A_130 : vector<16xi32>
        %parallel_loop3A_344 = arith.constant 8 : i32
        %parallel_loop3A_345 = vector.broadcast %parallel_loop3A_344 : i32 to vector<16xi32>
        %parallel_loop3A_346 = arith.shrui %parallel_loop3A_338, %parallel_loop3A_345 : vector<16xi32>
        %parallel_loop3A_347 = arith.cmpi eq, %parallel_loop3A_346, %broadcast_in_dim3A_259 : vector<16xi32>
        %parallel_loop3A_348 = arith.andi %parallel_loop3A_347, %parallel_loop3A_343 : vector<16xi1>
        %parallel_loop3A_349 = arith.constant 255 : i32
        %parallel_loop3A_350 = vector.broadcast %parallel_loop3A_349 : i32 to vector<16xi32>
        %parallel_loop3A_351 = arith.andi %parallel_loop3A_338, %parallel_loop3A_350 : vector<16xi32>
        %parallel_loop3A_352 = arith.xori %parallel_loop3A_351, %broadcast_in_dim3A_123 : vector<16xi32>
        %parallel_loop3A_353 = arith.addi %mul3A_3, %parallel_loop3A_352 : vector<16xi32>
        tpu.vector_store_idx %arg6[%parallel_loop3A_353], %broadcast_in_dim3A_4 masked %parallel_loop3A_348 {add = true} : memref<4112xi32, #tpu.memory_space<vmem>>[vector<16xi32>], vector<16xi32>, vector<16xi1>
      } {sc.loop_unroll_factor = 4 : i64, sc.parallel_access}
      %broadcast_in_dim3A_262 = arith.constant 0 : i32
      %broadcast_in_dim3A_263 = vector.broadcast %broadcast_in_dim3A_262 : i32 to vector<16xi32>
      %broadcast_in_dim3A_264 = vector.broadcast %sub3A_254 : i32 to vector<16xi32>
      %parallel_loop3A_265 = arith.constant 0 : i32
      %parallel_loop3A_266 = arith.constant 16 : i32
      %parallel_loop3A_267 = arith.constant 1 : i32
      scf.for %parallel_loop3A_334 = %parallel_loop3A_265 to %parallel_loop3A_266 step %parallel_loop3A_267  : i32 {
        %parallel_loop3A_335 = arith.constant 0 : i32
        %parallel_loop3A_336 = vector.broadcast %parallel_loop3A_335 : i32 to vector<16xi32>
        %parallel_loop3A_337 = arith.constant 16 : i32
        %parallel_loop3A_338 = arith.muli %parallel_loop3A_334, %parallel_loop3A_337 : i32
        %parallel_loop3A_339 = arith.constant 0 : i32
        %parallel_loop3A_340 = arith.addi %parallel_loop3A_339, %parallel_loop3A_338 : i32
        %parallel_loop3A_341 = arith.index_cast %parallel_loop3A_340 : i32 to index
        %parallel_loop3A_342 = tpu.vector_load %arg6[%parallel_loop3A_341] {strides = array<i32>} : memref<4112xi32, #tpu.memory_space<vmem>>, vector<16xi32>,
        %parallel_loop3A_343 = arith.addi %parallel_loop3A_336, %parallel_loop3A_342 : vector<16xi32>
        %parallel_loop3A_344 = arith.constant 16 : i32
        %parallel_loop3A_345 = arith.muli %parallel_loop3A_334, %parallel_loop3A_344 : i32
        %parallel_loop3A_346 = arith.constant 0 : i32
        %parallel_loop3A_347 = arith.addi %parallel_loop3A_346, %parallel_loop3A_345 : i32
        %parallel_loop3A_348 = arith.index_cast %parallel_loop3A_347 : i32 to index
        %parallel_loop3A_349 = tpu.vector_load %arg6[%parallel_loop3A_348] {strides = array<i32>} : memref<4112xi32, #tpu.memory_space<vmem>>, vector<16xi32>,
        tpu.vector_store %arg6[%parallel_loop3A_348], %broadcast_in_dim3A_263 {strides = array<i32>} : memref<4112xi32, #tpu.memory_space<vmem>>, vector<16xi32>,
        %parallel_loop3A_350 = arith.constant 16 : i32
        %parallel_loop3A_351 = arith.muli %parallel_loop3A_334, %parallel_loop3A_350 : i32
        %parallel_loop3A_352 = arith.constant 257 : i32
        %parallel_loop3A_353 = arith.addi %parallel_loop3A_352, %parallel_loop3A_351 : i32
        %parallel_loop3A_354 = arith.index_cast %parallel_loop3A_353 : i32 to index
        %parallel_loop3A_355 = tpu.vector_load %arg6[%parallel_loop3A_354] {strides = array<i32>} : memref<4112xi32, #tpu.memory_space<vmem>>, vector<16xi32>,
        %parallel_loop3A_356 = arith.addi %parallel_loop3A_343, %parallel_loop3A_355 : vector<16xi32>
        %parallel_loop3A_357 = arith.constant 16 : i32
        %parallel_loop3A_358 = arith.muli %parallel_loop3A_334, %parallel_loop3A_357 : i32
        %parallel_loop3A_359 = arith.constant 257 : i32
        %parallel_loop3A_360 = arith.addi %parallel_loop3A_359, %parallel_loop3A_358 : i32
        %parallel_loop3A_361 = arith.index_cast %parallel_loop3A_360 : i32 to index
        %parallel_loop3A_362 = tpu.vector_load %arg6[%parallel_loop3A_361] {strides = array<i32>} : memref<4112xi32, #tpu.memory_space<vmem>>, vector<16xi32>,
        tpu.vector_store %arg6[%parallel_loop3A_361], %broadcast_in_dim3A_263 {strides = array<i32>} : memref<4112xi32, #tpu.memory_space<vmem>>, vector<16xi32>,
        %parallel_loop3A_363 = arith.constant 16 : i32
        %parallel_loop3A_364 = arith.muli %parallel_loop3A_334, %parallel_loop3A_363 : i32
        %parallel_loop3A_365 = arith.constant 514 : i32
        %parallel_loop3A_366 = arith.addi %parallel_loop3A_365, %parallel_loop3A_364 : i32
        %parallel_loop3A_367 = arith.index_cast %parallel_loop3A_366 : i32 to index
        %parallel_loop3A_368 = tpu.vector_load %arg6[%parallel_loop3A_367] {strides = array<i32>} : memref<4112xi32, #tpu.memory_space<vmem>>, vector<16xi32>,
        %parallel_loop3A_369 = arith.addi %parallel_loop3A_356, %parallel_loop3A_368 : vector<16xi32>
        %parallel_loop3A_370 = arith.constant 16 : i32
        %parallel_loop3A_371 = arith.muli %parallel_loop3A_334, %parallel_loop3A_370 : i32
        %parallel_loop3A_372 = arith.constant 514 : i32
        %parallel_loop3A_373 = arith.addi %parallel_loop3A_372, %parallel_loop3A_371 : i32
        %parallel_loop3A_374 = arith.index_cast %parallel_loop3A_373 : i32 to index
        %parallel_loop3A_375 = tpu.vector_load %arg6[%parallel_loop3A_374] {strides = array<i32>} : memref<4112xi32, #tpu.memory_space<vmem>>, vector<16xi32>,
        tpu.vector_store %arg6[%parallel_loop3A_374], %broadcast_in_dim3A_263 {strides = array<i32>} : memref<4112xi32, #tpu.memory_space<vmem>>, vector<16xi32>,
        %parallel_loop3A_376 = arith.constant 16 : i32
        %parallel_loop3A_377 = arith.muli %parallel_loop3A_334, %parallel_loop3A_376 : i32
        %parallel_loop3A_378 = arith.constant 771 : i32
        %parallel_loop3A_379 = arith.addi %parallel_loop3A_378, %parallel_loop3A_377 : i32
        %parallel_loop3A_380 = arith.index_cast %parallel_loop3A_379 : i32 to index
        %parallel_loop3A_381 = tpu.vector_load %arg6[%parallel_loop3A_380] {strides = array<i32>} : memref<4112xi32, #tpu.memory_space<vmem>>, vector<16xi32>,
        %parallel_loop3A_382 = arith.addi %parallel_loop3A_369, %parallel_loop3A_381 : vector<16xi32>
        %parallel_loop3A_383 = arith.constant 16 : i32
        %parallel_loop3A_384 = arith.muli %parallel_loop3A_334, %parallel_loop3A_383 : i32
        %parallel_loop3A_385 = arith.constant 771 : i32
        %parallel_loop3A_386 = arith.addi %parallel_loop3A_385, %parallel_loop3A_384 : i32
        %parallel_loop3A_387 = arith.index_cast %parallel_loop3A_386 : i32 to index
        %parallel_loop3A_388 = tpu.vector_load %arg6[%parallel_loop3A_387] {strides = array<i32>} : memref<4112xi32, #tpu.memory_space<vmem>>, vector<16xi32>,
        tpu.vector_store %arg6[%parallel_loop3A_387], %broadcast_in_dim3A_263 {strides = array<i32>} : memref<4112xi32, #tpu.memory_space<vmem>>, vector<16xi32>,
        %parallel_loop3A_389 = arith.constant 16 : i32
        %parallel_loop3A_390 = arith.muli %parallel_loop3A_334, %parallel_loop3A_389 : i32
        %parallel_loop3A_391 = arith.constant 1028 : i32
        %parallel_loop3A_392 = arith.addi %parallel_loop3A_391, %parallel_loop3A_390 : i32
        %parallel_loop3A_393 = arith.index_cast %parallel_loop3A_392 : i32 to index
        %parallel_loop3A_394 = tpu.vector_load %arg6[%parallel_loop3A_393] {strides = array<i32>} : memref<4112xi32, #tpu.memory_space<vmem>>, vector<16xi32>,
        %parallel_loop3A_395 = arith.addi %parallel_loop3A_382, %parallel_loop3A_394 : vector<16xi32>
        %parallel_loop3A_396 = arith.constant 16 : i32
        %parallel_loop3A_397 = arith.muli %parallel_loop3A_334, %parallel_loop3A_396 : i32
        %parallel_loop3A_398 = arith.constant 1028 : i32
        %parallel_loop3A_399 = arith.addi %parallel_loop3A_398, %parallel_loop3A_397 : i32
        %parallel_loop3A_400 = arith.index_cast %parallel_loop3A_399 : i32 to index
        %parallel_loop3A_401 = tpu.vector_load %arg6[%parallel_loop3A_400] {strides = array<i32>} : memref<4112xi32, #tpu.memory_space<vmem>>, vector<16xi32>,
        tpu.vector_store %arg6[%parallel_loop3A_400], %broadcast_in_dim3A_263 {strides = array<i32>} : memref<4112xi32, #tpu.memory_space<vmem>>, vector<16xi32>,
        %parallel_loop3A_402 = arith.constant 16 : i32
        %parallel_loop3A_403 = arith.muli %parallel_loop3A_334, %parallel_loop3A_402 : i32
        %parallel_loop3A_404 = arith.constant 1285 : i32
        %parallel_loop3A_405 = arith.addi %parallel_loop3A_404, %parallel_loop3A_403 : i32
        %parallel_loop3A_406 = arith.index_cast %parallel_loop3A_405 : i32 to index
        %parallel_loop3A_407 = tpu.vector_load %arg6[%parallel_loop3A_406] {strides = array<i32>} : memref<4112xi32, #tpu.memory_space<vmem>>, vector<16xi32>,
        %parallel_loop3A_408 = arith.addi %parallel_loop3A_395, %parallel_loop3A_407 : vector<16xi32>
        %parallel_loop3A_409 = arith.constant 16 : i32
        %parallel_loop3A_410 = arith.muli %parallel_loop3A_334, %parallel_loop3A_409 : i32
        %parallel_loop3A_411 = arith.constant 1285 : i32
        %parallel_loop3A_412 = arith.addi %parallel_loop3A_411, %parallel_loop3A_410 : i32
        %parallel_loop3A_413 = arith.index_cast %parallel_loop3A_412 : i32 to index
        %parallel_loop3A_414 = tpu.vector_load %arg6[%parallel_loop3A_413] {strides = array<i32>} : memref<4112xi32, #tpu.memory_space<vmem>>, vector<16xi32>,
        tpu.vector_store %arg6[%parallel_loop3A_413], %broadcast_in_dim3A_263 {strides = array<i32>} : memref<4112xi32, #tpu.memory_space<vmem>>, vector<16xi32>,
        %parallel_loop3A_415 = arith.constant 16 : i32
        %parallel_loop3A_416 = arith.muli %parallel_loop3A_334, %parallel_loop3A_415 : i32
        %parallel_loop3A_417 = arith.constant 1542 : i32
        %parallel_loop3A_418 = arith.addi %parallel_loop3A_417, %parallel_loop3A_416 : i32
        %parallel_loop3A_419 = arith.index_cast %parallel_loop3A_418 : i32 to index
        %parallel_loop3A_420 = tpu.vector_load %arg6[%parallel_loop3A_419] {strides = array<i32>} : memref<4112xi32, #tpu.memory_space<vmem>>, vector<16xi32>,
        %parallel_loop3A_421 = arith.addi %parallel_loop3A_408, %parallel_loop3A_420 : vector<16xi32>
        %parallel_loop3A_422 = arith.constant 16 : i32
        %parallel_loop3A_423 = arith.muli %parallel_loop3A_334, %parallel_loop3A_422 : i32
        %parallel_loop3A_424 = arith.constant 1542 : i32
        %parallel_loop3A_425 = arith.addi %parallel_loop3A_424, %parallel_loop3A_423 : i32
        %parallel_loop3A_426 = arith.index_cast %parallel_loop3A_425 : i32 to index
        %parallel_loop3A_427 = tpu.vector_load %arg6[%parallel_loop3A_426] {strides = array<i32>} : memref<4112xi32, #tpu.memory_space<vmem>>, vector<16xi32>,
        tpu.vector_store %arg6[%parallel_loop3A_426], %broadcast_in_dim3A_263 {strides = array<i32>} : memref<4112xi32, #tpu.memory_space<vmem>>, vector<16xi32>,
        %parallel_loop3A_428 = arith.constant 16 : i32
        %parallel_loop3A_429 = arith.muli %parallel_loop3A_334, %parallel_loop3A_428 : i32
        %parallel_loop3A_430 = arith.constant 1799 : i32
        %parallel_loop3A_431 = arith.addi %parallel_loop3A_430, %parallel_loop3A_429 : i32
        %parallel_loop3A_432 = arith.index_cast %parallel_loop3A_431 : i32 to index
        %parallel_loop3A_433 = tpu.vector_load %arg6[%parallel_loop3A_432] {strides = array<i32>} : memref<4112xi32, #tpu.memory_space<vmem>>, vector<16xi32>,
        %parallel_loop3A_434 = arith.addi %parallel_loop3A_421, %parallel_loop3A_433 : vector<16xi32>
        %parallel_loop3A_435 = arith.constant 16 : i32
        %parallel_loop3A_436 = arith.muli %parallel_loop3A_334, %parallel_loop3A_435 : i32
        %parallel_loop3A_437 = arith.constant 1799 : i32
        %parallel_loop3A_438 = arith.addi %parallel_loop3A_437, %parallel_loop3A_436 : i32
        %parallel_loop3A_439 = arith.index_cast %parallel_loop3A_438 : i32 to index
        %parallel_loop3A_440 = tpu.vector_load %arg6[%parallel_loop3A_439] {strides = array<i32>} : memref<4112xi32, #tpu.memory_space<vmem>>, vector<16xi32>,
        tpu.vector_store %arg6[%parallel_loop3A_439], %broadcast_in_dim3A_263 {strides = array<i32>} : memref<4112xi32, #tpu.memory_space<vmem>>, vector<16xi32>,
        %parallel_loop3A_441 = arith.constant 16 : i32
        %parallel_loop3A_442 = arith.muli %parallel_loop3A_334, %parallel_loop3A_441 : i32
        %parallel_loop3A_443 = arith.constant 2056 : i32
        %parallel_loop3A_444 = arith.addi %parallel_loop3A_443, %parallel_loop3A_442 : i32
        %parallel_loop3A_445 = arith.index_cast %parallel_loop3A_444 : i32 to index
        %parallel_loop3A_446 = tpu.vector_load %arg6[%parallel_loop3A_445] {strides = array<i32>} : memref<4112xi32, #tpu.memory_space<vmem>>, vector<16xi32>,
        %parallel_loop3A_447 = arith.addi %parallel_loop3A_434, %parallel_loop3A_446 : vector<16xi32>
        %parallel_loop3A_448 = arith.constant 16 : i32
        %parallel_loop3A_449 = arith.muli %parallel_loop3A_334, %parallel_loop3A_448 : i32
        %parallel_loop3A_450 = arith.constant 2056 : i32
        %parallel_loop3A_451 = arith.addi %parallel_loop3A_450, %parallel_loop3A_449 : i32
        %parallel_loop3A_452 = arith.index_cast %parallel_loop3A_451 : i32 to index
        %parallel_loop3A_453 = tpu.vector_load %arg6[%parallel_loop3A_452] {strides = array<i32>} : memref<4112xi32, #tpu.memory_space<vmem>>, vector<16xi32>,
        tpu.vector_store %arg6[%parallel_loop3A_452], %broadcast_in_dim3A_263 {strides = array<i32>} : memref<4112xi32, #tpu.memory_space<vmem>>, vector<16xi32>,
        %parallel_loop3A_454 = arith.constant 16 : i32
        %parallel_loop3A_455 = arith.muli %parallel_loop3A_334, %parallel_loop3A_454 : i32
        %parallel_loop3A_456 = arith.constant 2313 : i32
        %parallel_loop3A_457 = arith.addi %parallel_loop3A_456, %parallel_loop3A_455 : i32
        %parallel_loop3A_458 = arith.index_cast %parallel_loop3A_457 : i32 to index
        %parallel_loop3A_459 = tpu.vector_load %arg6[%parallel_loop3A_458] {strides = array<i32>} : memref<4112xi32, #tpu.memory_space<vmem>>, vector<16xi32>,
        %parallel_loop3A_460 = arith.addi %parallel_loop3A_447, %parallel_loop3A_459 : vector<16xi32>
        %parallel_loop3A_461 = arith.constant 16 : i32
        %parallel_loop3A_462 = arith.muli %parallel_loop3A_334, %parallel_loop3A_461 : i32
        %parallel_loop3A_463 = arith.constant 2313 : i32
        %parallel_loop3A_464 = arith.addi %parallel_loop3A_463, %parallel_loop3A_462 : i32
        %parallel_loop3A_465 = arith.index_cast %parallel_loop3A_464 : i32 to index
        %parallel_loop3A_466 = tpu.vector_load %arg6[%parallel_loop3A_465] {strides = array<i32>} : memref<4112xi32, #tpu.memory_space<vmem>>, vector<16xi32>,
        tpu.vector_store %arg6[%parallel_loop3A_465], %broadcast_in_dim3A_263 {strides = array<i32>} : memref<4112xi32, #tpu.memory_space<vmem>>, vector<16xi32>,
        %parallel_loop3A_467 = arith.constant 16 : i32
        %parallel_loop3A_468 = arith.muli %parallel_loop3A_334, %parallel_loop3A_467 : i32
        %parallel_loop3A_469 = arith.constant 2570 : i32
        %parallel_loop3A_470 = arith.addi %parallel_loop3A_469, %parallel_loop3A_468 : i32
        %parallel_loop3A_471 = arith.index_cast %parallel_loop3A_470 : i32 to index
        %parallel_loop3A_472 = tpu.vector_load %arg6[%parallel_loop3A_471] {strides = array<i32>} : memref<4112xi32, #tpu.memory_space<vmem>>, vector<16xi32>,
        %parallel_loop3A_473 = arith.addi %parallel_loop3A_460, %parallel_loop3A_472 : vector<16xi32>
        %parallel_loop3A_474 = arith.constant 16 : i32
        %parallel_loop3A_475 = arith.muli %parallel_loop3A_334, %parallel_loop3A_474 : i32
        %parallel_loop3A_476 = arith.constant 2570 : i32
        %parallel_loop3A_477 = arith.addi %parallel_loop3A_476, %parallel_loop3A_475 : i32
        %parallel_loop3A_478 = arith.index_cast %parallel_loop3A_477 : i32 to index
        %parallel_loop3A_479 = tpu.vector_load %arg6[%parallel_loop3A_478] {strides = array<i32>} : memref<4112xi32, #tpu.memory_space<vmem>>, vector<16xi32>,
        tpu.vector_store %arg6[%parallel_loop3A_478], %broadcast_in_dim3A_263 {strides = array<i32>} : memref<4112xi32, #tpu.memory_space<vmem>>, vector<16xi32>,
        %parallel_loop3A_480 = arith.constant 16 : i32
        %parallel_loop3A_481 = arith.muli %parallel_loop3A_334, %parallel_loop3A_480 : i32
        %parallel_loop3A_482 = arith.constant 2827 : i32
        %parallel_loop3A_483 = arith.addi %parallel_loop3A_482, %parallel_loop3A_481 : i32
        %parallel_loop3A_484 = arith.index_cast %parallel_loop3A_483 : i32 to index
        %parallel_loop3A_485 = tpu.vector_load %arg6[%parallel_loop3A_484] {strides = array<i32>} : memref<4112xi32, #tpu.memory_space<vmem>>, vector<16xi32>,
        %parallel_loop3A_486 = arith.addi %parallel_loop3A_473, %parallel_loop3A_485 : vector<16xi32>
        %parallel_loop3A_487 = arith.constant 16 : i32
        %parallel_loop3A_488 = arith.muli %parallel_loop3A_334, %parallel_loop3A_487 : i32
        %parallel_loop3A_489 = arith.constant 2827 : i32
        %parallel_loop3A_490 = arith.addi %parallel_loop3A_489, %parallel_loop3A_488 : i32
        %parallel_loop3A_491 = arith.index_cast %parallel_loop3A_490 : i32 to index
        %parallel_loop3A_492 = tpu.vector_load %arg6[%parallel_loop3A_491] {strides = array<i32>} : memref<4112xi32, #tpu.memory_space<vmem>>, vector<16xi32>,
        tpu.vector_store %arg6[%parallel_loop3A_491], %broadcast_in_dim3A_263 {strides = array<i32>} : memref<4112xi32, #tpu.memory_space<vmem>>, vector<16xi32>,
        %parallel_loop3A_493 = arith.constant 16 : i32
        %parallel_loop3A_494 = arith.muli %parallel_loop3A_334, %parallel_loop3A_493 : i32
        %parallel_loop3A_495 = arith.constant 3084 : i32
        %parallel_loop3A_496 = arith.addi %parallel_loop3A_495, %parallel_loop3A_494 : i32
        %parallel_loop3A_497 = arith.index_cast %parallel_loop3A_496 : i32 to index
        %parallel_loop3A_498 = tpu.vector_load %arg6[%parallel_loop3A_497] {strides = array<i32>} : memref<4112xi32, #tpu.memory_space<vmem>>, vector<16xi32>,
        %parallel_loop3A_499 = arith.addi %parallel_loop3A_486, %parallel_loop3A_498 : vector<16xi32>
        %parallel_loop3A_500 = arith.constant 16 : i32
        %parallel_loop3A_501 = arith.muli %parallel_loop3A_334, %parallel_loop3A_500 : i32
        %parallel_loop3A_502 = arith.constant 3084 : i32
        %parallel_loop3A_503 = arith.addi %parallel_loop3A_502, %parallel_loop3A_501 : i32
        %parallel_loop3A_504 = arith.index_cast %parallel_loop3A_503 : i32 to index
        %parallel_loop3A_505 = tpu.vector_load %arg6[%parallel_loop3A_504] {strides = array<i32>} : memref<4112xi32, #tpu.memory_space<vmem>>, vector<16xi32>,
        tpu.vector_store %arg6[%parallel_loop3A_504], %broadcast_in_dim3A_263 {strides = array<i32>} : memref<4112xi32, #tpu.memory_space<vmem>>, vector<16xi32>,
        %parallel_loop3A_506 = arith.constant 16 : i32
        %parallel_loop3A_507 = arith.muli %parallel_loop3A_334, %parallel_loop3A_506 : i32
        %parallel_loop3A_508 = arith.constant 3341 : i32
        %parallel_loop3A_509 = arith.addi %parallel_loop3A_508, %parallel_loop3A_507 : i32
        %parallel_loop3A_510 = arith.index_cast %parallel_loop3A_509 : i32 to index
        %parallel_loop3A_511 = tpu.vector_load %arg6[%parallel_loop3A_510] {strides = array<i32>} : memref<4112xi32, #tpu.memory_space<vmem>>, vector<16xi32>,
        %parallel_loop3A_512 = arith.addi %parallel_loop3A_499, %parallel_loop3A_511 : vector<16xi32>
        %parallel_loop3A_513 = arith.constant 16 : i32
        %parallel_loop3A_514 = arith.muli %parallel_loop3A_334, %parallel_loop3A_513 : i32
        %parallel_loop3A_515 = arith.constant 3341 : i32
        %parallel_loop3A_516 = arith.addi %parallel_loop3A_515, %parallel_loop3A_514 : i32
        %parallel_loop3A_517 = arith.index_cast %parallel_loop3A_516 : i32 to index
        %parallel_loop3A_518 = tpu.vector_load %arg6[%parallel_loop3A_517] {strides = array<i32>} : memref<4112xi32, #tpu.memory_space<vmem>>, vector<16xi32>,
        tpu.vector_store %arg6[%parallel_loop3A_517], %broadcast_in_dim3A_263 {strides = array<i32>} : memref<4112xi32, #tpu.memory_space<vmem>>, vector<16xi32>,
        %parallel_loop3A_519 = arith.constant 16 : i32
        %parallel_loop3A_520 = arith.muli %parallel_loop3A_334, %parallel_loop3A_519 : i32
        %parallel_loop3A_521 = arith.constant 3598 : i32
        %parallel_loop3A_522 = arith.addi %parallel_loop3A_521, %parallel_loop3A_520 : i32
        %parallel_loop3A_523 = arith.index_cast %parallel_loop3A_522 : i32 to index
        %parallel_loop3A_524 = tpu.vector_load %arg6[%parallel_loop3A_523] {strides = array<i32>} : memref<4112xi32, #tpu.memory_space<vmem>>, vector<16xi32>,
        %parallel_loop3A_525 = arith.addi %parallel_loop3A_512, %parallel_loop3A_524 : vector<16xi32>
        %parallel_loop3A_526 = arith.constant 16 : i32
        %parallel_loop3A_527 = arith.muli %parallel_loop3A_334, %parallel_loop3A_526 : i32
        %parallel_loop3A_528 = arith.constant 3598 : i32
        %parallel_loop3A_529 = arith.addi %parallel_loop3A_528, %parallel_loop3A_527 : i32
        %parallel_loop3A_530 = arith.index_cast %parallel_loop3A_529 : i32 to index
        %parallel_loop3A_531 = tpu.vector_load %arg6[%parallel_loop3A_530] {strides = array<i32>} : memref<4112xi32, #tpu.memory_space<vmem>>, vector<16xi32>,
        tpu.vector_store %arg6[%parallel_loop3A_530], %broadcast_in_dim3A_263 {strides = array<i32>} : memref<4112xi32, #tpu.memory_space<vmem>>, vector<16xi32>,
        %parallel_loop3A_532 = arith.constant 16 : i32
        %parallel_loop3A_533 = arith.muli %parallel_loop3A_334, %parallel_loop3A_532 : i32
        %parallel_loop3A_534 = arith.constant 3855 : i32
        %parallel_loop3A_535 = arith.addi %parallel_loop3A_534, %parallel_loop3A_533 : i32
        %parallel_loop3A_536 = arith.index_cast %parallel_loop3A_535 : i32 to index
        %parallel_loop3A_537 = tpu.vector_load %arg6[%parallel_loop3A_536] {strides = array<i32>} : memref<4112xi32, #tpu.memory_space<vmem>>, vector<16xi32>,
        %parallel_loop3A_538 = arith.addi %parallel_loop3A_525, %parallel_loop3A_537 : vector<16xi32>
        %parallel_loop3A_539 = arith.constant 16 : i32
        %parallel_loop3A_540 = arith.muli %parallel_loop3A_334, %parallel_loop3A_539 : i32
        %parallel_loop3A_541 = arith.constant 3855 : i32
        %parallel_loop3A_542 = arith.addi %parallel_loop3A_541, %parallel_loop3A_540 : i32
        %parallel_loop3A_543 = arith.index_cast %parallel_loop3A_542 : i32 to index
        %parallel_loop3A_544 = tpu.vector_load %arg6[%parallel_loop3A_543] {strides = array<i32>} : memref<4112xi32, #tpu.memory_space<vmem>>, vector<16xi32>,
        tpu.vector_store %arg6[%parallel_loop3A_543], %broadcast_in_dim3A_263 {strides = array<i32>} : memref<4112xi32, #tpu.memory_space<vmem>>, vector<16xi32>,
        %parallel_loop3A_545 = arith.constant 15 : i32
        %parallel_loop3A_546 = vector.broadcast %parallel_loop3A_545 : i32 to vector<16xi32>
        %parallel_loop3A_547 = tpu.iota {dimensions = array<i32: 0>} : vector<16xi32>
        %parallel_loop3A_548 = arith.subi %parallel_loop3A_546, %parallel_loop3A_547 : vector<16xi32>
        %parallel_loop3A_549 = tpu.dynamic_gather %parallel_loop3A_538[%parallel_loop3A_548] in [0] : vector<16xi32>, vector<16xi32> -> vector<16xi32>
        %parallel_loop3A_550 = arith.constant true
        %parallel_loop3A_551 = vector.broadcast %parallel_loop3A_550 : i1 to vector<16xi1>
        %parallel_loop3A_552 = tpu.scan <sum>, %parallel_loop3A_549 masked %parallel_loop3A_551 : vector<16xi32>, vector<16xi1> -> vector<16xi32>
        %parallel_loop3A_553 = arith.constant 15 : i32
        %parallel_loop3A_554 = vector.broadcast %parallel_loop3A_553 : i32 to vector<16xi32>
        %parallel_loop3A_555 = tpu.iota {dimensions = array<i32: 0>} : vector<16xi32>
        %parallel_loop3A_556 = arith.subi %parallel_loop3A_554, %parallel_loop3A_555 : vector<16xi32>
        %parallel_loop3A_557 = tpu.dynamic_gather %parallel_loop3A_552[%parallel_loop3A_556] in [0] : vector<16xi32>, vector<16xi32> -> vector<16xi32>
        %parallel_loop3A_558 = arith.constant 17 : i32
        %parallel_loop3A_559 = arith.muli %parallel_loop3A_334, %parallel_loop3A_558 : i32
        %parallel_loop3A_560 = arith.constant 0 : i32
        %parallel_loop3A_561 = arith.addi %parallel_loop3A_560, %parallel_loop3A_559 : i32
        %parallel_loop3A_562 = arith.index_cast %parallel_loop3A_561 : i32 to index
        %parallel_loop3A_563 = tpu.vector_load %arg7[%parallel_loop3A_562] {strides = array<i32>} : memref<576xi32, #tpu.memory_space<vmem>>, vector<16xi32>,
        tpu.vector_store %arg7[%parallel_loop3A_562], %parallel_loop3A_557 {strides = array<i32>} : memref<576xi32, #tpu.memory_space<vmem>>, vector<16xi32>,
        %parallel_loop3A_564 = arith.constant 17 : i32
        %parallel_loop3A_565 = arith.muli %parallel_loop3A_334, %parallel_loop3A_564 : i32
        %parallel_loop3A_566 = arith.constant 288 : i32
        %parallel_loop3A_567 = arith.addi %parallel_loop3A_566, %parallel_loop3A_565 : i32
        %parallel_loop3A_568 = arith.index_cast %parallel_loop3A_567 : i32 to index
        %parallel_loop3A_569 = tpu.vector_load %arg7[%parallel_loop3A_568] {strides = array<i32>} : memref<576xi32, #tpu.memory_space<vmem>>, vector<16xi32>,
        tpu.vector_store %arg7[%parallel_loop3A_568], %parallel_loop3A_538 {strides = array<i32>} : memref<576xi32, #tpu.memory_space<vmem>>, vector<16xi32>,
      } {sc.loop_unroll_factor = 2 : i64, sc.parallel_access}
      %mul3A_268 = arith.constant 17 : i32
      %mul3A_269 = vector.broadcast %mul3A_268 : i32 to vector<16xi32>
      %mul3A_270 = arith.muli %iota3A, %mul3A_269 : vector<16xi32>
      %add3A_271 = arith.constant 0 : i32
      %add3A_272 = vector.broadcast %add3A_271 : i32 to vector<16xi32>
      %add3A_273 = arith.addi %mul3A_270, %add3A_272 : vector<16xi32>
      %gather3A_274 = tpu.vector_load_idx %arg7[%add3A_273] : memref<576xi32, #tpu.memory_space<vmem>>[vector<16xi32>], vector<16xi32>,
      %rev3A_275 = arith.constant 15 : i32
      %rev3A_276 = vector.broadcast %rev3A_275 : i32 to vector<16xi32>
      %rev3A_277 = tpu.iota {dimensions = array<i32: 0>} : vector<16xi32>
      %rev3A_278 = arith.subi %rev3A_276, %rev3A_277 : vector<16xi32>
      %rev3A_279 = tpu.dynamic_gather %gather3A_274[%rev3A_278] in [0] : vector<16xi32>, vector<16xi32> -> vector<16xi32>
      %cumsum3A_280 = arith.constant true
      %cumsum3A_281 = vector.broadcast %cumsum3A_280 : i1 to vector<16xi1>
      %cumsum3A_282 = tpu.scan <sum>, %rev3A_279 masked %cumsum3A_281 : vector<16xi32>, vector<16xi1> -> vector<16xi32>
      %rev3A_283 = arith.constant 15 : i32
      %rev3A_284 = vector.broadcast %rev3A_283 : i32 to vector<16xi32>
      %rev3A_285 = tpu.iota {dimensions = array<i32: 0>} : vector<16xi32>
      %rev3A_286 = arith.subi %rev3A_284, %rev3A_285 : vector<16xi32>
      %rev3A_287 = tpu.dynamic_gather %cumsum3A_282[%rev3A_286] in [0] : vector<16xi32>, vector<16xi32> -> vector<16xi32>
      %sub3A_288 = arith.subi %rev3A_287, %gather3A_274 : vector<16xi32>
      %broadcast_in_dim3A_289 = arith.constant 0 : i32
      %broadcast_in_dim3A_290 = vector.broadcast %broadcast_in_dim3A_289 : i32 to vector<16xi32>
      %scan3A_291 = arith.constant 0 : i32
      %scan3A_292 = arith.constant 16 : i32
      %scan3A_293 = arith.addi %scan3A_291, %scan3A_292 : i32
      %scan3A_294 = arith.constant 1 : i32
      %scan3A_295:3 = scf.for %scan3A_334 = %scan3A_291 to %scan3A_293 step %scan3A_294 iter_args(%scan3A_335 = %broadcast_in_dim3A_290, %scan3A_336 = %broadcast_in_dim3A_290, %scan3A_337 = %broadcast_in_dim3A_290) -> (vector<16xi32>, vector<16xi32>, vector<16xi32>)  : i32 {
        %add3A_338 = arith.constant 0 : i32
        %add3A_339 = arith.addi %add3A_338, %scan3A_334 : i32
        %add3A_340 = vector.broadcast %add3A_339 : i32 to vector<16xi32>
        %add3A_341 = arith.addi %mul3A_270, %add3A_340 : vector<16xi32>
        %gather3A_342 = tpu.vector_load_idx %arg7[%add3A_341] : memref<576xi32, #tpu.memory_space<vmem>>[vector<16xi32>], vector<16xi32>,
        %add3A_343 = arith.constant 288 : i32
        %add3A_344 = arith.addi %add3A_343, %scan3A_334 : i32
        %add3A_345 = vector.broadcast %add3A_344 : i32 to vector<16xi32>
        %add3A_346 = arith.addi %mul3A_270, %add3A_345 : vector<16xi32>
        %gather3A_347 = tpu.vector_load_idx %arg7[%add3A_346] : memref<576xi32, #tpu.memory_space<vmem>>[vector<16xi32>], vector<16xi32>,
        %add3A_348 = arith.addi %gather3A_342, %sub3A_288 : vector<16xi32>
        %ge3A = arith.cmpi sge, %add3A_348, %broadcast_in_dim3A_264 : vector<16xi32>
        %all_reduce_population_count3A = tpu.all_reduce %ge3A {dim = 0 : i64, kind = #tpu.reduction_kind<sum>} : vector<16xi1> -> vector<16xi32>
        %add3A_349 = arith.addi %scan3A_335, %all_reduce_population_count3A : vector<16xi32>
        %jit3A_350 = arith.constant 0 : i32
        %broadcast_in_dim3A_351 = vector.broadcast %jit3A_350 : i32 to vector<16xi32>
        %select_n3A_352 = arith.select %ge3A, %gather3A_347, %broadcast_in_dim3A_351 : vector<16xi1>, vector<16xi32>
        %add3A_353 = arith.addi %scan3A_337, %select_n3A_352 : vector<16xi32>
        %add3A_354 = arith.addi %scan3A_336, %gather3A_347 : vector<16xi32>
        scf.yield %add3A_349, %add3A_354, %add3A_353 : vector<16xi32>, vector<16xi32>, vector<16xi32>
      }
      %scan3A_296 = arith.constant 16 : i32
      %reduce_max3A_297 = arith.constant true
      %reduce_max3A_298 = vector.broadcast %reduce_max3A_297 : i1 to vector<16xi1>
      %reduce_max3A_299 = arith.constant -2147483648 : i32
      %reduce_max3A_300 = vector.broadcast %reduce_max3A_299 : i32 to vector<16xi32>
      %reduce_max3A_301 = arith.xori %scan3A_295#0, %reduce_max3A_300 : vector<16xi32>
      %reduce_max3A_302 = tpu.scan <max>, %reduce_max3A_301 masked %reduce_max3A_298 : vector<16xi32>, vector<16xi1> -> vector<16xi32>
      %reduce_max3A_303 = arith.xori %reduce_max3A_302, %reduce_max3A_300 : vector<16xi32>
      %reduce_max3A_304 = vector.extract %reduce_max3A_303[15] : i32 from vector<16xi32>
      %sub3A_305 = arith.constant 1 : i32
      %sub3A_306 = arith.subi %reduce_max3A_304, %sub3A_305 : i32
      %sub3A_307 = arith.subi %scan3A_295#1, %scan3A_295#2 : vector<16xi32>
      %reduce_sum3A_308 = arith.constant true
      %reduce_sum3A_309 = vector.broadcast %reduce_sum3A_308 : i1 to vector<16xi1>
      %reduce_sum3A_310 = tpu.scan <sum>, %sub3A_307 masked %reduce_sum3A_309 : vector<16xi32>, vector<16xi1> -> vector<16xi32>
      %reduce_sum3A_311 = vector.extract %reduce_sum3A_310[15] : i32 from vector<16xi32>
      %shift_left3A_312 = arith.constant 8 : i32
      %shift_left3A_313 = arith.shli %or3A_253, %shift_left3A_312 : i32
      %or3A_314 = arith.ori %shift_left3A_313, %sub3A_306 : i32
      %broadcast_in_dim3A_315 = vector.broadcast %or3A_314 : i32 to vector<16xi32>
      %shift_right_arithmetic3A_316 = arith.constant 31 : i32
      %shift_right_arithmetic3A_317 = vector.broadcast %shift_right_arithmetic3A_316 : i32 to vector<16xi32>
      %shift_right_arithmetic3A_318 = arith.shrsi %broadcast_in_dim3A_315, %shift_right_arithmetic3A_317 : vector<16xi32>
      %not3A = arith.constant dense<-1> : vector<16xi32>
      %not3A_319 = arith.xori %shift_right_arithmetic3A_318, %not3A : vector<16xi32>
      %or3A_320 = arith.ori %not3A_319, %broadcast_in_dim3A_8 : vector<16xi32>
      %xor3A_321 = arith.xori %broadcast_in_dim3A_315, %or3A_320 : vector<16xi32>
      %bitcast3A = vector.bitcast %xor3A_321 : vector<16xi32> to vector<16xf32>
      %parallel_loop3A_322 = arith.constant 0 : i32
      %parallel_loop3A_323 = arith.constant 2048 : i32
      %parallel_loop3A_324 = arith.constant 1 : i32
      scf.for %parallel_loop3A_334 = %parallel_loop3A_322 to %parallel_loop3A_323 step %parallel_loop3A_324  : i32 {
        %parallel_loop3A_335 = arith.constant 16 : i32
        %parallel_loop3A_336 = arith.muli %parallel_loop3A_334, %parallel_loop3A_335 : i32
        %parallel_loop3A_337 = tpu.memref_slice %arg4[%mul3A_44] : memref<65536xf32, #tpu.memory_space<vmem>> -> memref<32768xf32, #tpu.memory_space<vmem>>
        %parallel_loop3A_338 = arith.index_cast %parallel_loop3A_336 : i32 to index
        %parallel_loop3A_339 = tpu.vector_load %parallel_loop3A_337[%parallel_loop3A_338] {strides = array<i32>} : memref<32768xf32, #tpu.memory_space<vmem>>, vector<16xf32>,
        %parallel_loop3A_340 = arith.cmpf ogt, %parallel_loop3A_339, %bitcast3A : vector<16xf32>
        %parallel_loop3A_341 = arith.constant 0.000000e+00 : f32
        %parallel_loop3A_342 = vector.broadcast %parallel_loop3A_341 : f32 to vector<16xf32>
        %parallel_loop3A_343 = arith.select %parallel_loop3A_340, %parallel_loop3A_339, %parallel_loop3A_342 : vector<16xi1>, vector<16xf32>
        %parallel_loop3A_344 = arith.constant 16 : i32
        %parallel_loop3A_345 = arith.muli %parallel_loop3A_334, %parallel_loop3A_344 : i32
        %parallel_loop3A_346 = tpu.memref_slice %arg4[%mul3A_44] : memref<65536xf32, #tpu.memory_space<vmem>> -> memref<32768xf32, #tpu.memory_space<vmem>>
        %parallel_loop3A_347 = arith.index_cast %parallel_loop3A_345 : i32 to index
        %parallel_loop3A_348 = tpu.vector_load %parallel_loop3A_346[%parallel_loop3A_347] {strides = array<i32>} : memref<32768xf32, #tpu.memory_space<vmem>>, vector<16xf32>,
        tpu.vector_store %parallel_loop3A_346[%parallel_loop3A_347], %parallel_loop3A_343 {strides = array<i32>} : memref<32768xf32, #tpu.memory_space<vmem>>, vector<16xf32>,
      } {sc.loop_unroll_factor = 16 : i64, sc.parallel_access}
      %dma_start3A_325 = tpu.memref_slice %arg4[%mul3A_44] : memref<65536xf32, #tpu.memory_space<vmem>> -> memref<32768xf32, #tpu.memory_space<vmem>>
      %dma_start3A_326 = arith.constant 0 : i32
      %dma_start3A_327 = tpu.memref_slice %arg3[%add3A_41, %dma_start3A_326] : memref<128x32768xf32, #tpu.memory_space<hbm>> -> memref<1x32768xf32, #tpu.memory_space<hbm>>
      %dma_start3A_328 = tpu.memref_squeeze %dma_start3A_327 : memref<1x32768xf32, #tpu.memory_space<hbm>> -> memref<32768xf32, #tpu.memory_space<hbm>>
      %dma_start3A_329 = arith.constant 0 : i32
      %dma_start3A_330 = tpu.memref_slice %arg3[%add3A_41, %dma_start3A_329] : memref<128x32768xf32, #tpu.memory_space<hbm>> -> memref<1x32768xf32, #tpu.memory_space<hbm>>
      %dma_start3A_331 = tpu.memref_squeeze %dma_start3A_330 : memref<1x32768xf32, #tpu.memory_space<hbm>> -> memref<32768xf32, #tpu.memory_space<hbm>>
      %dma_start3A_332 = tpu.memref_slice %arg4[%mul3A_44] : memref<65536xf32, #tpu.memory_space<vmem>> -> memref<32768xf32, #tpu.memory_space<vmem>>
      tpu.enqueue_dma source(%dma_start3A_332 : memref<32768xf32, #tpu.memory_space<vmem>>) target(%dma_start3A_331 : memref<32768xf32, #tpu.memory_space<hbm>>) target_semaphore(%arg9 : memref<!tpu.dma_semaphore, #tpu.memory_space<semaphore_mem>>)
      %scan3A_333 = arith.constant 0 : i32
      scf.yield %scan3A_333 : i32
    }
    %scan3A_27 = arith.constant 4 : i32
    %add3A_28 = arith.constant 3 : i32
    %add3A_29 = arith.addi %mul3A_10, %add3A_28 : i32
    %dma_wait3A = arith.constant 32768 : i32
    %dma_wait3A_30 = tpu.memref_slice %arg4[%dma_wait3A] : memref<65536xf32, #tpu.memory_space<vmem>> -> memref<32768xf32, #tpu.memory_space<vmem>>
    %dma_wait3A_31 = arith.constant 0 : i32
    %dma_wait3A_32 = tpu.memref_slice %arg3[%add3A_29, %dma_wait3A_31] : memref<128x32768xf32, #tpu.memory_space<hbm>> -> memref<1x32768xf32, #tpu.memory_space<hbm>>
    %dma_wait3A_33 = tpu.memref_squeeze %dma_wait3A_32 : memref<1x32768xf32, #tpu.memory_space<hbm>> -> memref<32768xf32, #tpu.memory_space<hbm>>
    %dma_wait3A_34 = arith.constant 0 : i32
    %dma_wait3A_35 = tpu.memref_slice %arg3[%add3A_29, %dma_wait3A_34] : memref<128x32768xf32, #tpu.memory_space<hbm>> -> memref<1x32768xf32, #tpu.memory_space<hbm>>
    %dma_wait3A_36 = tpu.memref_squeeze %dma_wait3A_35 : memref<1x32768xf32, #tpu.memory_space<hbm>> -> memref<32768xf32, #tpu.memory_space<hbm>>
    %dma_wait3A_37 = arith.constant 32768 : i32
    %dma_wait3A_38 = tpu.memref_slice %arg4[%dma_wait3A_37] : memref<65536xf32, #tpu.memory_space<vmem>> -> memref<32768xf32, #tpu.memory_space<vmem>>
    tpu.wait_dma2 semaphore(%arg9 : memref<!tpu.dma_semaphore, #tpu.memory_space<semaphore_mem>>) src(%dma_wait3A_38 : memref<32768xf32, #tpu.memory_space<vmem>>) dst(%dma_wait3A_36 : memref<32768xf32, #tpu.memory_space<hbm>>)
    return
  }
}

</mosaic_0001>

<sc_bundles>
// kernel: _ksparse.3.cloned.1.call-start
scs
__scs_entry_jumppad:
0x0: {  	(pc) =	sbr.rel $0x88, $3  }
0x1: {  	(tag) =	ssettag $0x0;
	lr =	simm.s32 $0x1  }
0x2: {  	[smem:$0x3FA0] =	sst lr;
	_ =	strace $0xD0000000  }
0x3: {  	_ = 	snop  }
0x4: {  	_ = 	snop  }
0x5: {  	_ = 	snop  }
0x6: {  	_ = 	snop  }
0x7: {  	_ = 	snop  }
__scs_overlays_trampoline_lowered:
0x8: {  	[smem:$0x3FAF] =	sst s0  }
0x9: {  	[smem:$0x3FB0] =	sst s1  }
0xa: {  	[smem:$0x3FB1] =	sst s2  }
0xb: {  	[smem:$0x3FB2] =	sst s3  }
0xc: {  	[smem:$0x3FB3] =	sst s4  }
0xd: {  	[smem:$0x3FB4] =	sst s5  }
0xe: {  	[smem:$0x3FB5] =	sst s6  }
0xf: {  	[smem:$0x3FB6] =	sst s7  }
0x10: {  	[smem:$0x3FB7] =	sst s8  }
0x11: {  	[smem:$0x3FB8] =	sst s9;
	s0 =	simm.s32 @!p0 $0x0  }
0x12: {  	s1 =	sld [smem:$0x3F9E];
	s0 =	simm.s32 @p0 $0x1  }
0x13: {  	[smem:$0x3FB9] =	sst s0;
	s0 =	simm.s32 @!p1 $0x0  }
0x14: {  	s2 =	sld [smem:$0x3F9D];
	s0 =	simm.s32 @p1 $0x1  }
0x15: {  	[smem:$0x3FBA] =	sst s0;
	s0 =	simm.s32 @!p2 $0x0  }
0x16: {  	s3 =	sld [smem:$0x3FDB];
	s0 =	simm.s32 @p2 $0x1  }
0x17: {  	s4 =	simm.s32 $0x1BF5;
	[smem:$0x3FBC] =	sst s0  }
0x18: {  	s0 =	sld [smem:$0x3F9F];
	_ =	swait.ge [sflag:s4], $0x0  }
0x19: {  	s7 =	sld [smem:$0x3FA0]  }
0x1a: {  	s8 =	sadd.s32 $0xFFFFE003, lr  }
0x1b: {  	s9 =	sadd.s32 $0xFFFFFEF7, lr;
	s5 =	simm.s32 $0xFFFFFFFF;
	p2 =	slt.u32 s8, $0xFFFFF086  }
0x1c: {  	p1 =	slt.u32 s9, $0xF7A;
	s5 =	simm.s32 @!p2 $0x0  }
0x1d: {  	s5 =	simm.s32 @p1 $0x1;
	p0 =	seq.s32 s7, s2  }
0x1e: {  	s7 =	smul.u32 @!p0 $0xF7A, s2;
	p2 =	seq.s32 @!p0 s5, $0x0  }
0x1f: {  	s9 =	smul.u32 $0xF7A, s1;
	s8 =	simm.s32 @!p0 $0x1BF5;
	p2 =	por !p2, p0  }
0x20: {  	[sflag:s8] =	ssyncset.s32 @!p0 $0xFFFFF086;
	s6 =	sadd.s32 @!p0 s3, s7;
	s7 =	simm.s32 @!p0 $0x108  }
0x21: {  	s3 =	sadd.s32 s3, s9;
	s6 =	sadd.s32 @!p0 $0x88, s6;
	s7 =	simm.s32 @p2 $0x1082  }
0x22: {  	[simem:s7], [sflag:s8] =	dma.local @!p0 [hbm:s6], $0xF7A  }
0x23: {  	s9 =	sor.u32 $0xD0000000, s2;
	s6 =	simm.s32 $0x108;
	_ =	swait.ge @!p0 [sflag:s8], $0x0  }
0x24: {  	s3 =	sadd.s32 $0x88, s3;
	s6 =	simm.s32 @!p1 $0x1082;
	[sflag:s4] =	ssyncset.s32 $0xFFFFF086  }
0x25: {  	[simem:s6], [sflag:s4] =	dma.local [hbm:s3], $0xF7A  }
0x26: {  	[smem:$0x3FA0] =	sst s1;
	(tag) =	ssettag s2;
	_ =	strace s9  }
0x27: {  	s1 =	sld [smem:$0x3FB0]  }
0x28: {  	s2 =	sld [smem:$0x3FB1]  }
0x29: {  	s4 =	sld [smem:$0x3FB3]  }
0x2a: {  	p0 =	seq.s32 s5, $0x0;
	s5 =	sld [smem:$0x3FB4]  }
0x2b: {  	s6 =	sld [smem:$0x3FB5]  }
0x2c: {  	s7 =	sld [smem:$0x3FB6]  }
0x2d: {  	s3 =	simm.s32 $0x108;
	s8 =	sld [smem:$0x3FB7]  }
0x2e: {  	s3 =	simm.s32 @!p0 $0x1082;
	s9 =	sld [smem:$0x3FB8]  }
0x2f: {  	lr =	sadd.s32 s0, s3;
	s0 =	sld [smem:$0x3FAF]  }
0x30: {  	s3 =	sld [smem:$0x3FB2]  }
0x31: {  	[smem:$0x3FBB] =	sst s10  }
0x32: {  	s10 =	sld [smem:$0x3FB9];
	_ =	sdelay $0x3  }
0x33: {  	p0 =	seq.s32 s10, $0x1;
	s10 =	sld [smem:$0x3FBB];
	_ =	sdelay $0x3  }
0x34: {  	[smem:$0x3FBB] =	sst s10  }
0x35: {  	s10 =	sld [smem:$0x3FBA];
	_ =	sdelay $0x3  }
0x36: {  	p1 =	seq.s32 s10, $0x1;
	s10 =	sld [smem:$0x3FBB];
	_ =	sdelay $0x3  }
0x37: {  	[smem:$0x3FBB] =	sst s10  }
0x38: {  	s10 =	sld [smem:$0x3FBC]  }
0x39: {  	_ = 	snop;
	(pc) =	sbr.ind lr, $3  }
0x3a: {  	_ = 	snop  }
0x3b: {  	_ = 	snop  }
0x3c: {  	p2 =	seq.s32 s10, $0x1;
	s10 =	sld [smem:$0x3FBB]  }
0x3d: {  	_ =	shalt  }
0x3e: {  	_ =	shalt  }
0x3f: {  	_ =	shalt  }
0x40: {  	_ =	shalt  }
0x41: {  	_ =	shalt  }
0x42: {  	_ =	shalt  }
0x43: {  	_ =	shalt  }
0x44: {  	_ =	shalt  }
0x45: {  	_ =	shalt  }
0x46: {  	_ =	shalt  }
0x47: {  	_ =	shalt  }
0x48: {  	_ =	shalt  }
0x49: {  	_ =	shalt  }
0x4a: {  	_ =	shalt  }
0x4b: {  	_ =	shalt  }
0x4c: {  	_ =	shalt  }
0x4d: {  	_ =	shalt  }
0x4e: {  	_ =	shalt  }
0x4f: {  	_ =	shalt  }
0x50: {  	_ =	shalt  }
0x51: {  	_ =	shalt  }
0x52: {  	_ =	shalt  }
0x53: {  	_ =	shalt  }
0x54: {  	_ =	shalt  }
0x55: {  	_ =	shalt  }
0x56: {  	_ =	shalt  }
0x57: {  	_ =	shalt  }
0x58: {  	_ =	shalt  }
0x59: {  	_ =	shalt  }
0x5a: {  	_ =	shalt  }
0x5b: {  	_ =	shalt  }
0x5c: {  	_ =	shalt  }
0x5d: {  	_ =	shalt  }
0x5e: {  	_ =	shalt  }
0x5f: {  	_ =	shalt  }
0x60: {  	_ =	shalt  }
0x61: {  	_ =	shalt  }
0x62: {  	_ =	shalt  }
0x63: {  	_ =	shalt  }
0x64: {  	_ =	shalt  }
0x65: {  	_ =	shalt  }
0x66: {  	_ =	shalt  }
0x67: {  	_ =	shalt  }
0x68: {  	_ =	shalt  }
0x69: {  	_ =	shalt  }
0x6a: {  	_ =	shalt  }
0x6b: {  	_ =	shalt  }
0x6c: {  	_ =	shalt  }
0x6d: {  	_ =	shalt  }
0x6e: {  	_ =	shalt  }
0x6f: {  	_ =	shalt  }
0x70: {  	_ =	shalt  }
0x71: {  	_ =	shalt  }
0x72: {  	_ =	shalt  }
0x73: {  	_ =	shalt  }
0x74: {  	_ =	shalt  }
0x75: {  	_ =	shalt  }
0x76: {  	_ =	shalt  }
0x77: {  	_ =	shalt  }
0x78: {  	_ =	shalt  }
0x79: {  	_ =	shalt  }
0x7a: {  	_ =	shalt  }
0x7b: {  	_ =	shalt  }
0x7c: {  	_ =	shalt  }
0x7d: {  	_ =	shalt  }
0x7e: {  	_ =	shalt  }
0x7f: {  	_ =	shalt  }
0x80: {  	_ =	shalt  }
0x81: {  	_ =	shalt  }
0x82: {  	_ =	shalt  }
0x83: {  	_ =	shalt  }
0x84: {  	_ =	shalt  }
0x85: {  	_ =	shalt  }
0x86: {  	_ =	shalt  }
0x87: {  	_ =	shalt  }
.Lfunc_end0:
.L_simem_size_0:
called_computation_lowered:
.L_overlay_start_0:
0x88: {  	s2 =	sld [smem:$0x3FD9]  }
0x89: {  	s3 =	sld [smem:$0x3FFE];
	_ =	sdelay $0x1  }
0x8a: {  	s1 =	srdreg.scid  }
0x8b: {  	s0 =	sand.u32 $0x1, s1  }
0x8c: {  	s18 =	sshll.u32 s0, $0xA;
	s2 =	sadd.s32 s3, s2  }
0x8d: {  	s2 =	sadd.s32 s2, s18  }
0x8e: {  	[smem:$0x3FC7] =	sst s2  }
0x8f: {  	_ = 	snop  }
0x90: {  	s2 =	sld [smem:$0x3FC9]  }
0x91: {  	s19 =	sld [smem:$0x3FD0];
	(tm) =	ssettm $0x1  }
0x92: {  	s4 =	sld [smem:$0x3FFB];
	_ =	sdelay $0x3  }
0x93: {  	_ =	strace s4  }
0x94: {  	s4 =	sld [smem:$0x3FFC];
	_ =	sdelay $0x3  }
0x95: {  	_ =	strace s4  }
0x96: {  	s4 =	sld [smem:$0x3FFD];
	_ =	sdelay $0x3  }
0x97: {  	_ =	strace s4  }
0x98: {  	_ =	strace $0x8FFFFFFF  }
0x99: {  	s20 =	sld [smem:$0x3FDB];
	_ =	sdelay $0x1  }
0x9a: {  	s5 =	simm.s32 $_scs_section_size  }
0x9b: {  	s6 =	simm.s32 $_size__tile_overlayer_lowered;
	s7 =	simm.s32 $_tile_overlayer_lowered  }
0x9c: {  	s23 =	simm.s32 $0x1BFF;
	s22 =	sshll.u32 s7, $0x1;
	s4 =	sadd.s32 s5, s20  }
0x9d: {  	s8 =	simm.s32 $0x0;
	s21 =	sshll.u32 s6, $0x1;
	s6 =	sadd.s32 s22, s4  }
0x9e: {  	[timem:s8], [sflag:s23] =	dma.local [hbm:s6], s21  }
0x9f: {  	_ =	swait.ge [sflag:s23], s21  }
0xa0: {  	s5 =	ssub.s32 $0x0, s21;
	[sflag:s23] =	ssyncset.done $0x0  }
0xa1: {  	[sflag:s23] =	ssyncadd.s32 s5;
	_ =	sdelay $0x1  }
0xa2: {  	s24 =	simm.s32 $0x1B8B  }
0xa3: {  	_ =	swait.ge [sflag:s24], $0x1  }
0xa4: {  	[sflag:s24] =	ssyncset.done $0x0  }
0xa5: {  	s25 =	simm.s32 $0x1B8E;
	[sflag:s24] =	ssyncadd.s32 $0xFFFFFFFF  }
0xa6: {  	s26 =	simm.s32 $execute0_lowered;
	[smem:$0x3FD2] =	sst s25  }
0xa7: {  	s5 =	sshll.u32 s26, $0x1;
	_ =	strace $0x80000046;
	[dreg:$0x1] =	wrdreg $0xFFFFFFFF  }
0xa8: {  	s28 =	simm.s32 $_size_execute0_lowered;
	s4 =	sadd.s32 s4, s5;
	[dreg:$0x0] =	wrdreg $0x0  }
0xa9: {  	s5 =	sshll.u32 s28, $0x1;
	[dreg:$0x2] =	wrdreg s4  }
0xaa: {  	[dreg:$0x3] =	wrdreg s5  }
0xab: {  	[dreg:$0x4] =	wrdreg $0xC0  }
0xac: {  	_ =	task [dreg:s8], $0x5FFFF  }
0xad: {  	[dreg:$0x1] =	wrdreg $0xFFFFFFFF  }
0xae: {  	[dreg:$0x0] =	wrdreg $0x60  }
0xaf: {  	[dreg:$0x2] =	wrdreg s2  }
0xb0: {  	[dreg:$0x3] =	wrdreg s19  }
0xb1: {  	[dreg:$0x4] =	wrdreg $0x9  }
0xb2: {  	_ =	task.clear_ibuf [dreg:s8], $0x5FFFF;
	_ =	strace $0x90000046  }
0xb3: {  	s29 =	simm.s32 $0x9;
	_ =	strace $0x80000048  }
0xb4: {  	_ =	swait.ge [sflag:s29], $0x1  }
0xb5: {  	[sflag:s29] =	ssyncadd.s32 $0xFFFFFFFF  }
0xb6: {  	_ =	strace $0x90000048  }
0xb7: {  	_ =	sfence  }
0xb8: {  	s30 =	sld [smem:$0x0];
	_ =	sdelay $0x2  }
0xb9: {  	s31 =	sshll.u32 s1, $0xD;
	s1 =	sshrl.u32 s1, $0x2  }
0xba: {  	s3 =	sand.u32 $0x4000, s31;
	s1 =	sadd.s32 s1, s30  }
0xbb: {  	s0 =	sor.u32 s3, s0;
	s1 =	sshll.u32 s1, $0x11  }
0xbc: {  	s0 =	sor.u32 s1, s0  }
0xbd: {  	s0 =	sadd.s32 $0x8F2B, s0  }
0xbe: {  	[sflag:s0] =	ssyncadd.remote.s32 $0x1  }
0xbf: {  	_ =	sfence.sel $0xFFFF  }
0xc0: {  	[dreg:$0x0] =	wrdreg $0xFFFFFFFF;
	(pc) =	sbr.abs _section_cstart, $3  }
0xc1: {  	[dreg:$0x1] =	wrdreg $0xFFFFFFFF  }
0xc2: {  	_ =	task.clear_ibuf [dreg:s8], $0x2FFFF;
	_ =	strace $0x9FFFFFFF  }
0xc3: {  	(tm) =	ssettm $0x7FFFFFFF  }
tec
execute0_lowered:
.L_overlay_start_1:
0x0: {  	(tag) =	ssettag $0x1  }
0x1: {  	s1 =	rddreg [dreg:$0x0]  }
0x2: {  	s6 =	rddreg [dreg:$0x1];
	s2 =	simm.s32 $0x0  }
0x3: {  	s3 =	srdreg.scid;
	s0 =	stileid.u32;
	s11 =	simm.s32 $0x18000  }
0x4: {  	s12 =	simm.s32 $0x19080;
	s13 =	simm.s32 $0x10000;
	s14 =	simm.s32 $0x2  }
0x5: {  	[smem:$0x7FF] =	sst s2;
	s4 =	sand.u32 $0x1, s3;
	s8 =	sshll.u32 s0, $0x3  }
0x6: {  	s10 =	sshll.u32 s0, $0xF;
	_ =	strace $0x80000047;
	s5 =	ssub.s32 $0x2, s4  }
0x7: {  	v0 =	vlaneseq.u32;
	s9 =	sshll.u32 s4, $0x6;
	s4 =	sshll.u32 s4, $0x2;
	s6 =	sadd.s32 s6, s10  }
0x8: {  	v4 =	vmul.u32 $0xFFFFFFFF, v0;
	s7 =	sshrl.u32 s5, $0x1;
	s9 =	sadd.s32 s1, s9;
	s4 =	sor.u32 s4, s8  }
0x9: {  	v1 =	vimm.s32 $0x0;
	v2 =	vmul.u32 $0x101, v0;
	v5 =	vmul.u32 $0x11, v0;
	s8 =	simm.s32 $0x80;
	s7 =	ssub.s32 s5, s7;
	s5 =	sadd.s32 s10, s9  }
0xa: {  	v3 =	vimm.s32 $0x1;
	v6 =	vimm.s32 $0x80000000;
	v4 =	vadd.s32 $0xF, v4;
	s9 =	simm.s32 $0x400;
	s10 =	simm.s32 $0x1;
	s7 =	smax.u32 s7, $0x1  }
.LBB2_1:
0xb: {  	s15 =	simm.s32 $0x18040  }
0xc: {  	[tilespmem:s15+$0xFFFFFFC0] =	vst v1  }
0xd: {  	[tilespmem:s15+$0x30] =	vst v1  }
0xe: {  	[tilespmem:s15+$0x20] =	vst v1  }
0xf: {  	[tilespmem:s15+$0x10] =	vst v1  }
0x10: {  	[tilespmem:s15+$0x0] =	vst v1  }
0x11: {  	[tilespmem:s15+$0xFFFFFFF0] =	vst v1  }
0x12: {  	s16 =	simm.s32 $0x0;
	[tilespmem:s15+$0xFFFFFFE0] =	vst v1  }
.LBB2_2:
0x13: {  	s16 =	sadd.s32 $0x8, s16;
	[tilespmem:s15+$0xFFFFFFD0] =	vst v1;
	s15 =	sadd.s32 $0x80, s15  }
0x14: {  	[tilespmem:s15+$0xFFFFFFC0] =	vst v1;
	p0 =	slt.u32 s16, $0xF8  }
0x15: {  	[tilespmem:s15+$0x30] =	vst v1  }
.Ltmp0:
0x16: {  	[tilespmem:s15+$0x20] =	vst v1;
	(pc) =	sbr.rel @p0 .LBB2_2-.Ltmp0, $4  }
0x17: {  	[tilespmem:s15+$0x10] =	vst v1  }
0x18: {  	[tilespmem:s15+$0x0] =	vst v1  }
0x19: {  	[tilespmem:s15+$0xFFFFFFF0] =	vst v1  }
0x1a: {  	[tilespmem:s15+$0xFFFFFFE0] =	vst v1  }
0x1b: {  	[tilespmem:s15+$0xFFFFFFD0] =	vst v1  }
0x1c: {  	s15 =	simm.s32 $0x0;
	p0 =	por $0x0, $0x0;
	[tilespmem:$0x19000] =	vst v1  }
0x1d: {  	[tilespmem:s15], [sflag:$0x1] =	stream.strided.gather [hbm4b:s5+s8], $0x8000, s9, s8, $0x38;
	[tilespmem:$0x19300] =	vst v63  }
.LBB2_4:
0x1e: {  	s16 =	simm.s32 $0x1  }
0x1f: {  	_ =	swait.ge [sflag:s10], $0x8000;
	s16 =	simm.s32 @!p0 $0x0  }
0x20: {  	[sflag:s10] =	ssyncset.done $0x0;
	s17 =	sshll.u32 s16, $0xF  }
0x21: {  	[sflag:s10] =	ssyncadd.s32 $0xFFFF8000;
	s16 =	sor.u32 $0x80, s17  }
0x22: {  	v9 =	vld [tilespmem:s16+$0xFFFFFFC0]  }
0x23: {  	v7 =	vld [tilespmem:s16+$0x50]  }
0x24: {  	v8 =	vld [tilespmem:s16+$0xFFFFFFF0]  }
0x25: {  	v10 =	vld [tilespmem:s16+$0x0]  }
0x26: {  	v11 =	vld [tilespmem:s16+$0x30]  }
0x27: {  	v12 =	vld [tilespmem:s16+$0x10]  }
0x28: {  	v13 =	vld [tilespmem:s16+$0xFFFFFFD0]  }
0x29: {  	v14 =	vld [tilespmem:s16+$0xFFFFFFB0]  }
0x2a: {  	v15 =	vld [tilespmem:s16+$0xFFFFFFA0]  }
0x2b: {  	v16 =	vld [tilespmem:s16+$0xFFFFFF90];
	v17 =	vshra.s32 v8, $0x1F;
	v18 =	vshra.s32 v11, $0x1F;
	v19 =	vshra.s32 v7, $0x1F  }
0x2c: {  	v20 =	vshra.s32 v9, $0x1F;
	v21 =	vshra.s32 v10, $0x1F;
	v17 =	vor.u32 $0x80000000, v17  }
0x2d: {  	v22 =	vshra.s32 v13, $0x1F;
	v17 =	vxor.u32 v8, v17;
	v8 =	vor.u32 $0x80000000, v19  }
0x2e: {  	v23 =	vshra.s32 v12, $0x1F;
	v19 =	vshra.s32 v14, $0x1F;
	v24 =	vxor.u32 v7, v8  }
0x2f: {  	v7 =	vshra.s32 v15, $0x1F;
	v8 =	vor.u32 $0x80000000, v19;
	v19 =	vor.u32 $0x80000000, v23  }
0x30: {  	v23 =	vshra.s32 v16, $0x1F;
	v17 =	vshrl.u32 v17, $0x18;
	v25 =	vor.u32 $0x80000000, v7  }
0x31: {  	v26 =	vxor.u32 v12, v19;
	v12 =	vor.u32 $0x80000000, v23;
	v19 =	vxor.u32 v14, v8  }
0x32: {  	v8 =	vor.u32 $0x80000000, v18;
	v18 =	vor.u32 $0x80000000, v20;
	v23 =	vor.u32 $0x80000000, v21  }
0x33: {  	v7 =	vld [tilespmem:s16+$0xFFFFFFE0];
	v24 =	vshrl.u32 v24, $0x18;
	v12 =	vxor.u32 v16, v12;
	v14 =	vxor.u32 v15, v25  }
0x34: {  	v20 =	vld [tilespmem:s16+$0x40];
	v15 =	vor.u32 $0x80000000, v22;
	v11 =	vxor.u32 v11, v8;
	v25 =	vshrl.u32 v26, $0x18  }
0x35: {  	v16 =	vshrl.u32 v14, $0x18;
	v22 =	vshrl.u32 v11, $0x18;
	v11 =	vshrl.u32 v19, $0x18;
	v19 =	vld [tilespmem:s16+$0x70]  }
0x36: {  	v21 =	vld [tilespmem:s16+$0x60];
	v8 =	vadd.s32 v2, v16;
	v16 =	vxor.u32 v13, v15;
	v13 =	vxor.u32 v9, v18  }
0x37: {  	s18 =	sand.u32 $0x1, s15;
	s21 =	simm.s32 $0x0;
	s20 =	sor.u32 $0x40, s17;
	v12 =	vshrl.u32 v12, $0x18;
	v14 =	vld [tilespmem:s16+$0xFFFFFF80];
	v9 =	vadd.s32 v2, v11;
	v11 =	vshrl.u32 v13, $0x18  }
0x38: {  	s17 =	sshll.u32 s18, $0xF;
	s18 =	simm.s32 $0x191B1;
	s22 =	sadd.s32 $0x100, s16;
	v12 =	vadd.s32 v2, v12;
	v15 =	vld [tilespmem:s16+$0x20];
	v18 =	vshra.s32 v7, $0x1F;
	v11 =	vadd.s32 v2, v11  }
.LBB2_5:
0x39: {  	v13 =	vld [tilespmem:s22+$0xFFFFFFC0];
	s21 =	sadd.s32 $0x10, s21;
	v18 =	vor.u32 $0x80000000, v18;
	v10 =	vxor.u32 v10, v23;
	v23 =	vadd.s32 v2, v25;
	s19 =	simm.s32 $0x18808  }
0x3a: {  	v22 =	vadd.s32 v2, v22;
	v25 =	vld [tilespmem:s22+$0xFFFFFFE0];
	p1 =	slt.u32 s21, $0x7F0;
	v26 =	vshrl.u32 v10, $0x18;
	v10 =	vshra.s32 v19, $0x1F  }
0x3b: {  	v7 =	vxor.u32 v7, v18;
	v27 =	vld [tilespmem:s22+$0x50];
	v18 =	vshra.s32 v20, $0x1F;
	v10 =	vor.u32 $0x80000000, v10  }
0x3c: {  	v24 =	vadd.s32 v2, v24;
	v29 =	vshrl.u32 v7, $0x18;
	v28 =	vld [tilespmem:s22+$0xFFFFFFF0];
	v7 =	vxor.u32 v19, v10  }
0x3d: {  	v19 =	vshra.s32 v14, $0x1F;
	v18 =	vor.u32 $0x80000000, v18;
	v10 =	vld [tilespmem:s22+$0x0];
	v30 =	vshrl.u32 v7, $0x18  }
0x3e: {  	v16 =	vshrl.u32 v16, $0x18;
	v32 =	vor.u32 $0x80000000, v19;
	v18 =	vxor.u32 v20, v18;
	v31 =	vld [tilespmem:s22+$0x10]  }
0x3f: {  	v20 =	vshra.s32 v21, $0x1F;
	v14 =	vxor.u32 v14, v32;
	v18 =	vshrl.u32 v18, $0x18;
	v19 =	vld [tilespmem:s22+$0x30];
	v7 =	vmovc v25  }
0x40: {  	v20 =	vor.u32 $0x80000000, v20;
	v14 =	vshrl.u32 v14, $0x18;
	v18 =	vadd.s32 v2, v18;
	[tilespmem:v23+s11+$0x0] =	vst.idx.add.s32.msk $0xffff, v3  }
0x41: {  	v20 =	vxor.u32 v21, v20;
	v14 =	vadd.s32 v2, v14;
	v23 =	vshra.s32 v15, $0x1F;
	[tilespmem:v24+s11+$0x0] =	vst.idx.add.s32.msk $0xffff, v3  }
0x42: {  	v17 =	vadd.s32 v2, v17;
	v20 =	vshrl.u32 v20, $0x18;
	v23 =	vor.u32 $0x80000000, v23;
	v21 =	vld [tilespmem:s22+$0xFFFFFF90]  }
0x43: {  	v20 =	vadd.s32 v2, v20;
	[tilespmem:v22+s11+$0x0] =	vst.idx.add.s32.msk $0xffff, v3;
	v22 =	vadd.s32 v2, v30  }
0x44: {  	[tilespmem:v12+s11+$0x0] =	vst.idx.add.s32.msk $0xffff, v3;
	v12 =	vxor.u32 v15, v23  }
0x45: {  	v23 =	vadd.s32 v2, v26;
	v15 =	vld [tilespmem:s22+$0xFFFFFFA0];
	v12 =	vshrl.u32 v12, $0x18  }
0x46: {  	v16 =	vadd.s32 v2, v16;
	v12 =	vadd.s32 v2, v12;
	[tilespmem:v18+s11+$0x0] =	vst.idx.add.s32.msk $0xffff, v3  }
0x47: {  	v18 =	vld [tilespmem:s22+$0xFFFFFFB0]  }
0x48: {  	v24 =	vld [tilespmem:s22+$0xFFFFFFD0]  }
0x49: {  	[tilespmem:v20+s11+$0x0] =	vst.idx.add.s32.msk $0xffff, v3  }
0x4a: {  	v25 =	vshra.s32 v19, $0x1F;
	v26 =	vshra.s32 v27, $0x1F;
	v20 =	vshra.s32 v28, $0x1F;
	[tilespmem:v22+s11+$0x0] =	vst.idx.add.s32.msk $0xffff, v3  }
0x4b: {  	v20 =	vor.u32 $0x80000000, v20;
	[tilespmem:v16+s11+$0x0] =	vst.idx.add.s32.msk $0xffff, v3;
	v16 =	vadd.s32 v2, v29  }
0x4c: {  	v30 =	vshra.s32 v10, $0x1F;
	v29 =	vshra.s32 v13, $0x1F;
	[tilespmem:v17+s11+$0x0] =	vst.idx.add.s32.msk $0xffff, v3  }
0x4d: {  	v28 =	vxor.u32 v28, v20;
	v20 =	vor.u32 $0x80000000, v26;
	v17 =	vshra.s32 v24, $0x1F;
	[tilespmem:v12+s11+$0x0] =	vst.idx.add.s32.msk $0xffff, v3  }
0x4e: {  	v22 =	vshra.s32 v31, $0x1F;
	v26 =	vxor.u32 v27, v20;
	v12 =	vshra.s32 v18, $0x1F;
	[tilespmem:v23+s11+$0x0] =	vst.idx.add.s32.msk $0xffff, v3  }
0x4f: {  	v22 =	vor.u32 $0x80000000, v22;
	v20 =	vshra.s32 v15, $0x1F;
	v12 =	vor.u32 $0x80000000, v12;
	[tilespmem:v14+s11+$0x0] =	vst.idx.add.s32.msk $0xffff, v3  }
0x50: {  	v27 =	vxor.u32 v31, v22;
	v20 =	vor.u32 $0x80000000, v20;
	v14 =	vshra.s32 v21, $0x1F;
	[tilespmem:v8+s11+$0x0] =	vst.idx.add.s32.msk $0xffff, v3  }
0x51: {  	v18 =	vxor.u32 v18, v12;
	v12 =	vor.u32 $0x80000000, v25;
	v8 =	vor.u32 $0x80000000, v14;
	[tilespmem:v11+s11+$0x0] =	vst.idx.add.s32.msk $0xffff, v3  }
0x52: {  	v8 =	vxor.u32 v21, v8;
	v11 =	vxor.u32 v15, v20;
	v15 =	vor.u32 $0x80000000, v17;
	[tilespmem:v16+s11+$0x0] =	vst.idx.add.s32.msk $0xffff, v3  }
0x53: {  	v8 =	vshrl.u32 v8, $0x18;
	v11 =	vshrl.u32 v11, $0x18;
	v16 =	vxor.u32 v19, v12;
	[tilespmem:v9+s11+$0x0] =	vst.idx.add.s32.msk $0xffff, v3  }
.Ltmp1:
0x54: {  	v12 =	vadd.s32 v2, v8;
	v8 =	vadd.s32 v2, v11;
	v22 =	vshrl.u32 v16, $0x18;
	v14 =	vld [tilespmem:s22+$0xFFFFFF80];
	(pc) =	sbr.rel @p1 .LBB2_5-.Ltmp1, $4  }
0x55: {  	v9 =	vshrl.u32 v18, $0x18;
	v11 =	vor.u32 $0x80000000, v29;
	v16 =	vxor.u32 v24, v15;
	v19 =	vld [tilespmem:s22+$0x70]  }
0x56: {  	v23 =	vor.u32 $0x80000000, v30;
	v18 =	vshra.s32 v7, $0x1F;
	v11 =	vxor.u32 v13, v11;
	v20 =	vld [tilespmem:s22+$0x40]  }
0x57: {  	v25 =	vshrl.u32 v27, $0x18;
	v9 =	vadd.s32 v2, v9;
	v11 =	vshrl.u32 v11, $0x18;
	v15 =	vld [tilespmem:s22+$0x20]  }
0x58: {  	v17 =	vshrl.u32 v28, $0x18;
	v24 =	vshrl.u32 v26, $0x18;
	v11 =	vadd.s32 v2, v11;
	v21 =	vld [tilespmem:s22+$0x60];
	s22 =	sadd.s32 $0x100, s22  }
0x59: {  	_ = 	snop  }
0x5a: {  	v10 =	vxor.u32 v10, v23;
	v13 =	vadd.s32 v2, v25  }
0x5b: {  	v22 =	vadd.s32 v2, v22;
	v24 =	vadd.s32 v2, v24;
	v16 =	vshrl.u32 v16, $0x18  }
0x5c: {  	v44 =	vshra.s32 v14, $0x1F;
	v17 =	vadd.s32 v2, v17;
	v49 =	vor.u32 $0x80000000, v18  }
0x5d: {  	[tilespmem:v12+s11+$0x0] =	vst.idx.add.s32.msk $0xffff, v3;
	v40 =	vshra.s32 v19, $0x1F;
	v45 =	vadd.s32 v2, v16;
	v46 =	vor.u32 $0x80000000, v44  }
0x5e: {  	[tilespmem:v8+s11+$0x0] =	vst.idx.add.s32.msk $0xffff, v3;
	v10 =	vshrl.u32 v10, $0x18;
	v7 =	vxor.u32 v7, v49;
	v37 =	vshra.s32 v20, $0x1F  }
0x5f: {  	[tilespmem:v11+s11+$0x0] =	vst.idx.add.s32.msk $0xffff, v3;
	v10 =	vadd.s32 v2, v10;
	v7 =	vshrl.u32 v7, $0x18;
	v23 =	vor.u32 $0x80000000, v37  }
0x60: {  	[tilespmem:v9+s11+$0x0] =	vst.idx.add.s32.msk $0xffff, v3;
	v43 =	vshra.s32 v15, $0x1F;
	v7 =	vadd.s32 v2, v7;
	v38 =	vshra.s32 v21, $0x1F  }
0x61: {  	v39 =	vxor.u32 v20, v23;
	v23 =	vor.u32 $0x80000000, v40;
	v25 =	vor.u32 $0x80000000, v38;
	[tilespmem:v13+s11+$0x0] =	vst.idx.add.s32.msk $0xffff, v3  }
0x62: {  	v20 =	vshrl.u32 v39, $0x18;
	v42 =	vxor.u32 v19, v23;
	[tilespmem:v24+s11+$0x0] =	vst.idx.add.s32.msk $0xffff, v3;
	v13 =	vor.u32 $0x80000000, v43  }
0x63: {  	[tilespmem:v22+s11+$0x0] =	vst.idx.add.s32.msk $0xffff, v3;
	v41 =	vxor.u32 v21, v25;
	v20 =	vadd.s32 v2, v20;
	v19 =	vshrl.u32 v42, $0x18  }
0x64: {  	[tilespmem:v17+s11+$0x0] =	vst.idx.add.s32.msk $0xffff, v3;
	v13 =	vxor.u32 v15, v13;
	v21 =	vshrl.u32 v41, $0x18;
	v19 =	vadd.s32 v2, v19  }
0x65: {  	v48 =	vxor.u32 v14, v46;
	[tilespmem:v45+s11+$0x0] =	vst.idx.add.s32.msk $0xffff, v3;
	v47 =	vshrl.u32 v13, $0x18;
	v21 =	vadd.s32 v2, v21  }
0x66: {  	v13 =	vshrl.u32 v48, $0x18;
	[tilespmem:v10+s11+$0x0] =	vst.idx.add.s32.msk $0xffff, v3;
	v12 =	vadd.s32 v2, v47  }
0x67: {  	v13 =	vadd.s32 v2, v13;
	[tilespmem:v7+s11+$0x0] =	vst.idx.add.s32.msk $0xffff, v3  }
0x68: {  	[tilespmem:v20+s11+$0x0] =	vst.idx.add.s32.msk $0xffff, v3  }
0x69: {  	[tilespmem:v19+s11+$0x0] =	vst.idx.add.s32.msk $0xffff, v3  }
0x6a: {  	[tilespmem:v21+s11+$0x0] =	vst.idx.add.s32.msk $0xffff, v3  }
0x6b: {  	[tilespmem:v12+s11+$0x0] =	vst.idx.add.s32.msk $0xffff, v3  }
0x6c: {  	[tilespmem:v13+s11+$0x0] =	vst.idx.add.s32.msk $0xffff, v3  }
0x6d: {  	v7 =	vld [tilespmem:s19+$0xFFFFF808]  }
0x6e: {  	v8 =	vld [tilespmem:s19+$0xFFFFF909]  }
0x6f: {  	v9 =	vld [tilespmem:s19+$0xFFFFFA0A]  }
0x70: {  	v10 =	vld [tilespmem:s19+$0xFFFFFB0B]  }
0x71: {  	v11 =	vld [tilespmem:s19+$0xFFFFFC0C]  }
0x72: {  	v12 =	vld [tilespmem:s19+$0xFFFFFD0D]  }
0x73: {  	v13 =	vld [tilespmem:s19+$0xFFFFFE0E]  }
0x74: {  	[tilespmem:s19+$0xFFFFF808] =	vst v1;
	v50 =	vld [tilespmem:s19+$0xFFFFFF0F]  }
0x75: {  	[tilespmem:s19+$0xFFFFF909] =	vst v1;
	v15 =	vld [tilespmem:s19+$0x10]  }
0x76: {  	[tilespmem:s19+$0xFFFFFA0A] =	vst v1;
	v51 =	vld [tilespmem:s19+$0x111]  }
0x77: {  	[tilespmem:s19+$0xFFFFFB0B] =	vst v1;
	v17 =	vld [tilespmem:s19+$0xFFFFF8F9]  }
0x78: {  	[tilespmem:s19+$0xFFFFFC0C] =	vst v1;
	v52 =	vld [tilespmem:s19+$0x212]  }
0x79: {  	[tilespmem:s19+$0xFFFFFD0D] =	vst v1;
	v19 =	vld [tilespmem:s19+$0xFFFFF7F8];
	v7 =	vadd.s32 v7, v8  }
0x7a: {  	[tilespmem:s19+$0xFFFFFE0E] =	vst v1;
	v53 =	vld [tilespmem:s19+$0x515];
	v7 =	vadd.s32 v9, v7  }
0x7b: {  	[tilespmem:s19+$0xFFFFFF0F] =	vst v1;
	v54 =	vld [tilespmem:s19+$0xFFFFFBFC];
	v7 =	vadd.s32 v10, v7  }
0x7c: {  	[tilespmem:s19+$0x10] =	vst v1;
	v55 =	vld [tilespmem:s19+$0x616];
	v7 =	vadd.s32 v11, v7  }
0x7d: {  	[tilespmem:s19+$0x111] =	vst v1;
	v56 =	vld [tilespmem:s19+$0xFFFFFCFD];
	v7 =	vadd.s32 v12, v7  }
0x7e: {  	[tilespmem:s19+$0xFFFFF8F9] =	vst v1;
	v8 =	vld [tilespmem:s19+$0x313];
	v7 =	vadd.s32 v13, v7  }
0x7f: {  	[tilespmem:s19+$0x212] =	vst v1;
	v10 =	vld [tilespmem:s19+$0x414];
	v7 =	vadd.s32 v50, v7  }
0x80: {  	[tilespmem:s19+$0xFFFFF7F8] =	vst v1;
	v57 =	vld [tilespmem:s19+$0x717];
	v7 =	vadd.s32 v15, v7  }
0x81: {  	[tilespmem:s19+$0xFFFFFBFC] =	vst v1;
	v58 =	vld [tilespmem:s19+$0xFFFFFDFE];
	v7 =	vadd.s32 v51, v7  }
0x82: {  	[tilespmem:s19+$0xFFFFFCFD] =	vst v1;
	v9 =	vld [tilespmem:s19+$0xFFFFF9FA];
	v7 =	vadd.s32 v52, v7  }
0x83: {  	[tilespmem:s19+$0xFFFFFDFE] =	vst v1;
	v11 =	vld [tilespmem:s19+$0xFFFFFAFB];
	v7 =	vadd.s32 v8, v7  }
0x84: {  	v60 =	vld [tilespmem:s19+$0x101];
	[tilespmem:s19+$0x101] =	vst v1;
	v7 =	vadd.s32 v10, v7  }
0x85: {  	v62 =	vld [tilespmem:s19+$0x404];
	[tilespmem:s19+$0x404] =	vst v1;
	v7 =	vadd.s32 v53, v7  }
0x86: {  	[tilespmem:s19+$0x515] =	vst v1;
	v61 =	vadd.s32 v19, v17;
	v7 =	vadd.s32 v55, v7  }
0x87: {  	[tilespmem:s19+$0x616] =	vst v1;
	v9 =	vadd.s32 v9, v61;
	v8 =	vld [tilespmem:s19+$0xFFFFFEFF];
	v59 =	vadd.s32 v57, v7  }
0x88: {  	[tilespmem:s19+$0x717] =	vst v1;
	v9 =	vadd.s32 v11, v9;
	v10 =	vld [tilespmem:s19+$0x0];
	v7 =	vperm.xlane v59, v4  }
0x89: {  	v63 =	vld [tilespmem:s19+$0x606];
	[tilespmem:s19+$0x606] =	vst v1;
	v9 =	vadd.s32 v54, v9  }
0x8a: {  	[tilespmem:s19+$0x313] =	vst v1;
	v9 =	vadd.s32 v56, v9;
	(xrf0) =	vadd.scan.msk.s32 $0xffff, v7;
	v7 =	vld [tilespmem:s19+$0x202]  }
0x8b: {  	[tilespmem:s19+$0xFFFFF9FA] =	vst v1;
	v11 =	vld [tilespmem:s19+$0x303];
	v9 =	vadd.s32 v58, v9  }
0x8c: {  	[tilespmem:s19+$0x414] =	vst v1;
	v8 =	vadd.s32 v8, v9  }
0x8d: {  	[tilespmem:s19+$0xFFFFFAFB] =	vst v1;
	v8 =	vadd.s32 v10, v8  }
0x8e: {  	[tilespmem:s19+$0x303] =	vst v1;
	v9 =	vld [tilespmem:s19+$0x505];
	v8 =	vadd.s32 v60, v8  }
0x8f: {  	[tilespmem:s19+$0xFFFFFEFF] =	vst v1;
	v7 =	vadd.s32 v7, v8  }
0x90: {  	[tilespmem:s19+$0x0] =	vst v1;
	v8 =	vadd.s32 v11, v7;
	v7 =	vld [tilespmem:s19+$0x707]  }
0x91: {  	[tilespmem:s18+$0x0] =	vst v59;
	v10, _, _ =	vpop (xrf0)  }
0x92: {  	[tilespmem:s19+$0x505] =	vst v1;
	v10 =	vperm.xlane v10, v4;
	v8 =	vadd.s32 v62, v8  }
0x93: {  	[tilespmem:s19+$0x202] =	vst v1;
	v8 =	vadd.s32 v9, v8  }
0x94: {  	s21 =	simm.s32 $0x0;
	s22 =	simm.s32 $0x18828;
	[tilespmem:s18+$0xFFFFFEE0] =	vst v10;
	v8 =	vadd.s32 v63, v8  }
.LBB2_7:
0x95: {  	v9 =	vld [tilespmem:s22+$0xFFFFF808];
	[tilespmem:s22+$0xFFFFF808] =	vst v1;
	v7 =	vadd.s32 v7, v8  }
0x96: {  	s21 =	sadd.s32 $0x2, s21;
	v8 =	vld [tilespmem:s22+$0xFFFFF909];
	[tilespmem:s22+$0xFFFFF909] =	vst v1;
	v10 =	vperm.xlane v7, v4  }
0x97: {  	p1 =	slt.u32 s21, $0xE;
	v11 =	vld [tilespmem:s22+$0xFFFFFA0A];
	[tilespmem:s22+$0xFFFFFA0A] =	vst v1  }
0x98: {  	v12 =	vld [tilespmem:s22+$0xFFFFFB0B];
	[tilespmem:s22+$0xFFFFFB0B] =	vst v1;
	(xrf0) =	vadd.scan.msk.s32 $0xffff, v10  }
0x99: {  	v10 =	vld [tilespmem:s22+$0xFFFFFC0C];
	[tilespmem:s22+$0xFFFFFC0C] =	vst v1  }
0x9a: {  	v13 =	vld [tilespmem:s22+$0xFFFFFD0D];
	[tilespmem:s22+$0xFFFFFD0D] =	vst v1  }
0x9b: {  	v8 =	vadd.s32 v9, v8;
	v9 =	vld [tilespmem:s22+$0xFFFFFE0E];
	[tilespmem:s22+$0xFFFFFE0E] =	vst v1  }
0x9c: {  	v8 =	vadd.s32 v11, v8;
	v11 =	vld [tilespmem:s22+$0xFFFFFF0F];
	[tilespmem:s22+$0xFFFFFF0F] =	vst v1  }
0x9d: {  	v8 =	vadd.s32 v12, v8;
	v12 =	vld [tilespmem:s22+$0x10];
	[tilespmem:s22+$0x10] =	vst v1  }
0x9e: {  	v8 =	vadd.s32 v10, v8;
	v10 =	vld [tilespmem:s22+$0x111];
	[tilespmem:s22+$0x111] =	vst v1;
	v14, _, _ =	vpop (xrf0)  }
0x9f: {  	v8 =	vadd.s32 v13, v8;
	v13 =	vld [tilespmem:s22+$0x212];
	[tilespmem:s22+$0x212] =	vst v1;
	v14 =	vperm.xlane v14, v4  }
0xa0: {  	v8 =	vadd.s32 v9, v8;
	v9 =	vld [tilespmem:s22+$0x313];
	[tilespmem:s22+$0x313] =	vst v1  }
0xa1: {  	v8 =	vadd.s32 v11, v8;
	v11 =	vld [tilespmem:s22+$0x414];
	[tilespmem:s22+$0x414] =	vst v1  }
0xa2: {  	v8 =	vadd.s32 v12, v8;
	v12 =	vld [tilespmem:s22+$0x515];
	[tilespmem:s19+$0x707] =	vst v1;
	s19 =	smov.u32 s22  }
0xa3: {  	v8 =	vadd.s32 v10, v8;
	v10 =	vld [tilespmem:s22+$0x616];
	[tilespmem:s18+$0xFFFFFECF] =	vst v14  }
0xa4: {  	v8 =	vadd.s32 v13, v8;
	v13 =	vld [tilespmem:s22+$0x717];
	[tilespmem:s18+$0xFFFFFFEF] =	vst v7  }
0xa5: {  	v7 =	vld [tilespmem:s22+$0xFFFFF8F9];
	[tilespmem:s22+$0xFFFFF8F9] =	vst v1;
	v8 =	vadd.s32 v9, v8  }
0xa6: {  	v9 =	vld [tilespmem:s22+$0xFFFFF7F8];
	[tilespmem:s22+$0xFFFFF7F8] =	vst v1;
	v8 =	vadd.s32 v11, v8  }
0xa7: {  	v11 =	vld [tilespmem:s22+$0xFFFFF9FA];
	[tilespmem:s22+$0xFFFFF9FA] =	vst v1;
	v8 =	vadd.s32 v12, v8  }
0xa8: {  	v12 =	vld [tilespmem:s22+$0xFFFFFAFB];
	[tilespmem:s22+$0xFFFFFAFB] =	vst v1;
	v8 =	vadd.s32 v10, v8  }
0xa9: {  	v10 =	vld [tilespmem:s22+$0xFFFFFBFC];
	[tilespmem:s22+$0xFFFFFBFC] =	vst v1;
	v8 =	vadd.s32 v13, v8  }
0xaa: {  	v13 =	vld [tilespmem:s22+$0xFFFFFCFD];
	[tilespmem:s22+$0xFFFFFCFD] =	vst v1;
	v14 =	vperm.xlane v8, v4  }
0xab: {  	v7 =	vadd.s32 v9, v7;
	v9 =	vld [tilespmem:s22+$0xFFFFFDFE];
	[tilespmem:s22+$0xFFFFFDFE] =	vst v1  }
0xac: {  	v7 =	vadd.s32 v11, v7;
	v11 =	vld [tilespmem:s22+$0xFFFFFEFF];
	[tilespmem:s22+$0xFFFFFEFF] =	vst v1;
	(xrf0) =	vadd.scan.msk.s32 $0xffff, v14  }
0xad: {  	v7 =	vadd.s32 v12, v7;
	v12 =	vld [tilespmem:s22+$0x0];
	[tilespmem:s22+$0x0] =	vst v1  }
0xae: {  	v7 =	vadd.s32 v10, v7;
	v10 =	vld [tilespmem:s22+$0x101];
	[tilespmem:s22+$0x101] =	vst v1  }
0xaf: {  	v7 =	vadd.s32 v13, v7;
	v13 =	vld [tilespmem:s22+$0x202];
	[tilespmem:s22+$0x202] =	vst v1  }
0xb0: {  	v7 =	vadd.s32 v9, v7;
	v9 =	vld [tilespmem:s22+$0x303];
	[tilespmem:s22+$0x303] =	vst v1  }
0xb1: {  	v7 =	vadd.s32 v11, v7;
	v11 =	vld [tilespmem:s22+$0x404];
	[tilespmem:s22+$0x404] =	vst v1  }
0xb2: {  	v7 =	vadd.s32 v12, v7;
	v12 =	vld [tilespmem:s22+$0x505];
	[tilespmem:s22+$0x515] =	vst v1;
	v14, _, _ =	vpop (xrf0)  }
0xb3: {  	v7 =	vadd.s32 v10, v7;
	v10 =	vld [tilespmem:s22+$0x606];
	[tilespmem:s22+$0x616] =	vst v1;
	v14 =	vperm.xlane v14, v4  }
.Ltmp2:
0xb4: {  	s18 =	sadd.s32 $0x22, s18;
	v13 =	vadd.s32 v13, v7;
	v7 =	vld [tilespmem:s22+$0x707];
	[tilespmem:s22+$0x717] =	vst v1;
	(pc) =	sbr.rel @p1 .LBB2_7-.Ltmp2, $4  }
0xb5: {  	v9 =	vadd.s32 v9, v13;
	[tilespmem:s18+$0xFFFFFEE0] =	vst v14  }
0xb6: {  	v9 =	vadd.s32 v11, v9;
	[tilespmem:s18+$0x0] =	vst v8  }
0xb7: {  	v8 =	vadd.s32 v12, v9;
	[tilespmem:s22+$0x505] =	vst v1  }
0xb8: {  	s22 =	sadd.s32 $0x20, s22;
	v8 =	vadd.s32 v10, v8;
	[tilespmem:s19+$0x606] =	vst v1  }
0xb9: {  	v7 =	vadd.s32 v7, v8  }
0xba: {  	v8 =	vperm.xlane v7, v4;
	_ =	sdelay $0x1  }
0xbb: {  	(xrf0) =	vadd.scan.msk.s32 $0xffff, v8;
	_ =	sdelay $0x5  }
0xbc: {  	v8, _, _ =	vpop (xrf0)  }
0xbd: {  	[tilespmem:s19+$0x707] =	vst v1;
	v8 =	vperm.xlane v8, v4  }
0xbe: {  	[tilespmem:s18+$0xFFFFFFEF] =	vst v7  }
0xbf: {  	[tilespmem:s18+$0xFFFFFECF] =	vst v8  }
0xc0: {  	v7 =	vld.idx.msk [tilespmem:v5+s12+$0x0], $0xffff;
	_ =	sdelay $0x4  }
0xc1: {  	v8 =	vperm.xlane v7, v4;
	_ =	sdelay $0x1  }
0xc2: {  	s28 =	simm.s32 $0x0;
	(xrf0) =	vadd.scan.msk.s32 $0xffff, v8  }
0xc3: {  	v8 =	vadd.s32 s28, v5;
	_ =	sdelay $0x1  }
0xc4: {  	s29 =	simm.s32 $0x120  }
0xc5: {  	v10 =	vadd.s32 s29, v5;
	_ =	sdelay $0x1  }
0xc6: {  	s30 =	simm.s32 $0x1;
	v11 =	vld.idx.msk [tilespmem:v8+s12+$0x0], $0xffff;
	v8, _, _ =	vpop (xrf0)  }
0xc7: {  	v12 =	vadd.s32 s30, v5;
	v8 =	vperm.xlane v8, v4  }
0xc8: {  	s31 =	simm.s32 $0x121  }
0xc9: {  	v13 =	vadd.s32 s31, v5;
	v9 =	vsub.s32 v8, v7;
	v8 =	vld.idx.msk [tilespmem:v10+s12+$0x0], $0xffff;
	_ =	sdelay $0x1  }
0xca: {  	v7 =	vimm.s32 $0x0  }
0xcb: {  	s18 =	simm.s32 $0x2;
	v12 =	vld.idx.msk [tilespmem:v12+s12+$0x0], $0xffff;
	v10 =	vimm.s32 $0x0;
	v14 =	vadd.s32 v11, v9;
	v11 =	vimm.s32 $0x0  }
.LBB2_9:
0xcc: {  	v15 =	vadd.s32 s18, v5;
	p1 =	sne.s32 s18, $0xF;
	vm0 =	vgt.s32 v14, $0x200;
	s19 =	smov.u32 s18;
	s18 =	sadd.s32 $0x1, s18  }
.Ltmp3:
0xcd: {  	v7 =	vadd.s32 v7, v8;
	s19 =	sadd.s32 $0x120, s19;
	v14 =	vmpcnt.ones.xlane vm0;
	v16 =	vnsel vm0, $0x0, v8;
	v8 =	vld.idx.msk [tilespmem:v13+s12+$0x0], $0xffff;
	(pc) =	sbr.rel @p1 .LBB2_9-.Ltmp3, $3  }
0xce: {  	v13 =	vadd.s32 s19, v5;
	v10 =	vadd.s32 v10, v16  }
0xcf: {  	v11 =	vadd.s32 v11, v14;
	_ =	sdelay $0x1  }
0xd0: {  	v14 =	vadd.s32 v12, v9;
	v12 =	vld.idx.msk [tilespmem:v15+s12+$0x0], $0xffff  }
0xd1: {  	_ =	sdelay $0x3  }
0xd2: {  	v13 =	vld.idx.msk [tilespmem:v13+s12+$0x0], $0xffff  }
0xd3: {  	vm0 =	vgt.s32 v14, $0x200;
	v9 =	vadd.s32 v12, v9  }
0xd4: {  	v12 =	vmpcnt.ones.xlane vm0;
	vm1 =	vgt.s32 v9, $0x200  }
0xd5: {  	v9 =	vmpcnt.ones.xlane vm1  }
0xd6: {  	v7 =	vadd.s32 v7, v8;
	v14 =	vnsel vm0, $0x0, v8;
	v8 =	vadd.s32 v11, v12  }
0xd7: {  	v10 =	vadd.s32 v10, v14;
	v11 =	vnsel vm1, $0x0, v13;
	v8 =	vadd.s32 v8, v9  }
0xd8: {  	v7 =	vadd.s32 v7, v13;
	v9 =	vadd.s32 v10, v11;
	v8 =	vxor.u32 $0x80000000, v8  }
0xd9: {  	v7 =	vsub.s32 v7, v9;
	(xrf0) =	vmax.scan.msk.u32 $0xffff, v8  }
0xda: {  	(xrf0) =	vadd.scan.msk.s32 $0xffff, v7;
	_ =	sdelay $0x4  }
0xdb: {  	v7, _, _ =	vpop (xrf0)  }
0xdc: {  	(v2sf) =	vpush v7, $0xF;
	v7, _, _ =	vpop (xrf0)  }
0xdd: {  	(v2sf) =	vpush v7, $0xF;
	_ =	sdelay $0xd  }
0xde: {  	p1 =	seq.s32 s15, $0x0;
	s22 =	spop (v2sf)  }
0xdf: {  	s21 =	simm.s32 @!p1 $0x2;
	s19 =	spop (v2sf)  }
0xe0: {  	p2 =	seq.s32 @!p1 s15, $0x3;
	_ =	swait.ge @!p1 [sflag:s21], $0x8000  }
0xe1: {  	s18 =	sadd.s32 s4, s15;
	p2 =	por p1, !p2;
	[sflag:s21] =	ssyncset.done @!p1 $0x0  }
0xe2: {  	[sflag:s21] =	ssyncadd.s32 @!p1 $0xFFFF8000;
	s21 =	sadd.s32 @p2 $0x1, s18  }
0xe3: {  	s23 =	sshll.u32 @p2 s21, $0x4  }
0xe4: {  	s21 =	sshll.u32 @p2 s21, $0xC;
	s23 =	sand.u32 @p2 $0x70, s23  }
0xe5: {  	s21 =	sand.u32 @p2 $0xFFF8000, s21;
	s23 =	sadd.s32 @p2 s1, s23  }
0xe6: {  	s24 =	sxor.u32 @p2 $0x8000, s17;
	s21 =	sadd.s32 @p2 s21, s23  }
0xe7: {  	[tilespmem:s24], [sflag:$0x1] =	stream.strided.gather @p2 [hbm4b:s21+s8], $0x8000, s9, s8, $0x38;
	[tilespmem:$0x19300] =	vst v63  }
0xe8: {  	v12 =	vld [tilespmem:s20+$0xFFFFFFE0]  }
0xe9: {  	v8 =	vld [tilespmem:s20+$0xFFFFFFF0]  }
0xea: {  	v10 =	vld [tilespmem:s20+$0x20]  }
0xeb: {  	s31 =	sxor.u32 $0x80000000, s22;
	v11 =	vld [tilespmem:s20+$0x10]  }
0xec: {  	s23 =	ssub.s32 $0x100, s31;
	s21 =	sadd.s32 $0x7FFFFFFF, s22;
	v9 =	vld [tilespmem:s20+$0x30]  }
0xed: {  	s22 =	sadd.s32 $0x7FFFFF7F, s22;
	s24 =	simm.s32 $0xFF;
	p1 =	slt.s32 s21, $0x80;
	v13 =	vld [tilespmem:s20+$0xFFFFFFC0]  }
0xee: {  	s22 =	smov.u32 @p1 s23;
	s24 =	simm.s32 @!p1 $0x0  }
0xef: {  	v14 =	vimm.s32 $0xFFFFFFFF;
	v17 =	vmov s22;
	v7 =	vmov s24  }
0xf0: {  	v15 =	vshrl.u32 v12, $0x18;
	v16 =	vshrl.u32 v12, $0x10;
	v20 =	vshrl.u32 v11, $0x10  }
0xf1: {  	v21 =	vshrl.u32 v8, $0x18;
	v25 =	vshrl.u32 v9, $0x18;
	v33 =	vshrl.u32 v9, $0x10  }
0xf2: {  	v29 =	vshrl.u32 v13, $0x10;
	v18 =	vand.u32 $0xFF, v16;
	v16 =	vshrl.u32 v10, $0x18  }
0xf3: {  	v34 =	vshrl.u32 v8, $0x10;
	vm2 =	veq.s32 v15, v17;
	vm1 =	veq.s32 v16, v17;
	v16 =	vld [tilespmem:s20+$0xFFFFFFD0]  }
0xf4: {  	v20 =	vand.u32 $0xFF, v20;
	vm6 =	veq.s32 v21, v17;
	v21 =	vshrl.u32 v13, $0x18  }
0xf5: {  	vm0 =	veq.s32 v25, v17;
	v25 =	vand.u32 $0xFF, v29;
	v33 =	vand.u32 $0xFF, v33  }
0xf6: {  	v19 =	vsel vm2, $0x1, v1;
	v18 =	vxor.u32 v7, v18;
	v20 =	vxor.u32 v7, v20  }
0xf7: {  	v15 =	vld [tilespmem:s20+$0x0];
	v27 =	vsel vm6, $0x1, v1;
	v24 =	vadd.s32 v2, v18;
	v18 =	vshrl.u32 v11, $0x18  }
0xf8: {  	v22 =	vsel vm1, $0x1, v1;
	(xrf0) =	vadd.scan.msk.s32 $0xffff, v19;
	vm4 =	veq.s32 v18, v17;
	v23 =	vshrl.u32 v16, $0x18  }
0xf9: {  	vm3 =	veq.s32 v21, v17;
	(xrf0) =	vadd.scan.msk.s32 $0xffff, v22;
	v19 =	vsel vm4, $0x1, v1;
	vm5 =	veq.s32 v23, v17  }
0xfa: {  	v36 =	vmpcnt.ones.xlane vm2;
	v30 =	vmpcnt.ones.xlane vm3;
	(xrf0) =	vadd.scan.msk.s32 $0xffff, v19;
	v21 =	vsel vm5, $0x1, v1  }
0xfb: {  	v37 =	vsel vm0, $0x1, v1;
	v20 =	vadd.s32 v2, v20;
	(xrf0) =	vadd.scan.msk.s32 $0xffff, v21;
	v21 =	vshrl.u32 v10, $0x10  }
0xfc: {  	v30 =	vadd.s32 v14, v30;
	v26 =	vshrl.u32 v15, $0x18;
	(xrf0) =	vadd.scan.msk.s32 $0xffff, v27;
	v22 =	vand.u32 $0xFF, v21  }
0xfd: {  	v18 =	vshrl.u32 v15, $0x10;
	v19 =	vmpcnt.ones.xlane vm4;
	vm7 =	veq.s32 v26, v17  }
0xfe: {  	v26 =	vmpcnt.ones.xlane vm6;
	[tilespmem:v24+s11+$0x0] =	vst.idx.add.s32.msk vm2, v3;
	v24 =	vmpcnt.ones.xlane vm5;
	v27, _, _ =	vpop (xrf0);
	v31 =	vxor.u32 v7, v22  }
0xff: {  	v23 =	vsel vm7, $0x1, v1;
	v32 =	vadd.s32 v2, v31;
	v31 =	vand.u32 $0xFF, v34;
	v22, _, _ =	vpop (xrf0)  }
0x100: {  	v28 =	vmpcnt.ones.xlane vm7;
	v21 =	vmpcnt.ones.xlane vm1;
	v31 =	vxor.u32 v7, v31;
	v29, _, _ =	vpop (xrf0)  }
0x101: {  	s19 =	ssub.s32 $0x201, s19;
	s18 =	sshll.u32 s18, $0x4;
	[tilespmem:v20+s11+$0x0] =	vst.idx.add.s32.msk vm4, v3;
	v35 =	vadd.s32 v30, v24;
	v34 =	vshrl.u32 v16, $0x10;
	v31 =	vadd.s32 v2, v31;
	v20, _, _ =	vpop (xrf0)  }
0x102: {  	s18 =	sand.u32 $0x70, s18;
	s23 =	sadd.s32 $0x80, s20;
	s22 =	simm.s32 $0x0;
	(xrf0) =	vadd.scan.msk.s32 $0xffff, v37;
	v20 =	vadd.s32 v30, v20;
	v24, _, _ =	vpop (xrf0);
	v30 =	vxor.u32 v7, v25;
	v25 =	vadd.s32 v35, v36  }
.LBB2_11:
0x103: {  	v37 =	vsel vm3, $0x1, v1;
	v34 =	vand.u32 $0xFF, v34  }
0x104: {  	v36 =	vld [tilespmem:s23+$0xFFFFFFF0];
	s22 =	sadd.s32 $0x8, s22;
	v27 =	vadd.s32 v35, v27;
	vm9 =	vmmov vm6;
	vm8 =	vmmov vm7  }
0x105: {  	v26 =	vadd.s32 v25, v26;
	p2 =	slt.u32 s22, $0x7F8;
	v34 =	vxor.u32 v7, v34;
	[tilespmem:v32+s11+$0x0] =	vst.idx.add.s32.msk vm1, v3;
	(xrf0) =	vadd.scan.msk.s32 $0xffff, v37  }
0x106: {  	v35 =	vmpcnt.ones.xlane vm0;
	v28 =	vadd.s32 v26, v28;
	v32 =	vld [tilespmem:s23+$0xFFFFFFE0];
	v34 =	vadd.s32 v2, v34  }
0x107: {  	v29 =	vadd.s32 v28, v29;
	v19 =	vadd.s32 v28, v19;
	v28 =	vxor.u32 v7, v33;
	v37 =	vld [tilespmem:s23+$0x20]  }
0x108: {  	v18 =	vand.u32 $0xFF, v18;
	v21 =	vadd.s32 v19, v21;
	v28 =	vadd.s32 v2, v28;
	v33 =	vld [tilespmem:s23+$0x10];
	(xrf0) =	vadd.scan.msk.s32 $0xffff, v23  }
0x109: {  	v18 =	vxor.u32 v7, v18;
	v19 =	vadd.s32 v19, v22;
	v35 =	vadd.s32 v21, v35;
	v38 =	vld [tilespmem:s23+$0xFFFFFFC0];
	v22, _, _ =	vpop (xrf0)  }
0x10a: {  	v18 =	vadd.s32 v2, v18;
	[tilespmem:v31+s11+$0x0] =	vst.idx.add.s32.msk vm6, v3;
	v31 =	vadd.s32 v21, v22  }
0x10b: {  	v23 =	vadd.s32 v2, v30;
	v21 =	vshrl.u32 v32, $0x18;
	v22 =	vshrl.u32 v32, $0x10;
	v39 =	vld [tilespmem:s23+$0x30];
	[tilespmem:v27+s13+$0x0] =	vst.idx.msk vm2, v12;
	v12, _, _ =	vpop (xrf0)  }
0x10c: {  	vm2 =	veq.s32 v21, v17;
	v21 =	vand.u32 $0xFF, v22;
	v22 =	vadd.s32 v14, v12;
	[tilespmem:v34+s11+$0x0] =	vst.idx.add.s32.msk vm5, v3  }
0x10d: {  	v34 =	vshrl.u32 v37, $0x18;
	v12 =	vmovc v32;
	v14 =	vmovc v35;
	v27 =	vsel vm2, $0x1, v1;
	v30 =	vshrl.u32 v33, $0x10;
	[tilespmem:v28+s11+$0x0] =	vst.idx.add.s32.msk vm0, v3  }
0x10e: {  	v28 =	vshrl.u32 v36, $0x18;
	v32 =	vld [tilespmem:s23+$0x0];
	v30 =	vand.u32 $0xFF, v30;
	[tilespmem:v19+s13+$0x0] =	vst.idx.msk vm1, v10;
	vm1 =	veq.s32 v34, v17;
	v10, _, _ =	vpop (xrf0)  }
0x10f: {  	v24 =	vadd.s32 v25, v24;
	v19 =	vld [tilespmem:s23+$0xFFFFFFD0];
	v34 =	vsel vm1, $0x1, v1;
	(xrf0) =	vadd.scan.msk.s32 $0xffff, v27;
	v25 =	vadd.s32 v26, v10;
	v10 =	vmovc v37  }
0x110: {  	v21 =	vxor.u32 v7, v21;
	v30 =	vxor.u32 v7, v30;
	(xrf0) =	vadd.scan.msk.s32 $0xffff, v34;
	[tilespmem:v29+s13+$0x0] =	vst.idx.msk vm4, v11  }
0x111: {  	vm6 =	veq.s32 v28, v17;
	v29 =	vadd.s32 v2, v21;
	v21 =	vshrl.u32 v33, $0x18;
	[tilespmem:v20+s13+$0x0] =	vst.idx.msk vm5, v16  }
0x112: {  	v34 =	vshrl.u32 v39, $0x18;
	v11 =	vmovc v33;
	v20 =	vshrl.u32 v38, $0x18;
	vm4 =	veq.s32 v21, v17;
	[tilespmem:v18+s11+$0x0] =	vst.idx.add.s32.msk vm8, v3  }
0x113: {  	v21 =	vsel vm6, $0x1, v1;
	v28 =	vsel vm4, $0x1, v1;
	v18 =	vshrl.u32 v32, $0x10;
	[tilespmem:v23+s11+$0x0] =	vst.idx.add.s32.msk vm3, v3  }
0x114: {  	v33 =	vshrl.u32 v39, $0x10;
	v26 =	vshrl.u32 v32, $0x18;
	v23 =	vshrl.u32 v19, $0x18;
	(xrf0) =	vadd.scan.msk.s32 $0xffff, v28;
	v16 =	vmovc v19  }
0x115: {  	v19 =	vmpcnt.ones.xlane vm4;
	vm5 =	veq.s32 v23, v17;
	v27, _, _ =	vpop (xrf0);
	[tilespmem:v22+s13+$0x0] =	vst.idx.msk vm3, v13;
	vm3 =	veq.s32 v20, v17  }
0x116: {  	v37 =	vmpcnt.ones.xlane vm2;
	vm7 =	veq.s32 v26, v17;
	v28 =	vsel vm5, $0x1, v1;
	v22, _, _ =	vpop (xrf0);
	[tilespmem:v24+s13+$0x0] =	vst.idx.msk vm9, v8  }
0x117: {  	v26 =	vmpcnt.ones.xlane vm6;
	v20 =	vshrl.u32 v38, $0x10;
	v8 =	vmovc v36;
	(xrf0) =	vadd.scan.msk.s32 $0xffff, v28;
	[tilespmem:v25+s13+$0x0] =	vst.idx.msk vm8, v15  }
0x118: {  	v23 =	vsel vm7, $0x1, v1;
	v13 =	vmovc v38;
	v24 =	vadd.s32 v2, v30;
	v30 =	vshrl.u32 v10, $0x10;
	(xrf0) =	vadd.scan.msk.s32 $0xffff, v21  }
0x119: {  	v28 =	vmpcnt.ones.xlane vm7;
	v25 =	vand.u32 $0xFF, v30;
	v15 =	vmovc v32;
	v21 =	vmpcnt.ones.xlane vm1;
	[tilespmem:v31+s13+$0x0] =	vst.idx.msk vm0, v9;
	v9 =	vmovc v39  }
0x11a: {  	v30 =	vmpcnt.ones.xlane vm3;
	v25 =	vxor.u32 v7, v25;
	vm0 =	veq.s32 v34, v17;
	[tilespmem:v29+s11+$0x0] =	vst.idx.add.s32.msk vm2, v3;
	v29, _, _ =	vpop (xrf0)  }
.Ltmp4:
0x11b: {  	v36 =	vand.u32 $0xFF, v20;
	v40 =	vshrl.u32 v8, $0x10;
	v32 =	vadd.s32 v2, v25;
	(pc) =	sbr.rel @p2 .LBB2_11-.Ltmp4, $4  }
0x11c: {  	v25 =	vmpcnt.ones.xlane vm5;
	v39 =	vand.u32 $0xFF, v40;
	v38 =	vsel vm0, $0x1, v1  }
0x11d: {  	v30 =	vadd.s32 v35, v30;
	v34 =	vshrl.u32 v16, $0x10;
	v31 =	vxor.u32 v7, v39;
	[tilespmem:v24+s11+$0x0] =	vst.idx.add.s32.msk vm4, v3;
	v20, _, _ =	vpop (xrf0)  }
0x11e: {  	v35 =	vadd.s32 v30, v25;
	v31 =	vadd.s32 v2, v31;
	v20 =	vadd.s32 v30, v20;
	v24, _, _ =	vpop (xrf0)  }
0x11f: {  	s20 =	simm.s32 $0x191B1;
	s23 =	sadd.s32 $0x80, s23;
	v33 =	vand.u32 $0xFF, v33;
	v25 =	vadd.s32 v35, v37;
	v30 =	vxor.u32 v7, v36;
	(xrf0) =	vadd.scan.msk.s32 $0xffff, v38  }
0x120: {  	_ = 	snop  }
0x121: {  	v27 =	vadd.s32 v35, v27  }
0x122: {  	vm6 =	vmmov vm6;
	v41 =	vadd.s32 v2, v30  }
0x123: {  	v17 =	vsel vm3, $0x1, v1;
	v34 =	vand.u32 $0xFF, v34;
	v33 =	vxor.u32 v7, v33  }
0x124: {  	v26 =	vadd.s32 v25, v26;
	v34 =	vxor.u32 v7, v34;
	(xrf0) =	vadd.scan.msk.s32 $0xffff, v17;
	v33 =	vadd.s32 v2, v33  }
0x125: {  	[tilespmem:v32+s11+$0x0] =	vst.idx.add.s32.msk vm1, v3;
	v18 =	vand.u32 $0xFF, v18;
	v28 =	vadd.s32 v26, v28;
	v38 =	vadd.s32 v2, v34  }
0x126: {  	v19 =	vadd.s32 v28, v19;
	(xrf0) =	vadd.scan.msk.s32 $0xffff, v23;
	v39 =	vadd.s32 v28, v29;
	[tilespmem:v27+s13+$0x0] =	vst.idx.msk vm2, v12  }
0x127: {  	vm7 =	vmmov vm7;
	v18 =	vxor.u32 v7, v18;
	v22 =	vadd.s32 v19, v22;
	[tilespmem:v41+s11+$0x0] =	vst.idx.add.s32.msk vm3, v3  }
0x128: {  	v18 =	vadd.s32 v2, v18;
	[tilespmem:v31+s11+$0x0] =	vst.idx.add.s32.msk vm6, v3  }
0x129: {  	v43 =	vadd.s32 v25, v24;
	v40, _, _ =	vpop (xrf0);
	[tilespmem:v33+s11+$0x0] =	vst.idx.add.s32.msk vm0, v3  }
0x12a: {  	[tilespmem:v38+s11+$0x0] =	vst.idx.add.s32.msk vm5, v3;
	v42, _, _ =	vpop (xrf0)  }
0x12b: {  	[tilespmem:v39+s13+$0x0] =	vst.idx.msk vm4, v11;
	v11 =	vadd.s32 v19, v21;
	v14 =	vadd.s32 v14, v42  }
0x12c: {  	[tilespmem:v22+s13+$0x0] =	vst.idx.msk vm1, v10;
	v10, _, _ =	vpop (xrf0);
	v12 =	vadd.s32 v11, v40  }
0x12d: {  	[tilespmem:v18+s11+$0x0] =	vst.idx.add.s32.msk vm7, v3;
	v10 =	vadd.s32 v26, v10  }
0x12e: {  	[tilespmem:v43+s13+$0x0] =	vst.idx.msk vm6, v8  }
0x12f: {  	[tilespmem:v20+s13+$0x0] =	vst.idx.msk vm5, v16  }
0x130: {  	[tilespmem:v14+s13+$0x0] =	vst.idx.msk vm3, v13  }
0x131: {  	[tilespmem:v12+s13+$0x0] =	vst.idx.msk vm0, v9  }
0x132: {  	s22 =	simm.s32 $0x18808;
	[tilespmem:v10+s13+$0x0] =	vst.idx.msk vm7, v15  }
0x133: {  	v8 =	vld [tilespmem:s22+$0xFFFFF808]  }
0x134: {  	v9 =	vld [tilespmem:s22+$0xFFFFF909]  }
0x135: {  	v10 =	vld [tilespmem:s22+$0xFFFFFA0A]  }
0x136: {  	v12 =	vld [tilespmem:s22+$0xFFFFFB0B]  }
0x137: {  	v13 =	vld [tilespmem:s22+$0xFFFFFC0C]  }
0x138: {  	v14 =	vld [tilespmem:s22+$0xFFFFFD0D]  }
0x139: {  	[tilespmem:s22+$0xFFFFF808] =	vst v1;
	v15 =	vld [tilespmem:s22+$0xFFFFFE0E]  }
0x13a: {  	[tilespmem:s22+$0xFFFFF909] =	vst v1;
	v16 =	vld [tilespmem:s22+$0xFFFFFF0F]  }
0x13b: {  	[tilespmem:s22+$0xFFFFFA0A] =	vst v1;
	v17 =	vld [tilespmem:s22+$0x10]  }
0x13c: {  	[tilespmem:s22+$0xFFFFFB0B] =	vst v1;
	v18 =	vld [tilespmem:s22+$0x111]  }
0x13d: {  	[tilespmem:s22+$0xFFFFFC0C] =	vst v1;
	v44 =	vld [tilespmem:s22+$0xFFFFF8F9]  }
0x13e: {  	[tilespmem:s22+$0xFFFFFD0D] =	vst v1;
	v20 =	vld [tilespmem:s22+$0x212]  }
0x13f: {  	[tilespmem:s22+$0xFFFFFE0E] =	vst v1;
	v45 =	vld [tilespmem:s22+$0xFFFFF7F8];
	v8 =	vadd.s32 v8, v9  }
0x140: {  	[tilespmem:s22+$0xFFFFFF0F] =	vst v1;
	v46 =	vld [tilespmem:s22+$0x414];
	v8 =	vadd.s32 v10, v8  }
0x141: {  	[tilespmem:s22+$0x10] =	vst v1;
	v47 =	vld [tilespmem:s22+$0xFFFFFAFB];
	v8 =	vadd.s32 v12, v8  }
0x142: {  	[tilespmem:s22+$0x111] =	vst v1;
	v48 =	vld [tilespmem:s22+$0x515];
	v8 =	vadd.s32 v13, v8  }
0x143: {  	[tilespmem:s22+$0xFFFFF8F9] =	vst v1;
	v49 =	vld [tilespmem:s22+$0xFFFFFBFC];
	v8 =	vadd.s32 v14, v8  }
0x144: {  	[tilespmem:s22+$0x212] =	vst v1;
	v9 =	vld [tilespmem:s22+$0x313];
	v8 =	vadd.s32 v15, v8  }
0x145: {  	[tilespmem:s22+$0xFFFFF7F8] =	vst v1;
	v50 =	vld [tilespmem:s22+$0x616];
	v8 =	vadd.s32 v16, v8  }
0x146: {  	[tilespmem:s22+$0x414] =	vst v1;
	v51 =	vld [tilespmem:s22+$0xFFFFFCFD];
	v8 =	vadd.s32 v17, v8  }
0x147: {  	[tilespmem:s22+$0xFFFFFAFB] =	vst v1;
	v10 =	vld [tilespmem:s22+$0xFFFFF9FA];
	v8 =	vadd.s32 v18, v8  }
0x148: {  	[tilespmem:s22+$0xFFFFFBFC] =	vst v1;
	v52 =	vld [tilespmem:s22+$0x717];
	v8 =	vadd.s32 v20, v8  }
0x149: {  	[tilespmem:s22+$0xFFFFFCFD] =	vst v1;
	v53 =	vld [tilespmem:s22+$0xFFFFFDFE];
	v8 =	vadd.s32 v9, v8  }
0x14a: {  	[tilespmem:s22+$0xFFFFFDFE] =	vst v1;
	v54 =	vld [tilespmem:s22+$0x0];
	v8 =	vadd.s32 v46, v8  }
0x14b: {  	[tilespmem:s22+$0x0] =	vst v1;
	v56 =	vld [tilespmem:s22+$0x101];
	v57 =	vadd.s32 v45, v44;
	v8 =	vadd.s32 v48, v8  }
0x14c: {  	[tilespmem:s22+$0x101] =	vst v1;
	v10 =	vadd.s32 v10, v57;
	v9 =	vld [tilespmem:s22+$0xFFFFFEFF];
	v8 =	vadd.s32 v50, v8  }
0x14d: {  	v58 =	vld [tilespmem:s22+$0x202];
	[tilespmem:s22+$0x202] =	vst v1;
	v10 =	vadd.s32 v47, v10;
	v8 =	vadd.s32 v52, v8  }
0x14e: {  	v59 =	vld [tilespmem:s22+$0x303];
	[tilespmem:s22+$0x303] =	vst v1;
	v10 =	vadd.s32 v49, v10;
	v55 =	vperm.xlane v8, v4  }
0x14f: {  	v60 =	vld [tilespmem:s22+$0x404];
	[tilespmem:s22+$0x404] =	vst v1;
	v10 =	vadd.s32 v51, v10  }
0x150: {  	[tilespmem:s22+$0x515] =	vst v1;
	v10 =	vadd.s32 v53, v10;
	(xrf0) =	vadd.scan.msk.s32 $0xffff, v55  }
0x151: {  	[tilespmem:s22+$0x616] =	vst v1;
	v9 =	vadd.s32 v9, v10  }
0x152: {  	v62 =	vld [tilespmem:s22+$0x606];
	[tilespmem:s22+$0x717] =	vst v1;
	v9 =	vadd.s32 v54, v9  }
0x153: {  	[tilespmem:s22+$0x606] =	vst v1;
	v10 =	vld [tilespmem:s22+$0x505];
	v9 =	vadd.s32 v56, v9  }
0x154: {  	[tilespmem:s22+$0x313] =	vst v1;
	v9 =	vadd.s32 v58, v9  }
0x155: {  	[tilespmem:s22+$0xFFFFF9FA] =	vst v1;
	v13 =	vadd.s32 v59, v9;
	v9 =	vld [tilespmem:s22+$0x707]  }
0x156: {  	[tilespmem:s22+$0xFFFFFEFF] =	vst v1;
	v61, _, _ =	vpop (xrf0)  }
0x157: {  	v63 =	vmpcnt.ones.xlane vm0;
	[tilespmem:s20+$0x0] =	vst v8;
	v13 =	vadd.s32 v60, v13;
	v12 =	vperm.xlane v61, v4  }
0x158: {  	[tilespmem:s22+$0x505] =	vst v1;
	v10 =	vadd.s32 v10, v13  }
0x159: {  	s23 =	simm.s32 $0x0;
	s24 =	simm.s32 $0x18828;
	v8 =	vadd.s32 v11, v63;
	v10 =	vadd.s32 v62, v10;
	[tilespmem:s20+$0xFFFFFEE0] =	vst v12  }
.LBB2_13:
0x15a: {  	v11 =	vld [tilespmem:s24+$0xFFFFF808];
	[tilespmem:s24+$0xFFFFF808] =	vst v1;
	v9 =	vadd.s32 v9, v10  }
0x15b: {  	s23 =	sadd.s32 $0x2, s23;
	v10 =	vld [tilespmem:s24+$0xFFFFF909];
	[tilespmem:s24+$0xFFFFF909] =	vst v1;
	v12 =	vperm.xlane v9, v4  }
0x15c: {  	p2 =	slt.u32 s23, $0xE;
	v13 =	vld [tilespmem:s24+$0xFFFFFA0A];
	[tilespmem:s24+$0xFFFFFA0A] =	vst v1  }
0x15d: {  	v14 =	vld [tilespmem:s24+$0xFFFFFB0B];
	[tilespmem:s24+$0xFFFFFB0B] =	vst v1;
	(xrf0) =	vadd.scan.msk.s32 $0xffff, v12  }
0x15e: {  	v12 =	vld [tilespmem:s24+$0xFFFFFC0C];
	[tilespmem:s24+$0xFFFFFC0C] =	vst v1  }
0x15f: {  	v15 =	vld [tilespmem:s24+$0xFFFFFD0D];
	[tilespmem:s24+$0xFFFFFD0D] =	vst v1  }
0x160: {  	v10 =	vadd.s32 v11, v10;
	v11 =	vld [tilespmem:s24+$0xFFFFFE0E];
	[tilespmem:s24+$0xFFFFFE0E] =	vst v1  }
0x161: {  	v10 =	vadd.s32 v13, v10;
	v13 =	vld [tilespmem:s24+$0xFFFFFF0F];
	[tilespmem:s24+$0xFFFFFF0F] =	vst v1  }
0x162: {  	v10 =	vadd.s32 v14, v10;
	v14 =	vld [tilespmem:s24+$0x10];
	[tilespmem:s24+$0x10] =	vst v1  }
0x163: {  	v10 =	vadd.s32 v12, v10;
	v12 =	vld [tilespmem:s24+$0x111];
	[tilespmem:s24+$0x111] =	vst v1;
	v16, _, _ =	vpop (xrf0)  }
0x164: {  	v10 =	vadd.s32 v15, v10;
	v15 =	vld [tilespmem:s24+$0x212];
	[tilespmem:s24+$0x212] =	vst v1;
	v16 =	vperm.xlane v16, v4  }
0x165: {  	v10 =	vadd.s32 v11, v10;
	v11 =	vld [tilespmem:s24+$0x313];
	[tilespmem:s24+$0x313] =	vst v1  }
0x166: {  	v10 =	vadd.s32 v13, v10;
	v13 =	vld [tilespmem:s24+$0x414];
	[tilespmem:s24+$0x414] =	vst v1  }
0x167: {  	v10 =	vadd.s32 v14, v10;
	v14 =	vld [tilespmem:s24+$0x515];
	[tilespmem:s22+$0x707] =	vst v1;
	s22 =	smov.u32 s24  }
0x168: {  	v10 =	vadd.s32 v12, v10;
	v12 =	vld [tilespmem:s24+$0x616];
	[tilespmem:s20+$0xFFFFFECF] =	vst v16  }
0x169: {  	v10 =	vadd.s32 v15, v10;
	v15 =	vld [tilespmem:s24+$0x717];
	[tilespmem:s20+$0xFFFFFFEF] =	vst v9  }
0x16a: {  	v9 =	vld [tilespmem:s24+$0xFFFFF8F9];
	[tilespmem:s24+$0xFFFFF8F9] =	vst v1;
	v10 =	vadd.s32 v11, v10  }
0x16b: {  	v11 =	vld [tilespmem:s24+$0xFFFFF7F8];
	[tilespmem:s24+$0xFFFFF7F8] =	vst v1;
	v10 =	vadd.s32 v13, v10  }
0x16c: {  	v13 =	vld [tilespmem:s24+$0xFFFFF9FA];
	[tilespmem:s24+$0xFFFFF9FA] =	vst v1;
	v10 =	vadd.s32 v14, v10  }
0x16d: {  	v14 =	vld [tilespmem:s24+$0xFFFFFAFB];
	[tilespmem:s24+$0xFFFFFAFB] =	vst v1;
	v10 =	vadd.s32 v12, v10  }
0x16e: {  	v12 =	vld [tilespmem:s24+$0xFFFFFBFC];
	[tilespmem:s24+$0xFFFFFBFC] =	vst v1;
	v10 =	vadd.s32 v15, v10  }
0x16f: {  	v15 =	vld [tilespmem:s24+$0xFFFFFCFD];
	[tilespmem:s24+$0xFFFFFCFD] =	vst v1;
	v16 =	vperm.xlane v10, v4  }
0x170: {  	v9 =	vadd.s32 v11, v9;
	v11 =	vld [tilespmem:s24+$0xFFFFFDFE];
	[tilespmem:s24+$0xFFFFFDFE] =	vst v1  }
0x171: {  	v9 =	vadd.s32 v13, v9;
	v13 =	vld [tilespmem:s24+$0xFFFFFEFF];
	[tilespmem:s24+$0xFFFFFEFF] =	vst v1;
	(xrf0) =	vadd.scan.msk.s32 $0xffff, v16  }
0x172: {  	v9 =	vadd.s32 v14, v9;
	v14 =	vld [tilespmem:s24+$0x0];
	[tilespmem:s24+$0x0] =	vst v1  }
0x173: {  	v9 =	vadd.s32 v12, v9;
	v12 =	vld [tilespmem:s24+$0x101];
	[tilespmem:s24+$0x101] =	vst v1  }
0x174: {  	v9 =	vadd.s32 v15, v9;
	v15 =	vld [tilespmem:s24+$0x202];
	[tilespmem:s24+$0x202] =	vst v1  }
0x175: {  	v9 =	vadd.s32 v11, v9;
	v11 =	vld [tilespmem:s24+$0x303];
	[tilespmem:s24+$0x303] =	vst v1  }
0x176: {  	v9 =	vadd.s32 v13, v9;
	v13 =	vld [tilespmem:s24+$0x404];
	[tilespmem:s24+$0x404] =	vst v1  }
0x177: {  	v9 =	vadd.s32 v14, v9;
	v14 =	vld [tilespmem:s24+$0x505];
	[tilespmem:s24+$0x515] =	vst v1;
	v16, _, _ =	vpop (xrf0)  }
0x178: {  	v9 =	vadd.s32 v12, v9;
	v12 =	vld [tilespmem:s24+$0x606];
	[tilespmem:s24+$0x616] =	vst v1;
	v16 =	vperm.xlane v16, v4  }
.Ltmp5:
0x179: {  	s20 =	sadd.s32 $0x22, s20;
	v15 =	vadd.s32 v15, v9;
	v9 =	vld [tilespmem:s24+$0x707];
	[tilespmem:s24+$0x717] =	vst v1;
	(pc) =	sbr.rel @p2 .LBB2_13-.Ltmp5, $4  }
0x17a: {  	v11 =	vadd.s32 v11, v15;
	[tilespmem:s20+$0xFFFFFEE0] =	vst v16  }
0x17b: {  	v11 =	vadd.s32 v13, v11;
	[tilespmem:s20+$0x0] =	vst v10  }
0x17c: {  	v10 =	vadd.s32 v14, v11;
	[tilespmem:s24+$0x505] =	vst v1  }
0x17d: {  	s24 =	sadd.s32 $0x20, s24;
	v10 =	vadd.s32 v12, v10;
	[tilespmem:s22+$0x606] =	vst v1  }
0x17e: {  	v9 =	vadd.s32 v9, v10  }
0x17f: {  	v10 =	vperm.xlane v9, v4;
	_ =	sdelay $0x1  }
0x180: {  	(xrf0) =	vadd.scan.msk.s32 $0xffff, v10;
	_ =	sdelay $0x5  }
0x181: {  	v10, _, _ =	vpop (xrf0)  }
0x182: {  	[tilespmem:s22+$0x707] =	vst v1;
	v10 =	vperm.xlane v10, v4  }
0x183: {  	[tilespmem:s20+$0xFFFFFFEF] =	vst v9  }
0x184: {  	[tilespmem:s20+$0xFFFFFECF] =	vst v10  }
0x185: {  	v10 =	vld.idx.msk [tilespmem:v5+s12+$0x0], $0xffff;
	_ =	sdelay $0x4  }
0x186: {  	v9 =	vperm.xlane v10, v4  }
0x187: {  	s28 =	simm.s32 $0x0  }
0x188: {  	(xrf0) =	vadd.scan.msk.s32 $0xffff, v9;
	v9 =	vadd.s32 s28, v5  }
0x189: {  	s29 =	simm.s32 $0x120  }
0x18a: {  	v11 =	vadd.s32 s29, v5  }
0x18b: {  	s30 =	simm.s32 $0x1  }
0x18c: {  	v14 =	vadd.s32 s30, v5  }
0x18d: {  	v13 =	vld.idx.msk [tilespmem:v9+s12+$0x0], $0xffff  }
0x18e: {  	s31 =	simm.s32 $0x121;
	v9, _, _ =	vpop (xrf0)  }
0x18f: {  	v16 =	vadd.s32 s31, v5;
	v11 =	vld.idx.msk [tilespmem:v11+s12+$0x0], $0xffff;
	v12 =	vperm.xlane v9, v4;
	_ =	sdelay $0x1  }
0x190: {  	v15 =	vld.idx.msk [tilespmem:v14+s12+$0x0], $0xffff;
	v14 =	vimm.s32 $0x0;
	v9 =	vmov s19;
	v12 =	vsub.s32 v12, v10  }
0x191: {  	s20 =	simm.s32 $0x2;
	v10 =	vimm.s32 $0x0;
	v17 =	vadd.s32 v13, v12;
	v13 =	vimm.s32 $0x0  }
.LBB2_15:
0x192: {  	v18 =	vadd.s32 s20, v5;
	p2 =	sne.s32 s20, $0xF;
	vm0 =	vge.s32 v17, v9;
	s22 =	smov.u32 s20;
	s20 =	sadd.s32 $0x1, s20  }
.Ltmp6:
0x193: {  	v10 =	vadd.s32 v10, v11;
	s22 =	sadd.s32 $0x120, s22;
	v17 =	vmpcnt.ones.xlane vm0;
	v19 =	vnsel vm0, $0x0, v11;
	v11 =	vld.idx.msk [tilespmem:v16+s12+$0x0], $0xffff;
	(pc) =	sbr.rel @p2 .LBB2_15-.Ltmp6, $3  }
0x194: {  	v16 =	vadd.s32 s22, v5;
	v13 =	vadd.s32 v13, v19  }
0x195: {  	v14 =	vadd.s32 v14, v17;
	_ =	sdelay $0x1  }
0x196: {  	v17 =	vadd.s32 v15, v12;
	v15 =	vld.idx.msk [tilespmem:v18+s12+$0x0], $0xffff  }
0x197: {  	_ =	sdelay $0x3  }
0x198: {  	v16 =	vld.idx.msk [tilespmem:v16+s12+$0x0], $0xffff  }
0x199: {  	vm0 =	vge.s32 v17, v9;
	v12 =	vadd.s32 v15, v12  }
0x19a: {  	v61 =	vmpcnt.ones.xlane vm0;
	vm1 =	vge.s32 v12, v9  }
0x19b: {  	v9 =	vmpcnt.ones.xlane vm1  }
0x19c: {  	v10 =	vadd.s32 v10, v11;
	v62 =	vnsel vm0, $0x0, v11;
	v11 =	vadd.s32 v14, v61  }
0x19d: {  	v12 =	vadd.s32 v13, v62;
	v63 =	vnsel vm1, $0x0, v16;
	v9 =	vadd.s32 v11, v9  }
0x19e: {  	v10 =	vadd.s32 v10, v16;
	v11 =	vadd.s32 v12, v63;
	v9 =	vxor.u32 $0x80000000, v9  }
0x19f: {  	(xrf0) =	vmax.scan.msk.u32 $0xffff, v9;
	v9 =	vsub.s32 v10, v11  }
0x1a0: {  	(xrf0) =	vadd.scan.msk.s32 $0xffff, v9;
	v9 =	vadd.s32 $0x80000001, v8  }
0x1a1: {  	(xrf0) =	vmax.scan.msk.u32 $0xffff, v9;
	_ =	sdelay $0x3  }
0x1a2: {  	v9, _, _ =	vpop (xrf0)  }
0x1a3: {  	v10, _, _ =	vpop (xrf0);
	(v2sf) =	vpush v9, $0xF  }
0x1a4: {  	(v2sf) =	vpush v10, $0xF;
	v9, _, _ =	vpop (xrf0)  }
0x1a5: {  	(v2sf) =	vpush v9, $0xF;
	_ =	sdelay $0xc  }
0x1a6: {  	s22 =	spop (v2sf)  }
0x1a7: {  	s26 =	spop (v2sf)  }
0x1a8: {  	s20 =	spop (v2sf)  }
0x1a9: {  	s20 =	sadd.s32 $0x8000000F, s20  }
0x1aa: {  	s20 =	sshra.s32 s20, $0x4  }
0x1ab: {  	s23 =	sshrl.u32 s20, $0x1E  }
0x1ac: {  	s21 =	sshll.u32 s21, $0x8;
	s22 =	sadd.s32 $0x7FFFFFFF, s22;
	s23 =	sadd.s32 s23, s20  }
0x1ad: {  	s22 =	sor.u32 s21, s22;
	s21 =	sand.u32 $0xFFFFFFFC, s23  }
0x1ae: {  	p2 =	slt.s32 s21, $0x1  }
.Ltmp7:
0x1af: {  	_ = 	snop;
	(pc) =	sbr.rel @p2 .LBB2_20-.Ltmp7, $4  }
0x1b0: {  	s24 =	simm.s32 $0xFFFF  }
0x1b1: {  	s24 =	simm.s32 @!p1 $0x8000  }
0x1b2: {  	s31 =	sxor.u32 s24, s22  }
0x1b3: {  	v8 =	vadd.s32 $0x1, v8;
	v9 =	vmov s31  }
0x1b4: {  	s24 =	simm.s32 $0x10020  }
0x1b5: {  	v11 =	vld [tilespmem:s24+$0xFFFFFFE0]  }
0x1b6: {  	v12 =	vld [tilespmem:s24+$0x0]  }
0x1b7: {  	s25 =	simm.s32 $0x10;
	s28 =	simm.s32 $0x20;
	v13 =	vld [tilespmem:s24+$0x10]  }
0x1b8: {  	s23 =	simm.s32 $0x0;
	s31 =	simm.s32 $0x30;
	v14 =	vor.u32 s25, v0;
	v10 =	vor.u32 s28, v0;
	v15 =	vld [tilespmem:s24+$0xFFFFFFF0]  }
0x1b9: {  	v16 =	vor.u32 s31, v0;
	vm0 =	vlt.s32 v14, v8;
	v14 =	vor.u32 s23, v0  }
0x1ba: {  	vm2 =	vlt.s32 v16, v8;
	vm1 =	vlt.s32 v14, v8;
	v14 =	vshrl.u32 v11, $0x10  }
0x1bb: {  	p3 =	sgt.s32 s21, $0x4;
	v11 =	vshrl.u32 v11, $0x8;
	v16 =	vshrl.u32 v12, $0x10;
	v12 =	vshrl.u32 v12, $0x8  }
.Ltmp8:
0x1bc: {  	v17 =	vshrl.u32 v13, $0x10;
	v13 =	vshrl.u32 v13, $0x8;
	vm3 =	veq.s32 v14, v9;
	(pc) =	sbr.rel @!p3 .LBB2_19-.Ltmp8, $4  }
0x1bd: {  	v11 =	vand.u32 $0xFF, v11;
	v14 =	vshrl.u32 v15, $0x10;
	v15 =	vshrl.u32 v15, $0x8  }
0x1be: {  	vm4 =	veq.s32 v17, v9;
	v13 =	vand.u32 $0xFF, v13;
	v12 =	vand.u32 $0xFF, v12  }
0x1bf: {  	v11 =	vxor.u32 v7, v11;
	vm2 =	vmand vm2, vm4;
	v13 =	vxor.u32 v7, v13  }
0x1c0: {  	s24 =	simm.s32 $0x40;
	s25 =	simm.s32 $0x10060;
	s23 =	simm.s32 $0x4;
	vm4 =	veq.s32 v16, v9;
	v11 =	vadd.s32 v2, v11;
	v13 =	vadd.s32 v2, v13  }
.LBB2_18:
0x1c1: {  	v16 =	vld [tilespmem:s25+$0xFFFFFFE0];
	s28 =	sadd.s32 $0x10, s24;
	s29 =	sadd.s32 $0x20, s24;
	s23 =	sadd.s32 $0x4, s23;
	vm3 =	vmand vm1, vm3;
	vm1 =	veq.s32 v14, v9;
	v14 =	vand.u32 $0xFF, v15  }
0x1c2: {  	v15 =	vor.u32 s28, v0;
	v17 =	vld [tilespmem:s25+$0x0];
	v18 =	vor.u32 s29, v0;
	p3 =	slt.s32 s23, s21;
	v14 =	vxor.u32 v7, v14  }
0x1c3: {  	s28 =	sadd.s32 $0x30, s24;
	vm6 =	vmand vm0, vm1;
	v19 =	vld [tilespmem:s25+$0x10];
	vm0 =	vlt.s32 v15, v8;
	v20 =	vadd.s32 v2, v14  }
0x1c4: {  	vm5 =	vlt.s32 v10, v8;
	v14 =	vor.u32 s24, v0;
	v21 =	vor.u32 s28, v0;
	v10 =	vmovc v18;
	v15 =	vld [tilespmem:s25+$0xFFFFFFF0]  }
0x1c5: {  	vm5 =	vmand vm5, vm4;
	vm1 =	vlt.s32 v14, v8;
	vm7 =	vlt.s32 v21, v8;
	[tilespmem:v13+s11+$0x0] =	vst.idx.add.s32.msk vm2, v3  }
0x1c6: {  	v12 =	vxor.u32 v7, v12;
	v13 =	vshrl.u32 v16, $0x10;
	v14 =	vshrl.u32 v16, $0x8  }
0x1c7: {  	v18 =	vadd.s32 v2, v12;
	v16 =	vshrl.u32 v17, $0x10;
	v17 =	vshrl.u32 v17, $0x8;
	[tilespmem:v11+s11+$0x0] =	vst.idx.add.s32.msk vm3, v3  }
.Ltmp9:
0x1c8: {  	vm3 =	veq.s32 v13, v9;
	v11 =	vshrl.u32 v19, $0x10;
	v12 =	vshrl.u32 v19, $0x8;
	(pc) =	sbr.rel @p3 .LBB2_18-.Ltmp9, $4  }
0x1c9: {  	v13 =	vand.u32 $0xFF, v14;
	v14 =	vshrl.u32 v15, $0x10;
	v15 =	vshrl.u32 v15, $0x8;
	[tilespmem:v20+s11+$0x0] =	vst.idx.add.s32.msk vm6, v3  }
0x1ca: {  	v13 =	vxor.u32 v7, v13;
	vm2 =	veq.s32 v11, v9;
	v12 =	vand.u32 $0xFF, v12  }
0x1cb: {  	v11 =	vadd.s32 v2, v13;
	vm2 =	vmand vm7, vm2;
	v13 =	vxor.u32 v7, v12  }
0x1cc: {  	s24 =	sadd.s32 $0x40, s24;
	s25 =	sadd.s32 $0x40, s25;
	vm4 =	veq.s32 v16, v9;
	v12 =	vand.u32 $0xFF, v17;
	v13 =	vadd.s32 v2, v13;
	[tilespmem:v18+s11+$0x0] =	vst.idx.add.s32.msk vm5, v3  }
.LBB2_19:
0x1cd: {  	vm1 =	vmand vm1, vm3;
	vm14 =	veq.s32 v14, v9;
	v63 =	vand.u32 $0xFF, v15  }
0x1ce: {  	vm15 =	vlt.s32 v10, v8;
	v14 =	vxor.u32 v7, v63;
	vm0 =	vmand vm0, vm14  }
0x1cf: {  	v12 =	vxor.u32 v7, v12;
	vm3 =	vmand vm15, vm4;
	v10 =	vadd.s32 v2, v14  }
0x1d0: {  	v12 =	vadd.s32 v2, v12;
	_ =	sdelay $0x1  }
0x1d1: {  	[tilespmem:v13+s11+$0x0] =	vst.idx.add.s32.msk vm2, v3  }
0x1d2: {  	[tilespmem:v11+s11+$0x0] =	vst.idx.add.s32.msk vm1, v3  }
0x1d3: {  	[tilespmem:v10+s11+$0x0] =	vst.idx.add.s32.msk vm0, v3  }
0x1d4: {  	[tilespmem:v12+s11+$0x0] =	vst.idx.add.s32.msk vm3, v3  }
.LBB2_20:
0x1d5: {  	s23 =	ssub.s32 s20, s21  }
0x1d6: {  	p3 =	slt.s32 s23, $0x1  }
.Ltmp10:
0x1d7: {  	_ = 	snop;
	(pc) =	sbr.rel @p3 .LBB2_23-.Ltmp10, $3  }
0x1d8: {  	_ =	sdelay $0x1  }
0x1d9: {  	s24 =	sshll.u32 s20, $0x6;
	s25 =	sshll.u32 s23, $0x6  }
0x1da: {  	s25 =	ssub.s32 s24, s25;
	s24 =	sshll.u32 s20, $0x4  }
0x1db: {  	s28 =	sshra.s32 s25, $0x2;
	s29 =	sshll.u32 s23, $0x4  }
0x1dc: {  	s30 =	smov.u32 s21;
	s28 =	sadd.s32 $0x10000, s28;
	s29 =	ssub.s32 s24, s29  }
.LBB2_22:
0x1dd: {  	v10 =	vld [tilespmem:s28+$0x0];
	_ =	sdelay $0x4  }
0x1de: {  	v11 =	vor.u32 s29, v0;
	v12 =	vshrl.u32 v10, $0x10;
	v10 =	vshrl.u32 v10, $0x8  }
0x1df: {  	vm0 =	vlt.s32 v11, v8;
	vm1 =	veq.s32 v12, v9;
	v10 =	vand.u32 $0xFF, v10  }
0x1e0: {  	s30 =	sadd.s32 $0x1, s30;
	vm0 =	vmand vm0, vm1;
	v10 =	vxor.u32 v7, v10  }
0x1e1: {  	p4 =	slt.s32 s30, s20;
	v10 =	vadd.s32 v2, v10  }
.Ltmp11:
0x1e2: {  	_ = 	snop;
	(pc) =	sbr.rel @p4 .LBB2_22-.Ltmp11, $2  }
0x1e3: {  	_ =	sdelay $0x2  }
0x1e4: {  	s28 =	sadd.s32 $0x10, s28;
	s29 =	sadd.s32 $0x10, s29;
	[tilespmem:v10+s11+$0x0] =	vst.idx.add.s32.msk vm0, v3  }
.LBB2_23:
0x1e5: {  	s28 =	simm.s32 $0x18808  }
0x1e6: {  	v9 =	vld [tilespmem:s28+$0xFFFFF808]  }
0x1e7: {  	v10 =	vld [tilespmem:s28+$0xFFFFF909]  }
0x1e8: {  	v11 =	vld [tilespmem:s28+$0xFFFFFA0A]  }
0x1e9: {  	v12 =	vld [tilespmem:s28+$0xFFFFFB0B]  }
0x1ea: {  	v13 =	vld [tilespmem:s28+$0xFFFFFC0C]  }
0x1eb: {  	v14 =	vld [tilespmem:s28+$0xFFFFFD0D]  }
0x1ec: {  	[tilespmem:s28+$0xFFFFF808] =	vst v1;
	v15 =	vld [tilespmem:s28+$0xFFFFFE0E]  }
0x1ed: {  	[tilespmem:s28+$0xFFFFF909] =	vst v1;
	v16 =	vld [tilespmem:s28+$0xFFFFFF0F]  }
0x1ee: {  	[tilespmem:s28+$0xFFFFFA0A] =	vst v1;
	v17 =	vld [tilespmem:s28+$0x10]  }
0x1ef: {  	[tilespmem:s28+$0xFFFFFB0B] =	vst v1;
	v18 =	vld [tilespmem:s28+$0x111]  }
0x1f0: {  	[tilespmem:s28+$0xFFFFFC0C] =	vst v1;
	v19 =	vld [tilespmem:s28+$0xFFFFF8F9]  }
0x1f1: {  	[tilespmem:s28+$0xFFFFFD0D] =	vst v1;
	v20 =	vld [tilespmem:s28+$0x212];
	v9 =	vadd.s32 v9, v10  }
0x1f2: {  	[tilespmem:s28+$0xFFFFFE0E] =	vst v1;
	v21 =	vld [tilespmem:s28+$0xFFFFF7F8];
	v9 =	vadd.s32 v11, v9  }
0x1f3: {  	[tilespmem:s28+$0xFFFFFF0F] =	vst v1;
	v48 =	vld [tilespmem:s28+$0x414];
	v9 =	vadd.s32 v12, v9  }
0x1f4: {  	[tilespmem:s28+$0x10] =	vst v1;
	v49 =	vld [tilespmem:s28+$0xFFFFFAFB];
	v9 =	vadd.s32 v13, v9  }
0x1f5: {  	[tilespmem:s28+$0x111] =	vst v1;
	v50 =	vld [tilespmem:s28+$0x515];
	v9 =	vadd.s32 v14, v9  }
0x1f6: {  	[tilespmem:s28+$0xFFFFF8F9] =	vst v1;
	v10 =	vld [tilespmem:s28+$0x313];
	v9 =	vadd.s32 v15, v9  }
0x1f7: {  	[tilespmem:s28+$0x212] =	vst v1;
	v51 =	vld [tilespmem:s28+$0xFFFFFBFC];
	v9 =	vadd.s32 v16, v9  }
0x1f8: {  	[tilespmem:s28+$0xFFFFF7F8] =	vst v1;
	v52 =	vld [tilespmem:s28+$0x616];
	v9 =	vadd.s32 v17, v9  }
0x1f9: {  	[tilespmem:s28+$0x414] =	vst v1;
	v54 =	vld [tilespmem:s28+$0x717];
	v9 =	vadd.s32 v18, v9  }
0x1fa: {  	[tilespmem:s28+$0xFFFFFAFB] =	vst v1;
	v11 =	vld [tilespmem:s28+$0xFFFFF9FA];
	v9 =	vadd.s32 v20, v9  }
0x1fb: {  	[tilespmem:s28+$0xFFFFFBFC] =	vst v1;
	v53 =	vld [tilespmem:s28+$0xFFFFFCFD];
	v9 =	vadd.s32 v10, v9  }
0x1fc: {  	[tilespmem:s28+$0xFFFFFCFD] =	vst v1;
	v55 =	vld [tilespmem:s28+$0xFFFFFDFE];
	v9 =	vadd.s32 v48, v9  }
0x1fd: {  	[tilespmem:s28+$0xFFFFFDFE] =	vst v1;
	v56 =	vld [tilespmem:s28+$0x0];
	v9 =	vadd.s32 v50, v9  }
0x1fe: {  	[tilespmem:s28+$0x0] =	vst v1;
	v58 =	vld [tilespmem:s28+$0x101];
	v59 =	vadd.s32 v21, v19;
	v9 =	vadd.s32 v52, v9  }
0x1ff: {  	[tilespmem:s28+$0x101] =	vst v1;
	v11 =	vadd.s32 v11, v59;
	v10 =	vld [tilespmem:s28+$0xFFFFFEFF];
	v57 =	vadd.s32 v54, v9  }
0x200: {  	v60 =	vld [tilespmem:s28+$0x303];
	[tilespmem:s28+$0x303] =	vst v1;
	v11 =	vadd.s32 v49, v11;
	v9 =	vperm.xlane v57, v4  }
0x201: {  	v61 =	vld [tilespmem:s28+$0x404];
	[tilespmem:s28+$0x404] =	vst v1;
	v11 =	vadd.s32 v51, v11  }
0x202: {  	[tilespmem:s28+$0x515] =	vst v1;
	v11 =	vadd.s32 v53, v11;
	(xrf0) =	vadd.scan.msk.s32 $0xffff, v9;
	v9 =	vld [tilespmem:s28+$0x202]  }
0x203: {  	[tilespmem:s28+$0x616] =	vst v1;
	v11 =	vadd.s32 v55, v11  }
0x204: {  	[tilespmem:s28+$0x717] =	vst v1;
	v10 =	vadd.s32 v10, v11  }
0x205: {  	v63 =	vld [tilespmem:s28+$0x606];
	[tilespmem:s28+$0x606] =	vst v1;
	v10 =	vadd.s32 v56, v10  }
0x206: {  	[tilespmem:s28+$0x313] =	vst v1;
	v11 =	vld [tilespmem:s28+$0x505];
	v10 =	vadd.s32 v58, v10  }
0x207: {  	[tilespmem:s28+$0xFFFFF9FA] =	vst v1;
	v9 =	vadd.s32 v9, v10  }
0x208: {  	s29 =	simm.s32 $0x191B1;
	[tilespmem:s28+$0xFFFFFEFF] =	vst v1;
	v10 =	vadd.s32 v60, v9;
	v9 =	vld [tilespmem:s28+$0x707]  }
0x209: {  	[tilespmem:s29+$0x0] =	vst v57;
	v62, _, _ =	vpop (xrf0)  }
0x20a: {  	[tilespmem:s28+$0x505] =	vst v1;
	v12 =	vperm.xlane v62, v4;
	v10 =	vadd.s32 v61, v10  }
0x20b: {  	[tilespmem:s28+$0x202] =	vst v1;
	v10 =	vadd.s32 v11, v10  }
0x20c: {  	s19 =	ssub.s32 s19, s26;
	s26 =	simm.s32 $0x0;
	s30 =	simm.s32 $0x18828;
	[tilespmem:s29+$0xFFFFFEE0] =	vst v12;
	v10 =	vadd.s32 v63, v10  }
.LBB2_24:
0x20d: {  	v11 =	vld [tilespmem:s30+$0xFFFFF808];
	[tilespmem:s30+$0xFFFFF808] =	vst v1;
	v9 =	vadd.s32 v9, v10  }
0x20e: {  	s26 =	sadd.s32 $0x2, s26;
	v10 =	vld [tilespmem:s30+$0xFFFFF909];
	[tilespmem:s30+$0xFFFFF909] =	vst v1;
	v12 =	vperm.xlane v9, v4  }
0x20f: {  	p4 =	slt.u32 s26, $0xE;
	v13 =	vld [tilespmem:s30+$0xFFFFFA0A];
	[tilespmem:s30+$0xFFFFFA0A] =	vst v1  }
0x210: {  	v14 =	vld [tilespmem:s30+$0xFFFFFB0B];
	[tilespmem:s30+$0xFFFFFB0B] =	vst v1;
	(xrf0) =	vadd.scan.msk.s32 $0xffff, v12  }
0x211: {  	v12 =	vld [tilespmem:s30+$0xFFFFFC0C];
	[tilespmem:s30+$0xFFFFFC0C] =	vst v1  }
0x212: {  	v15 =	vld [tilespmem:s30+$0xFFFFFD0D];
	[tilespmem:s30+$0xFFFFFD0D] =	vst v1  }
0x213: {  	v10 =	vadd.s32 v11, v10;
	v11 =	vld [tilespmem:s30+$0xFFFFFE0E];
	[tilespmem:s30+$0xFFFFFE0E] =	vst v1  }
0x214: {  	v10 =	vadd.s32 v13, v10;
	v13 =	vld [tilespmem:s30+$0xFFFFFF0F];
	[tilespmem:s30+$0xFFFFFF0F] =	vst v1  }
0x215: {  	v10 =	vadd.s32 v14, v10;
	v14 =	vld [tilespmem:s30+$0x10];
	[tilespmem:s30+$0x10] =	vst v1  }
0x216: {  	v10 =	vadd.s32 v12, v10;
	v12 =	vld [tilespmem:s30+$0x111];
	[tilespmem:s30+$0x111] =	vst v1;
	v16, _, _ =	vpop (xrf0)  }
0x217: {  	v10 =	vadd.s32 v15, v10;
	v15 =	vld [tilespmem:s30+$0x212];
	[tilespmem:s30+$0x212] =	vst v1;
	v16 =	vperm.xlane v16, v4  }
0x218: {  	v10 =	vadd.s32 v11, v10;
	v11 =	vld [tilespmem:s30+$0x313];
	[tilespmem:s30+$0x313] =	vst v1  }
0x219: {  	v10 =	vadd.s32 v13, v10;
	v13 =	vld [tilespmem:s30+$0x414];
	[tilespmem:s30+$0x414] =	vst v1  }
0x21a: {  	v10 =	vadd.s32 v14, v10;
	v14 =	vld [tilespmem:s30+$0x515];
	[tilespmem:s28+$0x707] =	vst v1;
	s28 =	smov.u32 s30  }
0x21b: {  	v10 =	vadd.s32 v12, v10;
	v12 =	vld [tilespmem:s30+$0x616];
	[tilespmem:s29+$0xFFFFFECF] =	vst v16  }
0x21c: {  	v10 =	vadd.s32 v15, v10;
	v15 =	vld [tilespmem:s30+$0x717];
	[tilespmem:s29+$0xFFFFFFEF] =	vst v9  }
0x21d: {  	v9 =	vld [tilespmem:s30+$0xFFFFF8F9];
	[tilespmem:s30+$0xFFFFF8F9] =	vst v1;
	v10 =	vadd.s32 v11, v10  }
0x21e: {  	v11 =	vld [tilespmem:s30+$0xFFFFF7F8];
	[tilespmem:s30+$0xFFFFF7F8] =	vst v1;
	v10 =	vadd.s32 v13, v10  }
0x21f: {  	v13 =	vld [tilespmem:s30+$0xFFFFF9FA];
	[tilespmem:s30+$0xFFFFF9FA] =	vst v1;
	v10 =	vadd.s32 v14, v10  }
0x220: {  	v14 =	vld [tilespmem:s30+$0xFFFFFAFB];
	[tilespmem:s30+$0xFFFFFAFB] =	vst v1;
	v10 =	vadd.s32 v12, v10  }
0x221: {  	v12 =	vld [tilespmem:s30+$0xFFFFFBFC];
	[tilespmem:s30+$0xFFFFFBFC] =	vst v1;
	v10 =	vadd.s32 v15, v10  }
0x222: {  	v15 =	vld [tilespmem:s30+$0xFFFFFCFD];
	[tilespmem:s30+$0xFFFFFCFD] =	vst v1;
	v16 =	vperm.xlane v10, v4  }
0x223: {  	v9 =	vadd.s32 v11, v9;
	v11 =	vld [tilespmem:s30+$0xFFFFFDFE];
	[tilespmem:s30+$0xFFFFFDFE] =	vst v1  }
0x224: {  	v9 =	vadd.s32 v13, v9;
	v13 =	vld [tilespmem:s30+$0xFFFFFEFF];
	[tilespmem:s30+$0xFFFFFEFF] =	vst v1;
	(xrf0) =	vadd.scan.msk.s32 $0xffff, v16  }
0x225: {  	v9 =	vadd.s32 v14, v9;
	v14 =	vld [tilespmem:s30+$0x0];
	[tilespmem:s30+$0x0] =	vst v1  }
0x226: {  	v9 =	vadd.s32 v12, v9;
	v12 =	vld [tilespmem:s30+$0x101];
	[tilespmem:s30+$0x101] =	vst v1  }
0x227: {  	v9 =	vadd.s32 v15, v9;
	v15 =	vld [tilespmem:s30+$0x202];
	[tilespmem:s30+$0x202] =	vst v1  }
0x228: {  	v9 =	vadd.s32 v11, v9;
	v11 =	vld [tilespmem:s30+$0x303];
	[tilespmem:s30+$0x303] =	vst v1  }
0x229: {  	v9 =	vadd.s32 v13, v9;
	v13 =	vld [tilespmem:s30+$0x404];
	[tilespmem:s30+$0x404] =	vst v1  }
0x22a: {  	v9 =	vadd.s32 v14, v9;
	v14 =	vld [tilespmem:s30+$0x505];
	[tilespmem:s30+$0x515] =	vst v1;
	v16, _, _ =	vpop (xrf0)  }
0x22b: {  	v9 =	vadd.s32 v12, v9;
	v12 =	vld [tilespmem:s30+$0x606];
	[tilespmem:s30+$0x616] =	vst v1;
	v16 =	vperm.xlane v16, v4  }
.Ltmp12:
0x22c: {  	s29 =	sadd.s32 $0x22, s29;
	v15 =	vadd.s32 v15, v9;
	v9 =	vld [tilespmem:s30+$0x707];
	[tilespmem:s30+$0x717] =	vst v1;
	(pc) =	sbr.rel @p4 .LBB2_24-.Ltmp12, $4  }
0x22d: {  	v11 =	vadd.s32 v11, v15;
	[tilespmem:s29+$0xFFFFFEE0] =	vst v16  }
0x22e: {  	v11 =	vadd.s32 v13, v11;
	[tilespmem:s29+$0x0] =	vst v10  }
0x22f: {  	v10 =	vadd.s32 v14, v11;
	[tilespmem:s30+$0x505] =	vst v1  }
0x230: {  	s30 =	sadd.s32 $0x20, s30;
	v10 =	vadd.s32 v12, v10;
	[tilespmem:s28+$0x606] =	vst v1  }
0x231: {  	v9 =	vadd.s32 v9, v10  }
0x232: {  	v10 =	vperm.xlane v9, v4;
	_ =	sdelay $0x1  }
0x233: {  	(xrf0) =	vadd.scan.msk.s32 $0xffff, v10;
	_ =	sdelay $0x5  }
0x234: {  	v10, _, _ =	vpop (xrf0)  }
0x235: {  	[tilespmem:s28+$0x707] =	vst v1;
	v10 =	vperm.xlane v10, v4  }
0x236: {  	[tilespmem:s29+$0xFFFFFFEF] =	vst v9  }
0x237: {  	[tilespmem:s29+$0xFFFFFECF] =	vst v10  }
0x238: {  	v9 =	vld.idx.msk [tilespmem:v5+s12+$0x0], $0xffff;
	_ =	sdelay $0x4  }
0x239: {  	v10 =	vperm.xlane v9, v4;
	_ =	sdelay $0x1  }
0x23a: {  	s26 =	simm.s32 $0x0;
	(xrf0) =	vadd.scan.msk.s32 $0xffff, v10  }
0x23b: {  	v10 =	vadd.s32 s26, v5;
	_ =	sdelay $0x1  }
0x23c: {  	s29 =	simm.s32 $0x120  }
0x23d: {  	v12 =	vadd.s32 s29, v5;
	_ =	sdelay $0x1  }
0x23e: {  	s30 =	simm.s32 $0x1;
	v15 =	vld.idx.msk [tilespmem:v10+s12+$0x0], $0xffff;
	v10, _, _ =	vpop (xrf0)  }
0x23f: {  	v16 =	vadd.s32 s30, v5;
	v10 =	vperm.xlane v10, v4  }
0x240: {  	s31 =	simm.s32 $0x121  }
0x241: {  	v14 =	vadd.s32 s31, v5;
	v13 =	vsub.s32 v10, v9;
	v10 =	vld.idx.msk [tilespmem:v12+s12+$0x0], $0xffff;
	_ =	sdelay $0x1  }
0x242: {  	v11 =	vmov s19;
	v9 =	vimm.s32 $0x0  }
0x243: {  	v16 =	vld.idx.msk [tilespmem:v16+s12+$0x0], $0xffff;
	s26 =	simm.s32 $0x2;
	v12 =	vimm.s32 $0x0;
	v17 =	vadd.s32 v15, v13;
	v15 =	vimm.s32 $0x0  }
.LBB2_26:
0x244: {  	v18 =	vadd.s32 s26, v5;
	p4 =	sne.s32 s26, $0xF;
	vm0 =	vge.s32 v17, v11;
	s28 =	smov.u32 s26;
	s26 =	sadd.s32 $0x1, s26  }
.Ltmp13:
0x245: {  	v9 =	vadd.s32 v9, v10;
	s28 =	sadd.s32 $0x120, s28;
	v17 =	vmpcnt.ones.xlane vm0;
	v19 =	vnsel vm0, $0x0, v10;
	v10 =	vld.idx.msk [tilespmem:v14+s12+$0x0], $0xffff;
	(pc) =	sbr.rel @p4 .LBB2_26-.Ltmp13, $3  }
0x246: {  	v14 =	vadd.s32 s28, v5;
	v12 =	vadd.s32 v12, v19  }
0x247: {  	v15 =	vadd.s32 v15, v17;
	_ =	sdelay $0x1  }
0x248: {  	v17 =	vadd.s32 v16, v13;
	v16 =	vld.idx.msk [tilespmem:v18+s12+$0x0], $0xffff  }
0x249: {  	_ =	sdelay $0x3  }
0x24a: {  	vm0 =	vge.s32 v17, v11;
	v13 =	vadd.s32 v16, v13  }
0x24b: {  	v60 =	vmpcnt.ones.xlane vm0;
	vm1 =	vge.s32 v13, v11  }
0x24c: {  	v11 =	vld.idx.msk [tilespmem:v14+s12+$0x0], $0xffff;
	v13 =	vmpcnt.ones.xlane vm1  }
0x24d: {  	v61 =	vadd.s32 v15, v60  }
0x24e: {  	v13 =	vadd.s32 v61, v13  }
0x24f: {  	v13 =	vxor.u32 $0x80000000, v13  }
0x250: {  	v62 =	vnsel vm0, $0x0, v10;
	(xrf0) =	vmax.scan.msk.u32 $0xffff, v13  }
0x251: {  	v9 =	vadd.s32 v9, v10;
	v10 =	vadd.s32 v12, v62;
	v63 =	vnsel vm1, $0x0, v11  }
0x252: {  	v9 =	vadd.s32 v9, v11;
	v10 =	vadd.s32 v10, v63  }
0x253: {  	v9 =	vsub.s32 v9, v10  }
0x254: {  	(xrf0) =	vadd.scan.msk.s32 $0xffff, v9;
	_ =	sdelay $0x1  }
0x255: {  	v9, _, _ =	vpop (xrf0)  }
0x256: {  	(v2sf) =	vpush v9, $0xF;
	_ =	sdelay $0x2  }
0x257: {  	v9, _, _ =	vpop (xrf0)  }
0x258: {  	(v2sf) =	vpush v9, $0xF;
	_ =	sdelay $0xa  }
.Ltmp14:
0x259: {  	s26 =	spop (v2sf);
	(pc) =	sbr.rel @p2 .LBB2_31-.Ltmp14, $4  }
0x25a: {  	s22 =	sshll.u32 s22, $0x8;
	s28 =	simm.s32 $0xFFFFFF;
	s26 =	sadd.s32 $0x7FFFFFFF, s26  }
0x25b: {  	s28 =	simm.s32 @!p1 $0x800000;
	s22 =	sor.u32 s22, s26  }
0x25c: {  	s28 =	sxor.u32 s28, s22  }
0x25d: {  	s26 =	spop (v2sf);
	v9 =	vmov s28  }
0x25e: {  	s29 =	simm.s32 $0x10020  }
0x25f: {  	v12 =	vld [tilespmem:s29+$0x10];
	_ =	sdelay $0x1  }
0x260: {  	v13 =	vld [tilespmem:s29+$0xFFFFFFF0]  }
0x261: {  	s28 =	simm.s32 $0x0;
	v14 =	vld [tilespmem:s29+$0x0]  }
0x262: {  	s30 =	simm.s32 $0x30;
	v16 =	vld [tilespmem:s29+$0xFFFFFFE0];
	v10 =	vor.u32 s28, v0;
	s29 =	simm.s32 $0x10  }
0x263: {  	p1 =	sgt.s32 s21, $0x4;
	v15 =	vor.u32 s30, v0;
	v11 =	vor.u32 s29, v0;
	v17 =	vshrl.u32 v12, $0x8  }
.Ltmp15:
0x264: {  	vm0 =	vlt.s32 v15, v8;
	v12 =	vand.u32 $0xFF, v12;
	vm1 =	veq.s32 v17, v9;
	(pc) =	sbr.rel @!p1 .LBB2_30-.Ltmp15, $4  }
0x265: {  	v18 =	vshrl.u32 v13, $0x8;
	v12 =	vxor.u32 v7, v12;
	vm0 =	vmand vm0, vm1  }
0x266: {  	v15 =	vand.u32 $0xFF, v13;
	v13 =	vshrl.u32 v14, $0x8;
	v12 =	vadd.s32 v2, v12  }
0x267: {  	s30 =	simm.s32 $0x20;
	v19 =	vshrl.u32 v16, $0x8;
	v14 =	vand.u32 $0xFF, v14;
	v17 =	vand.u32 $0xFF, v16  }
0x268: {  	s29 =	simm.s32 $0x4;
	vm2 =	veq.s32 v19, v9;
	vm3 =	veq.s32 v18, v9;
	v16 =	vor.u32 s30, v0;
	s30 =	simm.s32 $0x10060  }
.LBB2_29:
0x269: {  	v18 =	vld [tilespmem:s30+$0x10];
	s29 =	sadd.s32 $0x4, s29;
	v17 =	vxor.u32 v7, v17;
	v15 =	vxor.u32 v7, v15;
	vm1 =	veq.s32 v13, v9  }
0x26a: {  	vm4 =	vlt.s32 v11, v8;
	vm5 =	vlt.s32 v16, v8;
	v11 =	vxor.u32 v7, v14;
	v13 =	vld [tilespmem:s30+$0xFFFFFFF0];
	p1 =	slt.s32 s29, s21  }
0x26b: {  	vm6 =	vlt.s32 v10, v8;
	vm3 =	vmand vm4, vm3;
	vm1 =	vmand vm5, vm1;
	[tilespmem:v12+s11+$0x0] =	vst.idx.add.s32.msk vm0, v3  }
0x26c: {  	s28 =	sadd.s32 $0x40, s28;
	vm2 =	vmand vm6, vm2;
	v16 =	vadd.s32 v2, v17;
	v17 =	vadd.s32 v2, v15;
	v14 =	vld [tilespmem:s30+$0x0]  }
0x26d: {  	v10 =	vor.u32 s28, v0;
	s31 =	sadd.s32 $0x10, s28;
	s0 =	sadd.s32 $0x20, s28;
	s3 =	sadd.s32 $0x30, s28;
	v20 =	vadd.s32 v2, v11;
	v19 =	vld [tilespmem:s30+$0xFFFFFFE0]  }
0x26e: {  	v11 =	vor.u32 s31, v0;
	v12 =	vor.u32 s3, v0;
	v15 =	vshrl.u32 v18, $0x8  }
.Ltmp16:
0x26f: {  	vm0 =	vlt.s32 v12, v8;
	v12 =	vand.u32 $0xFF, v18;
	vm4 =	veq.s32 v15, v9;
	(pc) =	sbr.rel @p1 .LBB2_29-.Ltmp16, $4  }
0x270: {  	v18 =	vshrl.u32 v13, $0x8;
	v12 =	vxor.u32 v7, v12;
	vm0 =	vmand vm0, vm4  }
0x271: {  	v15 =	vand.u32 $0xFF, v13;
	v12 =	vadd.s32 v2, v12;
	v13 =	vshrl.u32 v14, $0x8;
	[tilespmem:v17+s11+$0x0] =	vst.idx.add.s32.msk vm3, v3  }
0x272: {  	v14 =	vand.u32 $0xFF, v14;
	v21 =	vshrl.u32 v19, $0x8;
	v17 =	vand.u32 $0xFF, v19;
	[tilespmem:v16+s11+$0x0] =	vst.idx.add.s32.msk vm2, v3  }
0x273: {  	s30 =	sadd.s32 $0x40, s30;
	vm3 =	veq.s32 v18, v9;
	v16 =	vor.u32 s0, v0;
	vm2 =	veq.s32 v21, v9;
	[tilespmem:v20+s11+$0x0] =	vst.idx.add.s32.msk vm1, v3  }
.LBB2_30:
0x274: {  	v17 =	vxor.u32 v7, v17;
	v15 =	vxor.u32 v7, v15;
	vm1 =	vlt.s32 v11, v8  }
0x275: {  	vm4 =	veq.s32 v13, v9;
	vm5 =	vlt.s32 v10, v8;
	vm1 =	vmand vm1, vm3  }
0x276: {  	vm15 =	vlt.s32 v16, v8;
	vm2 =	vmand vm5, vm2;
	v10 =	vadd.s32 v2, v15  }
0x277: {  	v11 =	vxor.u32 v7, v14;
	vm3 =	vmand vm15, vm4;
	v63 =	vadd.s32 v2, v17  }
0x278: {  	v11 =	vadd.s32 v2, v11;
	_ =	sdelay $0x1  }
0x279: {  	[tilespmem:v12+s11+$0x0] =	vst.idx.add.s32.msk vm0, v3  }
0x27a: {  	[tilespmem:v10+s11+$0x0] =	vst.idx.add.s32.msk vm1, v3  }
0x27b: {  	[tilespmem:v63+s11+$0x0] =	vst.idx.add.s32.msk vm2, v3  }
0x27c: {  	[tilespmem:v11+s11+$0x0] =	vst.idx.add.s32.msk vm3, v3  }
.LBB2_31:
.Ltmp17:
0x27d: {  	(pc) =	sbr.rel @p3 .LBB2_34-.Ltmp17, $1  }
0x27e: {  	_ =	sdelay $0x3  }
0x27f: {  	s25 =	sshra.s32 s25, $0x2;
	s28 =	sshll.u32 s23, $0x4  }
0x280: {  	s23 =	sadd.s32 $0x10000, s25;
	s24 =	ssub.s32 s24, s28  }
.LBB2_33:
0x281: {  	v10 =	vld [tilespmem:s23+$0x0];
	_ =	sdelay $0x4  }
0x282: {  	v11 =	vor.u32 s24, v0;
	v12 =	vshrl.u32 v10, $0x8  }
0x283: {  	vm0 =	vlt.s32 v11, v8;
	v10 =	vand.u32 $0xFF, v10;
	vm1 =	veq.s32 v12, v9  }
0x284: {  	s21 =	sadd.s32 $0x1, s21;
	v10 =	vxor.u32 v7, v10;
	vm0 =	vmand vm0, vm1  }
0x285: {  	p1 =	slt.s32 s21, s20;
	v10 =	vadd.s32 v2, v10  }
.Ltmp18:
0x286: {  	_ = 	snop;
	(pc) =	sbr.rel @p1 .LBB2_33-.Ltmp18, $2  }
0x287: {  	_ =	sdelay $0x2  }
0x288: {  	s23 =	sadd.s32 $0x10, s23;
	s24 =	sadd.s32 $0x10, s24;
	[tilespmem:v10+s11+$0x0] =	vst.idx.add.s32.msk vm0, v3  }
.LBB2_34:
0x289: {  	s20 =	simm.s32 $0x18808  }
0x28a: {  	v7 =	vld [tilespmem:s20+$0xFFFFF808]  }
0x28b: {  	v8 =	vld [tilespmem:s20+$0xFFFFF909]  }
0x28c: {  	v9 =	vld [tilespmem:s20+$0xFFFFFA0A]  }
0x28d: {  	v10 =	vld [tilespmem:s20+$0xFFFFFB0B]  }
0x28e: {  	v11 =	vld [tilespmem:s20+$0xFFFFFC0C]  }
0x28f: {  	v12 =	vld [tilespmem:s20+$0xFFFFFD0D]  }
0x290: {  	v13 =	vld [tilespmem:s20+$0xFFFFFE0E]  }
0x291: {  	[tilespmem:s20+$0xFFFFF808] =	vst v1;
	v14 =	vld [tilespmem:s20+$0xFFFFFF0F]  }
0x292: {  	[tilespmem:s20+$0xFFFFF909] =	vst v1;
	v15 =	vld [tilespmem:s20+$0x10]  }
0x293: {  	[tilespmem:s20+$0xFFFFFA0A] =	vst v1;
	v16 =	vld [tilespmem:s20+$0x111]  }
0x294: {  	[tilespmem:s20+$0xFFFFFB0B] =	vst v1;
	v17 =	vld [tilespmem:s20+$0xFFFFF8F9]  }
0x295: {  	[tilespmem:s20+$0xFFFFFC0C] =	vst v1;
	v18 =	vld [tilespmem:s20+$0x212]  }
0x296: {  	[tilespmem:s20+$0xFFFFFD0D] =	vst v1;
	v19 =	vld [tilespmem:s20+$0xFFFFF7F8];
	v7 =	vadd.s32 v7, v8  }
0x297: {  	[tilespmem:s20+$0xFFFFFE0E] =	vst v1;
	v53 =	vld [tilespmem:s20+$0x515];
	v7 =	vadd.s32 v9, v7  }
0x298: {  	[tilespmem:s20+$0xFFFFFF0F] =	vst v1;
	v54 =	vld [tilespmem:s20+$0xFFFFFBFC];
	v7 =	vadd.s32 v10, v7  }
0x299: {  	[tilespmem:s20+$0x10] =	vst v1;
	v55 =	vld [tilespmem:s20+$0x616];
	v7 =	vadd.s32 v11, v7  }
0x29a: {  	[tilespmem:s20+$0x111] =	vst v1;
	v56 =	vld [tilespmem:s20+$0xFFFFFCFD];
	v7 =	vadd.s32 v12, v7  }
0x29b: {  	[tilespmem:s20+$0xFFFFF8F9] =	vst v1;
	v8 =	vld [tilespmem:s20+$0x313];
	v7 =	vadd.s32 v13, v7  }
0x29c: {  	[tilespmem:s20+$0x212] =	vst v1;
	v10 =	vld [tilespmem:s20+$0x414];
	v7 =	vadd.s32 v14, v7  }
0x29d: {  	[tilespmem:s20+$0xFFFFF7F8] =	vst v1;
	v57 =	vld [tilespmem:s20+$0x717];
	v7 =	vadd.s32 v15, v7  }
0x29e: {  	[tilespmem:s20+$0xFFFFFBFC] =	vst v1;
	v58 =	vld [tilespmem:s20+$0xFFFFFDFE];
	v7 =	vadd.s32 v16, v7  }
0x29f: {  	[tilespmem:s20+$0xFFFFFCFD] =	vst v1;
	v9 =	vld [tilespmem:s20+$0xFFFFF9FA];
	v7 =	vadd.s32 v18, v7  }
0x2a0: {  	[tilespmem:s20+$0xFFFFFDFE] =	vst v1;
	v11 =	vld [tilespmem:s20+$0xFFFFFAFB];
	v7 =	vadd.s32 v8, v7  }
0x2a1: {  	v60 =	vld [tilespmem:s20+$0x101];
	[tilespmem:s20+$0x101] =	vst v1;
	v7 =	vadd.s32 v10, v7  }
0x2a2: {  	v62 =	vld [tilespmem:s20+$0x404];
	[tilespmem:s20+$0x404] =	vst v1;
	v7 =	vadd.s32 v53, v7  }
0x2a3: {  	[tilespmem:s20+$0x515] =	vst v1;
	v61 =	vadd.s32 v19, v17;
	v7 =	vadd.s32 v55, v7  }
0x2a4: {  	[tilespmem:s20+$0x616] =	vst v1;
	v9 =	vadd.s32 v9, v61;
	v8 =	vld [tilespmem:s20+$0xFFFFFEFF];
	v59 =	vadd.s32 v57, v7  }
0x2a5: {  	[tilespmem:s20+$0x717] =	vst v1;
	v9 =	vadd.s32 v11, v9;
	v10 =	vld [tilespmem:s20+$0x0];
	v7 =	vperm.xlane v59, v4  }
0x2a6: {  	v63 =	vld [tilespmem:s20+$0x606];
	[tilespmem:s20+$0x606] =	vst v1;
	v9 =	vadd.s32 v54, v9  }
0x2a7: {  	[tilespmem:s20+$0x313] =	vst v1;
	v9 =	vadd.s32 v56, v9;
	(xrf0) =	vadd.scan.msk.s32 $0xffff, v7;
	v7 =	vld [tilespmem:s20+$0x202]  }
0x2a8: {  	[tilespmem:s20+$0xFFFFF9FA] =	vst v1;
	v11 =	vld [tilespmem:s20+$0x303];
	v9 =	vadd.s32 v58, v9  }
0x2a9: {  	[tilespmem:s20+$0x414] =	vst v1;
	v8 =	vadd.s32 v8, v9  }
0x2aa: {  	[tilespmem:s20+$0xFFFFFAFB] =	vst v1;
	v8 =	vadd.s32 v10, v8  }
0x2ab: {  	[tilespmem:s20+$0x303] =	vst v1;
	v9 =	vld [tilespmem:s20+$0x505];
	v8 =	vadd.s32 v60, v8  }
0x2ac: {  	[tilespmem:s20+$0xFFFFFEFF] =	vst v1;
	v7 =	vadd.s32 v7, v8  }
0x2ad: {  	s21 =	simm.s32 $0x191B1;
	[tilespmem:s20+$0x0] =	vst v1;
	v8 =	vadd.s32 v11, v7;
	v7 =	vld [tilespmem:s20+$0x707]  }
0x2ae: {  	[tilespmem:s21+$0x0] =	vst v59;
	v10, _, _ =	vpop (xrf0)  }
0x2af: {  	[tilespmem:s20+$0x505] =	vst v1;
	v10 =	vperm.xlane v10, v4;
	v8 =	vadd.s32 v62, v8  }
0x2b0: {  	[tilespmem:s20+$0x202] =	vst v1;
	v8 =	vadd.s32 v9, v8  }
0x2b1: {  	s19 =	ssub.s32 s19, s26;
	s23 =	simm.s32 $0x0;
	s24 =	simm.s32 $0x18828;
	[tilespmem:s21+$0xFFFFFEE0] =	vst v10;
	v8 =	vadd.s32 v63, v8  }
.LBB2_35:
0x2b2: {  	v9 =	vld [tilespmem:s24+$0xFFFFF808];
	[tilespmem:s24+$0xFFFFF808] =	vst v1;
	v7 =	vadd.s32 v7, v8  }
0x2b3: {  	s23 =	sadd.s32 $0x2, s23;
	v8 =	vld [tilespmem:s24+$0xFFFFF909];
	[tilespmem:s24+$0xFFFFF909] =	vst v1;
	v10 =	vperm.xlane v7, v4  }
0x2b4: {  	p1 =	slt.u32 s23, $0xE;
	v11 =	vld [tilespmem:s24+$0xFFFFFA0A];
	[tilespmem:s24+$0xFFFFFA0A] =	vst v1  }
0x2b5: {  	v12 =	vld [tilespmem:s24+$0xFFFFFB0B];
	[tilespmem:s24+$0xFFFFFB0B] =	vst v1;
	(xrf0) =	vadd.scan.msk.s32 $0xffff, v10  }
0x2b6: {  	v10 =	vld [tilespmem:s24+$0xFFFFFC0C];
	[tilespmem:s24+$0xFFFFFC0C] =	vst v1  }
0x2b7: {  	v13 =	vld [tilespmem:s24+$0xFFFFFD0D];
	[tilespmem:s24+$0xFFFFFD0D] =	vst v1  }
0x2b8: {  	v8 =	vadd.s32 v9, v8;
	v9 =	vld [tilespmem:s24+$0xFFFFFE0E];
	[tilespmem:s24+$0xFFFFFE0E] =	vst v1  }
0x2b9: {  	v8 =	vadd.s32 v11, v8;
	v11 =	vld [tilespmem:s24+$0xFFFFFF0F];
	[tilespmem:s24+$0xFFFFFF0F] =	vst v1  }
0x2ba: {  	v8 =	vadd.s32 v12, v8;
	v12 =	vld [tilespmem:s24+$0x10];
	[tilespmem:s24+$0x10] =	vst v1  }
0x2bb: {  	v8 =	vadd.s32 v10, v8;
	v10 =	vld [tilespmem:s24+$0x111];
	[tilespmem:s24+$0x111] =	vst v1;
	v14, _, _ =	vpop (xrf0)  }
0x2bc: {  	v8 =	vadd.s32 v13, v8;
	v13 =	vld [tilespmem:s24+$0x212];
	[tilespmem:s24+$0x212] =	vst v1;
	v14 =	vperm.xlane v14, v4  }
0x2bd: {  	v8 =	vadd.s32 v9, v8;
	v9 =	vld [tilespmem:s24+$0x313];
	[tilespmem:s24+$0x313] =	vst v1  }
0x2be: {  	v8 =	vadd.s32 v11, v8;
	v11 =	vld [tilespmem:s24+$0x414];
	[tilespmem:s24+$0x414] =	vst v1  }
0x2bf: {  	v8 =	vadd.s32 v12, v8;
	v12 =	vld [tilespmem:s24+$0x515];
	[tilespmem:s20+$0x707] =	vst v1;
	s20 =	smov.u32 s24  }
0x2c0: {  	v8 =	vadd.s32 v10, v8;
	v10 =	vld [tilespmem:s24+$0x616];
	[tilespmem:s21+$0xFFFFFECF] =	vst v14  }
0x2c1: {  	v8 =	vadd.s32 v13, v8;
	v13 =	vld [tilespmem:s24+$0x717];
	[tilespmem:s21+$0xFFFFFFEF] =	vst v7  }
0x2c2: {  	v7 =	vld [tilespmem:s24+$0xFFFFF8F9];
	[tilespmem:s24+$0xFFFFF8F9] =	vst v1;
	v8 =	vadd.s32 v9, v8  }
0x2c3: {  	v9 =	vld [tilespmem:s24+$0xFFFFF7F8];
	[tilespmem:s24+$0xFFFFF7F8] =	vst v1;
	v8 =	vadd.s32 v11, v8  }
0x2c4: {  	v11 =	vld [tilespmem:s24+$0xFFFFF9FA];
	[tilespmem:s24+$0xFFFFF9FA] =	vst v1;
	v8 =	vadd.s32 v12, v8  }
0x2c5: {  	v12 =	vld [tilespmem:s24+$0xFFFFFAFB];
	[tilespmem:s24+$0xFFFFFAFB] =	vst v1;
	v8 =	vadd.s32 v10, v8  }
0x2c6: {  	v10 =	vld [tilespmem:s24+$0xFFFFFBFC];
	[tilespmem:s24+$0xFFFFFBFC] =	vst v1;
	v8 =	vadd.s32 v13, v8  }
0x2c7: {  	v13 =	vld [tilespmem:s24+$0xFFFFFCFD];
	[tilespmem:s24+$0xFFFFFCFD] =	vst v1;
	v14 =	vperm.xlane v8, v4  }
0x2c8: {  	v7 =	vadd.s32 v9, v7;
	v9 =	vld [tilespmem:s24+$0xFFFFFDFE];
	[tilespmem:s24+$0xFFFFFDFE] =	vst v1  }
0x2c9: {  	v7 =	vadd.s32 v11, v7;
	v11 =	vld [tilespmem:s24+$0xFFFFFEFF];
	[tilespmem:s24+$0xFFFFFEFF] =	vst v1;
	(xrf0) =	vadd.scan.msk.s32 $0xffff, v14  }
0x2ca: {  	v7 =	vadd.s32 v12, v7;
	v12 =	vld [tilespmem:s24+$0x0];
	[tilespmem:s24+$0x0] =	vst v1  }
0x2cb: {  	v7 =	vadd.s32 v10, v7;
	v10 =	vld [tilespmem:s24+$0x101];
	[tilespmem:s24+$0x101] =	vst v1  }
0x2cc: {  	v7 =	vadd.s32 v13, v7;
	v13 =	vld [tilespmem:s24+$0x202];
	[tilespmem:s24+$0x202] =	vst v1  }
0x2cd: {  	v7 =	vadd.s32 v9, v7;
	v9 =	vld [tilespmem:s24+$0x303];
	[tilespmem:s24+$0x303] =	vst v1  }
0x2ce: {  	v7 =	vadd.s32 v11, v7;
	v11 =	vld [tilespmem:s24+$0x404];
	[tilespmem:s24+$0x404] =	vst v1  }
0x2cf: {  	v7 =	vadd.s32 v12, v7;
	v12 =	vld [tilespmem:s24+$0x505];
	[tilespmem:s24+$0x515] =	vst v1;
	v14, _, _ =	vpop (xrf0)  }
0x2d0: {  	v7 =	vadd.s32 v10, v7;
	v10 =	vld [tilespmem:s24+$0x606];
	[tilespmem:s24+$0x616] =	vst v1;
	v14 =	vperm.xlane v14, v4  }
.Ltmp19:
0x2d1: {  	s21 =	sadd.s32 $0x22, s21;
	v13 =	vadd.s32 v13, v7;
	v7 =	vld [tilespmem:s24+$0x707];
	[tilespmem:s24+$0x717] =	vst v1;
	(pc) =	sbr.rel @p1 .LBB2_35-.Ltmp19, $4  }
0x2d2: {  	v9 =	vadd.s32 v9, v13;
	[tilespmem:s21+$0xFFFFFEE0] =	vst v14  }
0x2d3: {  	v9 =	vadd.s32 v11, v9;
	[tilespmem:s21+$0x0] =	vst v8  }
0x2d4: {  	v8 =	vadd.s32 v12, v9;
	[tilespmem:s24+$0x505] =	vst v1  }
0x2d5: {  	s24 =	sadd.s32 $0x20, s24;
	v8 =	vadd.s32 v10, v8;
	[tilespmem:s20+$0x606] =	vst v1  }
0x2d6: {  	v7 =	vadd.s32 v7, v8  }
0x2d7: {  	v8 =	vperm.xlane v7, v4;
	_ =	sdelay $0x1  }
0x2d8: {  	(xrf0) =	vadd.scan.msk.s32 $0xffff, v8;
	_ =	sdelay $0x5  }
0x2d9: {  	v8, _, _ =	vpop (xrf0)  }
0x2da: {  	[tilespmem:s20+$0x707] =	vst v1;
	v8 =	vperm.xlane v8, v4  }
0x2db: {  	[tilespmem:s21+$0xFFFFFFEF] =	vst v7  }
0x2dc: {  	[tilespmem:s21+$0xFFFFFECF] =	vst v8  }
0x2dd: {  	v7 =	vld.idx.msk [tilespmem:v5+s12+$0x0], $0xffff;
	_ =	sdelay $0x4  }
0x2de: {  	v8 =	vperm.xlane v7, v4  }
0x2df: {  	s0 =	simm.s32 $0x0  }
0x2e0: {  	(xrf0) =	vadd.scan.msk.s32 $0xffff, v8;
	v8 =	vadd.s32 s0, v5;
	_ =	sdelay $0x3  }
0x2e1: {  	s31 =	simm.s32 $0x1  }
0x2e2: {  	v10 =	vadd.s32 s31, v5;
	v11 =	vld.idx.msk [tilespmem:v8+s12+$0x0], $0xffff  }
0x2e3: {  	v8, _, _ =	vpop (xrf0)  }
0x2e4: {  	v8 =	vperm.xlane v8, v4;
	_ =	sdelay $0x1  }
0x2e5: {  	v9 =	vsub.s32 v8, v7  }
0x2e6: {  	v10 =	vld.idx.msk [tilespmem:v10+s12+$0x0], $0xffff;
	v8 =	vmov s19;
	v7 =	vimm.s32 $0x0;
	s19 =	simm.s32 $0x2;
	v11 =	vadd.s32 v11, v9  }
.LBB2_37:
0x2e7: {  	v12 =	vadd.s32 s19, v5;
	p1 =	sne.s32 s19, $0xF;
	s19 =	sadd.s32 $0x1, s19;
	vm0 =	vge.s32 v11, v8  }
.Ltmp20:
0x2e8: {  	v11 =	vmpcnt.ones.xlane vm0;
	(pc) =	sbr.rel @p1 .LBB2_37-.Ltmp20, $3  }
0x2e9: {  	_ = 	snop  }
0x2ea: {  	v7 =	vadd.s32 v7, v11;
	_ =	sdelay $0x1  }
0x2eb: {  	v11 =	vadd.s32 v10, v9;
	v10 =	vld.idx.msk [tilespmem:v12+s12+$0x0], $0xffff  }
0x2ec: {  	_ =	sdelay $0x3  }
0x2ed: {  	vm0 =	vge.s32 v11, v8;
	v9 =	vadd.s32 v10, v9  }
0x2ee: {  	v10 =	vmpcnt.ones.xlane vm0;
	vm0 =	vge.s32 v9, v8  }
0x2ef: {  	v8 =	vmpcnt.ones.xlane vm0  }
0x2f0: {  	v7 =	vadd.s32 v7, v10  }
0x2f1: {  	v7 =	vadd.s32 v7, v8  }
0x2f2: {  	v7 =	vxor.u32 $0x80000000, v7  }
0x2f3: {  	(xrf0) =	vmax.scan.msk.u32 $0xffff, v7;
	_ =	sdelay $0x5  }
0x2f4: {  	v7, _, _ =	vpop (xrf0)  }
0x2f5: {  	(v2sf) =	vpush v7, $0xF;
	_ =	sdelay $0xe  }
0x2f6: {  	s0 =	spop (v2sf)  }
0x2f7: {  	s3 =	sshll.u32 s22, $0x8;
	s0 =	sadd.s32 $0x7FFFFFFF, s0  }
0x2f8: {  	v8 =	vld [tilespmem:s16+$0x70];
	s0 =	sor.u32 s3, s0  }
0x2f9: {  	v9 =	vld [tilespmem:s16+$0xFFFFFF90];
	v7 =	vmov s0  }
0x2fa: {  	v10 =	vld [tilespmem:s16+$0xFFFFFFA0];
	vm0 =	vgt.s32 v7, $0xFFFFFFFF  }
0x2fb: {  	v11 =	vld [tilespmem:s16+$0xFFFFFFB0];
	v7 =	vsel vm0, $0xFFFFFFFF, v6  }
0x2fc: {  	v12 =	vld [tilespmem:s16+$0xFFFFFFC0];
	v7 =	vxor.u32 s0, v7  }
0x2fd: {  	v13 =	vld [tilespmem:s16+$0xFFFFFFD0];
	vm0 =	vgt.f32 v8, v7  }
0x2fe: {  	v14 =	vld [tilespmem:s16+$0xFFFFFFE0];
	vm1 =	vgt.f32 v9, v7;
	v8 =	vnsel vm0, $0x0, v8  }
0x2ff: {  	v15 =	vld [tilespmem:s16+$0xFFFFFFF0];
	v9 =	vnsel vm1, $0x0, v9;
	vm0 =	vgt.f32 v10, v7;
	[tilespmem:s16+$0x70] =	vst v8  }
0x300: {  	[tilespmem:s16+$0xFFFFFF90] =	vst v9;
	v8 =	vnsel vm0, $0x0, v10;
	vm0 =	vgt.f32 v11, v7;
	v10 =	vld [tilespmem:s16+$0x0]  }
0x301: {  	v16 =	vld [tilespmem:s16+$0x10];
	[tilespmem:s16+$0xFFFFFFA0] =	vst v8;
	v8 =	vnsel vm0, $0x0, v11;
	vm0 =	vgt.f32 v12, v7  }
0x302: {  	[tilespmem:s16+$0xFFFFFFB0] =	vst v8;
	v9 =	vnsel vm0, $0x0, v12;
	vm0 =	vgt.f32 v13, v7;
	v8 =	vld [tilespmem:s16+$0x20]  }
0x303: {  	[tilespmem:s16+$0xFFFFFFC0] =	vst v9;
	v11 =	vnsel vm0, $0x0, v13;
	vm0 =	vgt.f32 v14, v7;
	v9 =	vld [tilespmem:s16+$0x30]  }
0x304: {  	[tilespmem:s16+$0xFFFFFFD0] =	vst v11;
	v12 =	vnsel vm0, $0x0, v14;
	vm0 =	vgt.f32 v15, v7;
	v11 =	vld [tilespmem:s16+$0x40]  }
0x305: {  	v13 =	vld [tilespmem:s16+$0x50];
	[tilespmem:s16+$0xFFFFFFE0] =	vst v12;
	v12 =	vnsel vm0, $0x0, v15;
	vm0 =	vgt.f32 v10, v7  }
0x306: {  	[tilespmem:s16+$0xFFFFFFF0] =	vst v12;
	v14 =	vnsel vm0, $0x0, v10;
	vm0 =	vgt.f32 v16, v7;
	v12 =	vld [tilespmem:s16+$0x60]  }
0x307: {  	s19 =	simm.s32 $0x0;
	s20 =	sadd.s32 $0x100, s16;
	v10 =	vld [tilespmem:s16+$0xFFFFFF80];
	[tilespmem:s16+$0x0] =	vst v14;
	v14 =	vnsel vm0, $0x0, v16;
	vm0 =	vgt.f32 v8, v7  }
.LBB2_39:
0x308: {  	v15 =	vld [tilespmem:s20+$0x70];
	s19 =	sadd.s32 $0x10, s19;
	[tilespmem:s16+$0x10] =	vst v14;
	v8 =	vnsel vm0, $0x0, v8;
	vm0 =	vgt.f32 v9, v7  }
0x309: {  	v14 =	vld [tilespmem:s20+$0xFFFFFF90];
	p1 =	slt.u32 s19, $0x7F0;
	[tilespmem:s16+$0x20] =	vst v8;
	v8 =	vnsel vm0, $0x0, v9;
	vm0 =	vgt.f32 v11, v7  }
0x30a: {  	v9 =	vld [tilespmem:s20+$0xFFFFFFA0];
	[tilespmem:s16+$0x30] =	vst v8;
	v8 =	vnsel vm0, $0x0, v11;
	vm0 =	vgt.f32 v13, v7  }
0x30b: {  	v11 =	vld [tilespmem:s20+$0xFFFFFFB0];
	[tilespmem:s16+$0x40] =	vst v8;
	v8 =	vnsel vm0, $0x0, v13;
	vm0 =	vgt.f32 v12, v7  }
0x30c: {  	v13 =	vld [tilespmem:s20+$0xFFFFFFC0];
	vm1 =	vgt.f32 v10, v7;
	[tilespmem:s16+$0x50] =	vst v8;
	v8 =	vnsel vm0, $0x0, v12  }
0x30d: {  	v12 =	vld [tilespmem:s20+$0xFFFFFFD0];
	vm0 =	vgt.f32 v15, v7;
	v10 =	vnsel vm1, $0x0, v10;
	[tilespmem:s16+$0x60] =	vst v8  }
0x30e: {  	vm1 =	vgt.f32 v14, v7;
	v16 =	vld [tilespmem:s20+$0xFFFFFFE0];
	v8 =	vnsel vm0, $0x0, v15;
	[tilespmem:s16+$0xFFFFFF80] =	vst v10;
	s16 =	smov.u32 s20  }
0x30f: {  	v10 =	vnsel vm1, $0x0, v14;
	vm0 =	vgt.f32 v9, v7;
	v14 =	vld [tilespmem:s20+$0xFFFFFFF0];
	[tilespmem:s20+$0x70] =	vst v8  }
0x310: {  	[tilespmem:s20+$0xFFFFFF90] =	vst v10;
	v8 =	vnsel vm0, $0x0, v9;
	vm0 =	vgt.f32 v11, v7;
	v10 =	vld [tilespmem:s20+$0x0]  }
0x311: {  	[tilespmem:s20+$0xFFFFFFA0] =	vst v8;
	v8 =	vnsel vm0, $0x0, v11;
	vm0 =	vgt.f32 v13, v7;
	v15 =	vld [tilespmem:s20+$0x10]  }
0x312: {  	[tilespmem:s20+$0xFFFFFFB0] =	vst v8;
	v9 =	vnsel vm0, $0x0, v13;
	vm0 =	vgt.f32 v12, v7;
	v8 =	vld [tilespmem:s20+$0x20]  }
.Ltmp21:
0x313: {  	[tilespmem:s20+$0xFFFFFFC0] =	vst v9;
	v11 =	vnsel vm0, $0x0, v12;
	vm0 =	vgt.f32 v16, v7;
	v9 =	vld [tilespmem:s20+$0x30];
	(pc) =	sbr.rel @p1 .LBB2_39-.Ltmp21, $4  }
0x314: {  	[tilespmem:s20+$0xFFFFFFD0] =	vst v11;
	v12 =	vnsel vm0, $0x0, v16;
	vm0 =	vgt.f32 v14, v7;
	v11 =	vld [tilespmem:s20+$0x40]  }
0x315: {  	[tilespmem:s20+$0xFFFFFFE0] =	vst v12;
	v12 =	vnsel vm0, $0x0, v14;
	vm0 =	vgt.f32 v10, v7;
	v13 =	vld [tilespmem:s20+$0x50]  }
0x316: {  	[tilespmem:s20+$0xFFFFFFF0] =	vst v12;
	v14 =	vnsel vm0, $0x0, v10;
	vm0 =	vgt.f32 v15, v7;
	v12 =	vld [tilespmem:s20+$0x60]  }
0x317: {  	s20 =	sadd.s32 $0x100, s20;
	v10 =	vld [tilespmem:s16+$0xFFFFFF80];
	[tilespmem:s16+$0x0] =	vst v14;
	v14 =	vnsel vm0, $0x0, v15;
	vm0 =	vgt.f32 v8, v7  }
0x318: {  	[tilespmem:s16+$0x10] =	vst v14;
	v8 =	vnsel vm0, $0x0, v8;
	vm12 =	vgt.f32 v9, v7  }
0x319: {  	s15 =	sadd.s32 $0x1, s15;
	[tilespmem:s16+$0x20] =	vst v8;
	v8 =	vnsel vm12, $0x0, v9;
	vm13 =	vgt.f32 v11, v7  }
0x31a: {  	p1 =	sne.s32 s15, $0x4;
	[tilespmem:s16+$0x30] =	vst v8;
	v8 =	vnsel vm13, $0x0, v11;
	vm14 =	vgt.f32 v13, v7  }
.Ltmp22:
0x31b: {  	[tilespmem:s16+$0x40] =	vst v8;
	v8 =	vnsel vm14, $0x0, v13;
	vm15 =	vgt.f32 v12, v7;
	(pc) =	sbr.rel @p1 .LBB2_4-.Ltmp22, $4  }
0x31c: {  	vm1 =	vgt.f32 v10, v7;
	[tilespmem:s16+$0x50] =	vst v8;
	v7 =	vnsel vm15, $0x0, v12  }
0x31d: {  	v8 =	vnsel vm1, $0x0, v10;
	[tilespmem:s16+$0x60] =	vst v7  }
0x31e: {  	s0 =	sadd.s32 s18, s6;
	p0 =	por !p0, !p0;
	[tilespmem:s16+$0xFFFFFF80] =	vst v8  }
0x31f: {  	[hbm4b:s0+s8] =	stream.strided.scatter [tilespmem:s17], [sflag:$0x2], $0x8000, s9, s8, $0x38;
	[tilespmem:$0x19300] =	vst v63  }
0x320: {  	s2 =	sadd.s32 $0x1, s2  }
0x321: {  	p0 =	sne.s32 s2, s7  }
.Ltmp23:
0x322: {  	_ = 	snop;
	(pc) =	sbr.rel @p0 .LBB2_1-.Ltmp23, $4  }
0x323: {  	_ = 	snop  }
0x324: {  	_ =	swait.ge [sflag:s14], $0x8000  }
0x325: {  	[sflag:s14] =	ssyncset.done $0x0  }
0x326: {  	[sflag:s14] =	ssyncadd.s32 $0xFFFF8000  }
0x327: {  	_ =	sfence.sel $0x180000  }
0x328: {  	[bflag:$0x0] =	sbarrier.arrive $0xFFFF  }
0x329: {  	_ =	strace $0x90000047  }
0x32a: {  	s0 =	stileid.u32;
	[bflag:$0x2] =	sbarrier.arrive $0xFFFF  }
0x32b: {  	p0 =	sne.s32 s0, $0x0;
	s0 =	rddreg [dreg:$0x2]  }
0x32c: {  	s0 =	sadd.s32 @!p0 $0x100000, s0  }
0x32d: {  	[sflag:s0] =	ssyncadd.tile.s32 @!p0 $0x1;
	_ =	shalt  }
.Lfunc_end2:
_tile_overlayer_lowered:
.L_overlay_start_2:
0x32e: {  	(tag) =	ssettag $0x2  }
0x32f: {  	s0 =	rddreg [dreg:$0x0];
	s2 =	stileid.u32  }
0x330: {  	s1 =	rddreg [dreg:$0x1];
	p0 =	sne.s32 s2, $0x0  }
0x331: {  	s3 =	rddreg [dreg:$0x2];
	[bflag:$0x3] =	sbarrier.arrive $0xFFFF;
	s2 =	simm.s32 @!p0 $0x1C03  }
0x332: {  	[timem:s3], [sflag:s2] =	dma.local @!p0 [hbm:s0], s1  }
0x333: {  	s0 =	simm.s32 @!p0 $0x3  }
0x334: {  	_ =	swait.ge @!p0 [sflag:s0], s1  }
0x335: {  	s1 =	ssub.s32 @!p0 $0x0, s1;
	[sflag:s0] =	ssyncset.done @!p0 $0x0  }
0x336: {  	[sflag:s0] =	ssyncadd.s32 @!p0 s1  }
0x337: {  	[bflag:$0x3] =	sbarrier.arrive $0xFFFF  }
0x338: {  	_ =	shalt  }

</sc_bundles>
